<compile_context>
chip_gen: v7x
topology: tpu7x:2x2x1
jax: 0.10.2.dev20260603
libtpu: 0.0.44.dev20260713+nightly
codegen_flags: <defaults>
</compile_context>

<pallas_src>
import functools

import jax
import jax.numpy as jnp
from jax import lax
from jax.experimental import pallas as pl
from jax.experimental.pallas import tpu as pltpu
from jax.experimental.pallas import tpu_sc as plsc

E = 320000
D = 128
N = 10000
NC = 2
NS = 16
HW = D // NC
EW = E // NS
B = 125
K = EW // B
RZ = 640
NP = NS * RZ
CW = 8
ZB = 80
NZ = RZ // ZB
NZV = (N - (NS - 1) * RZ) // ZB

_mesh = plsc.VectorSubcoreMesh(
    core_axis_name="c", subcore_axis_name="s", num_cores=NC, num_subcores=NS
)


@functools.partial(
    pl.kernel,
    out_type=jax.ShapeDtypeStruct((N, D), jnp.float32),
    mesh=_mesh,
    compiler_params=pltpu.CompilerParams(use_tc_tiling_on_sc=False,
                                         needs_layout_passes=False),
    scratch_types=[
        pltpu.VMEM((B, HW), jnp.float32),
        pltpu.VMEM((B, HW), jnp.float32),
        pltpu.VMEM((1, B), jnp.int32),
        pltpu.VMEM((1, B), jnp.int32),
        pltpu.VMEM((B, CW), jnp.float32),
        pltpu.VMEM((ZB, CW), jnp.float32),
        pltpu.SemaphoreType.DMA,
        pltpu.SemaphoreType.DMA,
        pltpu.SemaphoreType.DMA,
        pltpu.SemaphoreType.DMA,
        pltpu.SemaphoreType.DMA,
        pltpu.VMEM_SHARED((NP, HW), jnp.float32),
        pltpu.VMEM_SHARED((NP, CW), jnp.float32),
    ],
)
def _sc_mean(x_hbm, idx_hbm, ones_hbm, zs_hbm, zc_hbm, out_hbm,
             xbuf0, xbuf1, ibuf0, ibuf1, obuf, cbuf,
             lsem0, lsem1, csem, asemA, asemB, acc, cnt):
    c = lax.axis_index("c")
    s = lax.axis_index("s")
    pltpu.sync_copy(zs_hbm, xbuf0.at[pl.ds(0, ZB)])
    pltpu.sync_copy(zc_hbm, cbuf)
    for j in range(NZ):
        pltpu.async_copy(xbuf0.at[pl.ds(0, ZB)],
                         acc.at[pl.ds(s * RZ + j * ZB, ZB)], asemA)
        pltpu.async_copy(cbuf, cnt.at[pl.ds(s * RZ + j * ZB, ZB)], asemB)
    pltpu.sync_copy(ones_hbm, obuf)
    for j in range(NZ):
        pltpu.make_async_copy(xbuf0.at[pl.ds(0, ZB)],
                              acc.at[pl.ds(s * RZ + j * ZB, ZB)], asemA).wait()
        pltpu.make_async_copy(cbuf, cnt.at[pl.ds(s * RZ + j * ZB, ZB)],
                              asemB).wait()
    plsc.subcore_barrier()

    ebase = s * EW
    bufs = (xbuf0, xbuf1)
    ibufs = (ibuf0, ibuf1)
    lsems = (lsem0, lsem1)

    def fire_load(k, b):
        pltpu.async_copy(
            x_hbm.at[pl.ds(ebase + k * B, B), pl.ds(c * HW, HW)], bufs[b],
            lsems[b])
        pltpu.async_copy(idx_hbm.at[s, k], ibufs[b], lsems[b])

    def wait_load(k, b):
        pltpu.make_async_copy(
            x_hbm.at[pl.ds(ebase + k * B, B), pl.ds(c * HW, HW)], bufs[b],
            lsems[b]).wait()
        pltpu.make_async_copy(idx_hbm.at[s, k], ibufs[b], lsems[b]).wait()

    def fire_cnt(b):
        pltpu.async_copy(obuf, cnt.at[ibufs[b].at[0]], csem, add=True)

    def wait_cnt(b):
        pltpu.make_async_copy(obuf, cnt.at[ibufs[b].at[0]], csem).wait()

    fire_load(0, 0)
    fire_load(1, 1)
    wait_load(0, 0)
    pltpu.sync_copy(xbuf0, acc.at[ibuf0.at[0]], add=True)
    fire_cnt(0)
    fire_load(2, 0)

    def group(g, carry):
        for b, dk in ((1, 1), (0, 2)):
            k = 2 * g + dk
            wait_load(k, b)
            pltpu.sync_copy(bufs[b], acc.at[ibufs[b].at[0]], add=True)
            wait_cnt(1 - b)
            fire_cnt(b)
            fire_load(k + 2, b)
        return carry

    lax.fori_loop(0, K // 2 - 2, group, 0)

    k = K - 3
    wait_load(k, 1)
    pltpu.sync_copy(xbuf1, acc.at[ibuf1.at[0]], add=True)
    wait_cnt(0)
    fire_cnt(1)
    fire_load(K - 1, 1)
    for k in (K - 2, K - 1):
        b = k % 2
        wait_load(k, b)
        pltpu.sync_copy(bufs[b], acc.at[ibufs[b].at[0]], add=True)
        wait_cnt(1 - b)
        fire_cnt(b)
    wait_cnt((K - 1) % 2)

    plsc.subcore_barrier()

    def emit_chunk(j):
        off = s * RZ + j * ZB
        pltpu.sync_copy(acc.at[pl.ds(off, ZB)], xbuf0.at[pl.ds(0, ZB)])
        pltpu.sync_copy(cnt.at[pl.ds(off, ZB)], cbuf)

        def row(r, carry):
            rvec = jnp.full((16,), r, dtype=jnp.int32)
            zvec = jnp.zeros((16,), dtype=jnp.int32)
            cv = jnp.maximum(plsc.load_gather(cbuf, [rvec, zvec]), 1.0)
            for v in range(HW // 16):
                xv = xbuf0[r, pl.ds(v * 16, 16)]
                xbuf0[r, pl.ds(v * 16, 16)] = xv / cv
            return carry

        lax.fori_loop(0, ZB, row, 0)
        pltpu.sync_copy(xbuf0.at[pl.ds(0, ZB)],
                        out_hbm.at[pl.ds(off, ZB), pl.ds(c * HW, HW)])

    for j in range(NZ):
        if j < NZV:
            emit_chunk(j)
        else:
            @pl.when(s < NS - 1)
            def _tail():
                emit_chunk(j)


def kernel(x, index, dim_size):
    del dim_size
    idx3d = index.astype(jnp.int32).reshape(NS, K, 1, B)
    ones = jnp.ones((B, CW), jnp.float32)
    zs = jnp.zeros((ZB, HW), jnp.float32)
    zc = jnp.zeros((ZB, CW), jnp.float32)
    return _sc_mean(x, idx3d, ones, zs, zc)

# --- scband reference (transcript-rebuilt; emitter-appended) ---
"""Pipeline reference for scband-aggregation-28802050687003 (READ-ONLY COPY).

The authoritative reference and input builder live on the scoring server;
editing this copy changes nothing except your own understanding.
"""

import jax, jax.numpy as jnp
import numpy as np

N_EDGES = 320000
D_FEAT = 128
N_NODES = 10000


def setup_inputs(seed: int = 0) -> dict:
    key = jax.random.key(seed)
    k1, k2 = jax.random.split(key)
    x = jax.random.normal(k1, (N_EDGES, D_FEAT), dtype=jnp.float32)
    index = jnp.sort(jax.random.randint(k2, (N_EDGES,), 0, N_NODES, dtype=jnp.int64))
    return {"x": x, "index": index, "dim_size": N_NODES}


def reference(x, index, dim_size):
    # scatter_mean(x, index, dim=-2, dim_size=dim_size)
    sums = jax.ops.segment_sum(x, index, num_segments=N_NODES)
    counts = jax.ops.segment_sum(jnp.ones((x.shape[0],), dtype=x.dtype), index, num_segments=N_NODES)
    counts = jnp.clip(counts, 1.0, None)
    one = (jnp.asarray(dim_size) * 0 + 1).astype(x.dtype)
    return (sums / counts[:, None]) * one

if __name__ == "__main__":
    import jax
    _d = setup_inputs()
    print(jax.jit(kernel)(*tuple(_d.values())))

</pallas_src>

<mosaic_0001>
#map = affine_map<(d0, d1) -> (0, 0)>
#map1 = affine_map<(d0, d1) -> (0, 0, 0, 0)>
module attributes {stable_mosaic.version = 14 : i64} {
  func.func @_sc_mean(%arg0: i32, %arg1: i32, %arg2: memref<320000x128xf32, #tpu.memory_space<hbm>>, %arg3: memref<16x160x1x125xi32, #tpu.memory_space<hbm>>, %arg4: memref<125x8xf32, #tpu.memory_space<hbm>>, %arg5: memref<80x64xf32, #tpu.memory_space<hbm>>, %arg6: memref<80x8xf32, #tpu.memory_space<hbm>>, %arg7: memref<10000x128xf32, #tpu.memory_space<hbm>>, %arg8: memref<125x64xf32, #tpu.memory_space<vmem>>, %arg9: memref<125x64xf32, #tpu.memory_space<vmem>>, %arg10: memref<1x125xi32, #tpu.memory_space<vmem>>, %arg11: memref<1x125xi32, #tpu.memory_space<vmem>>, %arg12: memref<125x8xf32, #tpu.memory_space<vmem>>, %arg13: memref<80x8xf32, #tpu.memory_space<vmem>>, %arg14: memref<!tpu.dma_semaphore, #tpu.memory_space<semaphore_mem>>, %arg15: memref<!tpu.dma_semaphore, #tpu.memory_space<semaphore_mem>>, %arg16: memref<!tpu.dma_semaphore, #tpu.memory_space<semaphore_mem>>, %arg17: memref<!tpu.dma_semaphore, #tpu.memory_space<semaphore_mem>>, %arg18: memref<!tpu.dma_semaphore, #tpu.memory_space<semaphore_mem>>, %arg19: memref<10240x64xf32, #tpu.memory_space<vmem_shared>>, %arg20: memref<10240x8xf32, #tpu.memory_space<vmem_shared>>) attributes {dimension_semantics = [#tpu.dimension_semantics<core_parallel>, #tpu.dimension_semantics<subcore_parallel>], iteration_bounds = array<i64: 2, 16>, scalar_prefetch = 0 : i64, scratch_operands = 13 : i64, tpu.core_type = #tpu.core_type<sc_vector_subcore>, window_params = [{transform_indices = #map}, {transform_indices = #map1}, {transform_indices = #map}, {transform_indices = #map}, {transform_indices = #map}, {transform_indices = #map}]} {
    "tpu.region"() ({
      %run_scoped3A_607 = tpu.sem_alloc : memref<!tpu.dma_semaphore, #tpu.memory_space<semaphore_mem>>
      %dma_start3A_608 = arith.constant 0 : i32
      %dma_start3A_609 = arith.constant 0 : i32
      %dma_start3A_610 = tpu.memref_slice %arg8[%dma_start3A_608, %dma_start3A_609] : memref<125x64xf32, #tpu.memory_space<vmem>> -> memref<80x64xf32, #tpu.memory_space<vmem>>
      %dma_start3A_611 = arith.constant 0 : i32
      %dma_start3A_612 = arith.constant 0 : i32
      %dma_start3A_613 = tpu.memref_slice %arg8[%dma_start3A_611, %dma_start3A_612] : memref<125x64xf32, #tpu.memory_space<vmem>> -> memref<80x64xf32, #tpu.memory_space<vmem>>
      tpu.enqueue_dma source(%arg5 : memref<80x64xf32, #tpu.memory_space<hbm>>) target(%dma_start3A_613 : memref<80x64xf32, #tpu.memory_space<vmem>>) target_semaphore(%run_scoped3A_607 : memref<!tpu.dma_semaphore, #tpu.memory_space<semaphore_mem>>)
      %dma_wait3A_614 = arith.constant 0 : i32
      %dma_wait3A_615 = arith.constant 0 : i32
      %dma_wait3A_616 = tpu.memref_slice %arg8[%dma_wait3A_614, %dma_wait3A_615] : memref<125x64xf32, #tpu.memory_space<vmem>> -> memref<80x64xf32, #tpu.memory_space<vmem>>
      %dma_wait3A_617 = arith.constant 0 : i32
      %dma_wait3A_618 = arith.constant 0 : i32
      %dma_wait3A_619 = tpu.memref_slice %arg8[%dma_wait3A_617, %dma_wait3A_618] : memref<125x64xf32, #tpu.memory_space<vmem>> -> memref<80x64xf32, #tpu.memory_space<vmem>>
      tpu.wait_dma2 semaphore(%run_scoped3A_607 : memref<!tpu.dma_semaphore, #tpu.memory_space<semaphore_mem>>) src(%arg5 : memref<80x64xf32, #tpu.memory_space<hbm>>) dst(%dma_wait3A_619 : memref<80x64xf32, #tpu.memory_space<vmem>>)
      tpu.yield
    }) : () -> ()
    "tpu.region"() ({
      %run_scoped3A_607 = tpu.sem_alloc : memref<!tpu.dma_semaphore, #tpu.memory_space<semaphore_mem>>
      tpu.enqueue_dma source(%arg6 : memref<80x8xf32, #tpu.memory_space<hbm>>) target(%arg13 : memref<80x8xf32, #tpu.memory_space<vmem>>) target_semaphore(%run_scoped3A_607 : memref<!tpu.dma_semaphore, #tpu.memory_space<semaphore_mem>>)
      tpu.wait_dma2 semaphore(%run_scoped3A_607 : memref<!tpu.dma_semaphore, #tpu.memory_space<semaphore_mem>>) src(%arg6 : memref<80x8xf32, #tpu.memory_space<hbm>>) dst(%arg13 : memref<80x8xf32, #tpu.memory_space<vmem>>)
      tpu.yield
    }) : () -> ()
    %mul3A = arith.constant 640 : i32
    %mul3A_0 = arith.muli %arg1, %mul3A : i32
    %add3A = arith.constant 0 : i32
    %add3A_1 = arith.addi %mul3A_0, %add3A : i32
    %dma_start3A = arith.constant 0 : i32
    %dma_start3A_2 = arith.constant 0 : i32
    %dma_start3A_3 = tpu.memref_slice %arg8[%dma_start3A, %dma_start3A_2] : memref<125x64xf32, #tpu.memory_space<vmem>> -> memref<80x64xf32, #tpu.memory_space<vmem>>
    %dma_start3A_4 = arith.constant 0 : i32
    %dma_start3A_5 = tpu.memref_slice %arg19[%add3A_1, %dma_start3A_4] : memref<10240x64xf32, #tpu.memory_space<vmem_shared>> -> memref<80x64xf32, #tpu.memory_space<vmem_shared>>
    %dma_start3A_6 = arith.constant 0 : i32
    %dma_start3A_7 = tpu.memref_slice %arg19[%add3A_1, %dma_start3A_6] : memref<10240x64xf32, #tpu.memory_space<vmem_shared>> -> memref<80x64xf32, #tpu.memory_space<vmem_shared>>
    %dma_start3A_8 = arith.constant 0 : i32
    %dma_start3A_9 = arith.constant 0 : i32
    %dma_start3A_10 = tpu.memref_slice %arg8[%dma_start3A_8, %dma_start3A_9] : memref<125x64xf32, #tpu.memory_space<vmem>> -> memref<80x64xf32, #tpu.memory_space<vmem>>
    tpu.enqueue_dma source(%dma_start3A_10 : memref<80x64xf32, #tpu.memory_space<vmem>>) target(%dma_start3A_7 : memref<80x64xf32, #tpu.memory_space<vmem_shared>>) target_semaphore(%arg17 : memref<!tpu.dma_semaphore, #tpu.memory_space<semaphore_mem>>)
    %mul3A_11 = arith.constant 640 : i32
    %mul3A_12 = arith.muli %arg1, %mul3A_11 : i32
    %add3A_13 = arith.constant 0 : i32
    %add3A_14 = arith.addi %mul3A_12, %add3A_13 : i32
    %dma_start3A_15 = arith.constant 0 : i32
    %dma_start3A_16 = tpu.memref_slice %arg20[%add3A_14, %dma_start3A_15] : memref<10240x8xf32, #tpu.memory_space<vmem_shared>> -> memref<80x8xf32, #tpu.memory_space<vmem_shared>>
    %dma_start3A_17 = arith.constant 0 : i32
    %dma_start3A_18 = tpu.memref_slice %arg20[%add3A_14, %dma_start3A_17] : memref<10240x8xf32, #tpu.memory_space<vmem_shared>> -> memref<80x8xf32, #tpu.memory_space<vmem_shared>>
    tpu.enqueue_dma source(%arg13 : memref<80x8xf32, #tpu.memory_space<vmem>>) target(%dma_start3A_18 : memref<80x8xf32, #tpu.memory_space<vmem_shared>>) target_semaphore(%arg18 : memref<!tpu.dma_semaphore, #tpu.memory_space<semaphore_mem>>)
    %mul3A_19 = arith.constant 640 : i32
    %mul3A_20 = arith.muli %arg1, %mul3A_19 : i32
    %add3A_21 = arith.constant 80 : i32
    %add3A_22 = arith.addi %mul3A_20, %add3A_21 : i32
    %dma_start3A_23 = arith.constant 0 : i32
    %dma_start3A_24 = arith.constant 0 : i32
    %dma_start3A_25 = tpu.memref_slice %arg8[%dma_start3A_23, %dma_start3A_24] : memref<125x64xf32, #tpu.memory_space<vmem>> -> memref<80x64xf32, #tpu.memory_space<vmem>>
    %dma_start3A_26 = arith.constant 0 : i32
    %dma_start3A_27 = tpu.memref_slice %arg19[%add3A_22, %dma_start3A_26] : memref<10240x64xf32, #tpu.memory_space<vmem_shared>> -> memref<80x64xf32, #tpu.memory_space<vmem_shared>>
    %dma_start3A_28 = arith.constant 0 : i32
    %dma_start3A_29 = tpu.memref_slice %arg19[%add3A_22, %dma_start3A_28] : memref<10240x64xf32, #tpu.memory_space<vmem_shared>> -> memref<80x64xf32, #tpu.memory_space<vmem_shared>>
    %dma_start3A_30 = arith.constant 0 : i32
    %dma_start3A_31 = arith.constant 0 : i32
    %dma_start3A_32 = tpu.memref_slice %arg8[%dma_start3A_30, %dma_start3A_31] : memref<125x64xf32, #tpu.memory_space<vmem>> -> memref<80x64xf32, #tpu.memory_space<vmem>>
    tpu.enqueue_dma source(%dma_start3A_32 : memref<80x64xf32, #tpu.memory_space<vmem>>) target(%dma_start3A_29 : memref<80x64xf32, #tpu.memory_space<vmem_shared>>) target_semaphore(%arg17 : memref<!tpu.dma_semaphore, #tpu.memory_space<semaphore_mem>>)
    %mul3A_33 = arith.constant 640 : i32
    %mul3A_34 = arith.muli %arg1, %mul3A_33 : i32
    %add3A_35 = arith.constant 80 : i32
    %add3A_36 = arith.addi %mul3A_34, %add3A_35 : i32
    %dma_start3A_37 = arith.constant 0 : i32
    %dma_start3A_38 = tpu.memref_slice %arg20[%add3A_36, %dma_start3A_37] : memref<10240x8xf32, #tpu.memory_space<vmem_shared>> -> memref<80x8xf32, #tpu.memory_space<vmem_shared>>
    %dma_start3A_39 = arith.constant 0 : i32
    %dma_start3A_40 = tpu.memref_slice %arg20[%add3A_36, %dma_start3A_39] : memref<10240x8xf32, #tpu.memory_space<vmem_shared>> -> memref<80x8xf32, #tpu.memory_space<vmem_shared>>
    tpu.enqueue_dma source(%arg13 : memref<80x8xf32, #tpu.memory_space<vmem>>) target(%dma_start3A_40 : memref<80x8xf32, #tpu.memory_space<vmem_shared>>) target_semaphore(%arg18 : memref<!tpu.dma_semaphore, #tpu.memory_space<semaphore_mem>>)
    %mul3A_41 = arith.constant 640 : i32
    %mul3A_42 = arith.muli %arg1, %mul3A_41 : i32
    %add3A_43 = arith.constant 160 : i32
    %add3A_44 = arith.addi %mul3A_42, %add3A_43 : i32
    %dma_start3A_45 = arith.constant 0 : i32
    %dma_start3A_46 = arith.constant 0 : i32
    %dma_start3A_47 = tpu.memref_slice %arg8[%dma_start3A_45, %dma_start3A_46] : memref<125x64xf32, #tpu.memory_space<vmem>> -> memref<80x64xf32, #tpu.memory_space<vmem>>
    %dma_start3A_48 = arith.constant 0 : i32
    %dma_start3A_49 = tpu.memref_slice %arg19[%add3A_44, %dma_start3A_48] : memref<10240x64xf32, #tpu.memory_space<vmem_shared>> -> memref<80x64xf32, #tpu.memory_space<vmem_shared>>
    %dma_start3A_50 = arith.constant 0 : i32
    %dma_start3A_51 = tpu.memref_slice %arg19[%add3A_44, %dma_start3A_50] : memref<10240x64xf32, #tpu.memory_space<vmem_shared>> -> memref<80x64xf32, #tpu.memory_space<vmem_shared>>
    %dma_start3A_52 = arith.constant 0 : i32
    %dma_start3A_53 = arith.constant 0 : i32
    %dma_start3A_54 = tpu.memref_slice %arg8[%dma_start3A_52, %dma_start3A_53] : memref<125x64xf32, #tpu.memory_space<vmem>> -> memref<80x64xf32, #tpu.memory_space<vmem>>
    tpu.enqueue_dma source(%dma_start3A_54 : memref<80x64xf32, #tpu.memory_space<vmem>>) target(%dma_start3A_51 : memref<80x64xf32, #tpu.memory_space<vmem_shared>>) target_semaphore(%arg17 : memref<!tpu.dma_semaphore, #tpu.memory_space<semaphore_mem>>)
    %mul3A_55 = arith.constant 640 : i32
    %mul3A_56 = arith.muli %arg1, %mul3A_55 : i32
    %add3A_57 = arith.constant 160 : i32
    %add3A_58 = arith.addi %mul3A_56, %add3A_57 : i32
    %dma_start3A_59 = arith.constant 0 : i32
    %dma_start3A_60 = tpu.memref_slice %arg20[%add3A_58, %dma_start3A_59] : memref<10240x8xf32, #tpu.memory_space<vmem_shared>> -> memref<80x8xf32, #tpu.memory_space<vmem_shared>>
    %dma_start3A_61 = arith.constant 0 : i32
    %dma_start3A_62 = tpu.memref_slice %arg20[%add3A_58, %dma_start3A_61] : memref<10240x8xf32, #tpu.memory_space<vmem_shared>> -> memref<80x8xf32, #tpu.memory_space<vmem_shared>>
    tpu.enqueue_dma source(%arg13 : memref<80x8xf32, #tpu.memory_space<vmem>>) target(%dma_start3A_62 : memref<80x8xf32, #tpu.memory_space<vmem_shared>>) target_semaphore(%arg18 : memref<!tpu.dma_semaphore, #tpu.memory_space<semaphore_mem>>)
    %mul3A_63 = arith.constant 640 : i32
    %mul3A_64 = arith.muli %arg1, %mul3A_63 : i32
    %add3A_65 = arith.constant 240 : i32
    %add3A_66 = arith.addi %mul3A_64, %add3A_65 : i32
    %dma_start3A_67 = arith.constant 0 : i32
    %dma_start3A_68 = arith.constant 0 : i32
    %dma_start3A_69 = tpu.memref_slice %arg8[%dma_start3A_67, %dma_start3A_68] : memref<125x64xf32, #tpu.memory_space<vmem>> -> memref<80x64xf32, #tpu.memory_space<vmem>>
    %dma_start3A_70 = arith.constant 0 : i32
    %dma_start3A_71 = tpu.memref_slice %arg19[%add3A_66, %dma_start3A_70] : memref<10240x64xf32, #tpu.memory_space<vmem_shared>> -> memref<80x64xf32, #tpu.memory_space<vmem_shared>>
    %dma_start3A_72 = arith.constant 0 : i32
    %dma_start3A_73 = tpu.memref_slice %arg19[%add3A_66, %dma_start3A_72] : memref<10240x64xf32, #tpu.memory_space<vmem_shared>> -> memref<80x64xf32, #tpu.memory_space<vmem_shared>>
    %dma_start3A_74 = arith.constant 0 : i32
    %dma_start3A_75 = arith.constant 0 : i32
    %dma_start3A_76 = tpu.memref_slice %arg8[%dma_start3A_74, %dma_start3A_75] : memref<125x64xf32, #tpu.memory_space<vmem>> -> memref<80x64xf32, #tpu.memory_space<vmem>>
    tpu.enqueue_dma source(%dma_start3A_76 : memref<80x64xf32, #tpu.memory_space<vmem>>) target(%dma_start3A_73 : memref<80x64xf32, #tpu.memory_space<vmem_shared>>) target_semaphore(%arg17 : memref<!tpu.dma_semaphore, #tpu.memory_space<semaphore_mem>>)
    %mul3A_77 = arith.constant 640 : i32
    %mul3A_78 = arith.muli %arg1, %mul3A_77 : i32
    %add3A_79 = arith.constant 240 : i32
    %add3A_80 = arith.addi %mul3A_78, %add3A_79 : i32
    %dma_start3A_81 = arith.constant 0 : i32
    %dma_start3A_82 = tpu.memref_slice %arg20[%add3A_80, %dma_start3A_81] : memref<10240x8xf32, #tpu.memory_space<vmem_shared>> -> memref<80x8xf32, #tpu.memory_space<vmem_shared>>
    %dma_start3A_83 = arith.constant 0 : i32
    %dma_start3A_84 = tpu.memref_slice %arg20[%add3A_80, %dma_start3A_83] : memref<10240x8xf32, #tpu.memory_space<vmem_shared>> -> memref<80x8xf32, #tpu.memory_space<vmem_shared>>
    tpu.enqueue_dma source(%arg13 : memref<80x8xf32, #tpu.memory_space<vmem>>) target(%dma_start3A_84 : memref<80x8xf32, #tpu.memory_space<vmem_shared>>) target_semaphore(%arg18 : memref<!tpu.dma_semaphore, #tpu.memory_space<semaphore_mem>>)
    %mul3A_85 = arith.constant 640 : i32
    %mul3A_86 = arith.muli %arg1, %mul3A_85 : i32
    %add3A_87 = arith.constant 320 : i32
    %add3A_88 = arith.addi %mul3A_86, %add3A_87 : i32
    %dma_start3A_89 = arith.constant 0 : i32
    %dma_start3A_90 = arith.constant 0 : i32
    %dma_start3A_91 = tpu.memref_slice %arg8[%dma_start3A_89, %dma_start3A_90] : memref<125x64xf32, #tpu.memory_space<vmem>> -> memref<80x64xf32, #tpu.memory_space<vmem>>
    %dma_start3A_92 = arith.constant 0 : i32
    %dma_start3A_93 = tpu.memref_slice %arg19[%add3A_88, %dma_start3A_92] : memref<10240x64xf32, #tpu.memory_space<vmem_shared>> -> memref<80x64xf32, #tpu.memory_space<vmem_shared>>
    %dma_start3A_94 = arith.constant 0 : i32
    %dma_start3A_95 = tpu.memref_slice %arg19[%add3A_88, %dma_start3A_94] : memref<10240x64xf32, #tpu.memory_space<vmem_shared>> -> memref<80x64xf32, #tpu.memory_space<vmem_shared>>
    %dma_start3A_96 = arith.constant 0 : i32
    %dma_start3A_97 = arith.constant 0 : i32
    %dma_start3A_98 = tpu.memref_slice %arg8[%dma_start3A_96, %dma_start3A_97] : memref<125x64xf32, #tpu.memory_space<vmem>> -> memref<80x64xf32, #tpu.memory_space<vmem>>
    tpu.enqueue_dma source(%dma_start3A_98 : memref<80x64xf32, #tpu.memory_space<vmem>>) target(%dma_start3A_95 : memref<80x64xf32, #tpu.memory_space<vmem_shared>>) target_semaphore(%arg17 : memref<!tpu.dma_semaphore, #tpu.memory_space<semaphore_mem>>)
    %mul3A_99 = arith.constant 640 : i32
    %mul3A_100 = arith.muli %arg1, %mul3A_99 : i32
    %add3A_101 = arith.constant 320 : i32
    %add3A_102 = arith.addi %mul3A_100, %add3A_101 : i32
    %dma_start3A_103 = arith.constant 0 : i32
    %dma_start3A_104 = tpu.memref_slice %arg20[%add3A_102, %dma_start3A_103] : memref<10240x8xf32, #tpu.memory_space<vmem_shared>> -> memref<80x8xf32, #tpu.memory_space<vmem_shared>>
    %dma_start3A_105 = arith.constant 0 : i32
    %dma_start3A_106 = tpu.memref_slice %arg20[%add3A_102, %dma_start3A_105] : memref<10240x8xf32, #tpu.memory_space<vmem_shared>> -> memref<80x8xf32, #tpu.memory_space<vmem_shared>>
    tpu.enqueue_dma source(%arg13 : memref<80x8xf32, #tpu.memory_space<vmem>>) target(%dma_start3A_106 : memref<80x8xf32, #tpu.memory_space<vmem_shared>>) target_semaphore(%arg18 : memref<!tpu.dma_semaphore, #tpu.memory_space<semaphore_mem>>)
    %mul3A_107 = arith.constant 640 : i32
    %mul3A_108 = arith.muli %arg1, %mul3A_107 : i32
    %add3A_109 = arith.constant 400 : i32
    %add3A_110 = arith.addi %mul3A_108, %add3A_109 : i32
    %dma_start3A_111 = arith.constant 0 : i32
    %dma_start3A_112 = arith.constant 0 : i32
    %dma_start3A_113 = tpu.memref_slice %arg8[%dma_start3A_111, %dma_start3A_112] : memref<125x64xf32, #tpu.memory_space<vmem>> -> memref<80x64xf32, #tpu.memory_space<vmem>>
    %dma_start3A_114 = arith.constant 0 : i32
    %dma_start3A_115 = tpu.memref_slice %arg19[%add3A_110, %dma_start3A_114] : memref<10240x64xf32, #tpu.memory_space<vmem_shared>> -> memref<80x64xf32, #tpu.memory_space<vmem_shared>>
    %dma_start3A_116 = arith.constant 0 : i32
    %dma_start3A_117 = tpu.memref_slice %arg19[%add3A_110, %dma_start3A_116] : memref<10240x64xf32, #tpu.memory_space<vmem_shared>> -> memref<80x64xf32, #tpu.memory_space<vmem_shared>>
    %dma_start3A_118 = arith.constant 0 : i32
    %dma_start3A_119 = arith.constant 0 : i32
    %dma_start3A_120 = tpu.memref_slice %arg8[%dma_start3A_118, %dma_start3A_119] : memref<125x64xf32, #tpu.memory_space<vmem>> -> memref<80x64xf32, #tpu.memory_space<vmem>>
    tpu.enqueue_dma source(%dma_start3A_120 : memref<80x64xf32, #tpu.memory_space<vmem>>) target(%dma_start3A_117 : memref<80x64xf32, #tpu.memory_space<vmem_shared>>) target_semaphore(%arg17 : memref<!tpu.dma_semaphore, #tpu.memory_space<semaphore_mem>>)
    %mul3A_121 = arith.constant 640 : i32
    %mul3A_122 = arith.muli %arg1, %mul3A_121 : i32
    %add3A_123 = arith.constant 400 : i32
    %add3A_124 = arith.addi %mul3A_122, %add3A_123 : i32
    %dma_start3A_125 = arith.constant 0 : i32
    %dma_start3A_126 = tpu.memref_slice %arg20[%add3A_124, %dma_start3A_125] : memref<10240x8xf32, #tpu.memory_space<vmem_shared>> -> memref<80x8xf32, #tpu.memory_space<vmem_shared>>
    %dma_start3A_127 = arith.constant 0 : i32
    %dma_start3A_128 = tpu.memref_slice %arg20[%add3A_124, %dma_start3A_127] : memref<10240x8xf32, #tpu.memory_space<vmem_shared>> -> memref<80x8xf32, #tpu.memory_space<vmem_shared>>
    tpu.enqueue_dma source(%arg13 : memref<80x8xf32, #tpu.memory_space<vmem>>) target(%dma_start3A_128 : memref<80x8xf32, #tpu.memory_space<vmem_shared>>) target_semaphore(%arg18 : memref<!tpu.dma_semaphore, #tpu.memory_space<semaphore_mem>>)
    %mul3A_129 = arith.constant 640 : i32
    %mul3A_130 = arith.muli %arg1, %mul3A_129 : i32
    %add3A_131 = arith.constant 480 : i32
    %add3A_132 = arith.addi %mul3A_130, %add3A_131 : i32
    %dma_start3A_133 = arith.constant 0 : i32
    %dma_start3A_134 = arith.constant 0 : i32
    %dma_start3A_135 = tpu.memref_slice %arg8[%dma_start3A_133, %dma_start3A_134] : memref<125x64xf32, #tpu.memory_space<vmem>> -> memref<80x64xf32, #tpu.memory_space<vmem>>
    %dma_start3A_136 = arith.constant 0 : i32
    %dma_start3A_137 = tpu.memref_slice %arg19[%add3A_132, %dma_start3A_136] : memref<10240x64xf32, #tpu.memory_space<vmem_shared>> -> memref<80x64xf32, #tpu.memory_space<vmem_shared>>
    %dma_start3A_138 = arith.constant 0 : i32
    %dma_start3A_139 = tpu.memref_slice %arg19[%add3A_132, %dma_start3A_138] : memref<10240x64xf32, #tpu.memory_space<vmem_shared>> -> memref<80x64xf32, #tpu.memory_space<vmem_shared>>
    %dma_start3A_140 = arith.constant 0 : i32
    %dma_start3A_141 = arith.constant 0 : i32
    %dma_start3A_142 = tpu.memref_slice %arg8[%dma_start3A_140, %dma_start3A_141] : memref<125x64xf32, #tpu.memory_space<vmem>> -> memref<80x64xf32, #tpu.memory_space<vmem>>
    tpu.enqueue_dma source(%dma_start3A_142 : memref<80x64xf32, #tpu.memory_space<vmem>>) target(%dma_start3A_139 : memref<80x64xf32, #tpu.memory_space<vmem_shared>>) target_semaphore(%arg17 : memref<!tpu.dma_semaphore, #tpu.memory_space<semaphore_mem>>)
    %mul3A_143 = arith.constant 640 : i32
    %mul3A_144 = arith.muli %arg1, %mul3A_143 : i32
    %add3A_145 = arith.constant 480 : i32
    %add3A_146 = arith.addi %mul3A_144, %add3A_145 : i32
    %dma_start3A_147 = arith.constant 0 : i32
    %dma_start3A_148 = tpu.memref_slice %arg20[%add3A_146, %dma_start3A_147] : memref<10240x8xf32, #tpu.memory_space<vmem_shared>> -> memref<80x8xf32, #tpu.memory_space<vmem_shared>>
    %dma_start3A_149 = arith.constant 0 : i32
    %dma_start3A_150 = tpu.memref_slice %arg20[%add3A_146, %dma_start3A_149] : memref<10240x8xf32, #tpu.memory_space<vmem_shared>> -> memref<80x8xf32, #tpu.memory_space<vmem_shared>>
    tpu.enqueue_dma source(%arg13 : memref<80x8xf32, #tpu.memory_space<vmem>>) target(%dma_start3A_150 : memref<80x8xf32, #tpu.memory_space<vmem_shared>>) target_semaphore(%arg18 : memref<!tpu.dma_semaphore, #tpu.memory_space<semaphore_mem>>)
    %mul3A_151 = arith.constant 640 : i32
    %mul3A_152 = arith.muli %arg1, %mul3A_151 : i32
    %add3A_153 = arith.constant 560 : i32
    %add3A_154 = arith.addi %mul3A_152, %add3A_153 : i32
    %dma_start3A_155 = arith.constant 0 : i32
    %dma_start3A_156 = arith.constant 0 : i32
    %dma_start3A_157 = tpu.memref_slice %arg8[%dma_start3A_155, %dma_start3A_156] : memref<125x64xf32, #tpu.memory_space<vmem>> -> memref<80x64xf32, #tpu.memory_space<vmem>>
    %dma_start3A_158 = arith.constant 0 : i32
    %dma_start3A_159 = tpu.memref_slice %arg19[%add3A_154, %dma_start3A_158] : memref<10240x64xf32, #tpu.memory_space<vmem_shared>> -> memref<80x64xf32, #tpu.memory_space<vmem_shared>>
    %dma_start3A_160 = arith.constant 0 : i32
    %dma_start3A_161 = tpu.memref_slice %arg19[%add3A_154, %dma_start3A_160] : memref<10240x64xf32, #tpu.memory_space<vmem_shared>> -> memref<80x64xf32, #tpu.memory_space<vmem_shared>>
    %dma_start3A_162 = arith.constant 0 : i32
    %dma_start3A_163 = arith.constant 0 : i32
    %dma_start3A_164 = tpu.memref_slice %arg8[%dma_start3A_162, %dma_start3A_163] : memref<125x64xf32, #tpu.memory_space<vmem>> -> memref<80x64xf32, #tpu.memory_space<vmem>>
    tpu.enqueue_dma source(%dma_start3A_164 : memref<80x64xf32, #tpu.memory_space<vmem>>) target(%dma_start3A_161 : memref<80x64xf32, #tpu.memory_space<vmem_shared>>) target_semaphore(%arg17 : memref<!tpu.dma_semaphore, #tpu.memory_space<semaphore_mem>>)
    %mul3A_165 = arith.constant 640 : i32
    %mul3A_166 = arith.muli %arg1, %mul3A_165 : i32
    %add3A_167 = arith.constant 560 : i32
    %add3A_168 = arith.addi %mul3A_166, %add3A_167 : i32
    %dma_start3A_169 = arith.constant 0 : i32
    %dma_start3A_170 = tpu.memref_slice %arg20[%add3A_168, %dma_start3A_169] : memref<10240x8xf32, #tpu.memory_space<vmem_shared>> -> memref<80x8xf32, #tpu.memory_space<vmem_shared>>
    %dma_start3A_171 = arith.constant 0 : i32
    %dma_start3A_172 = tpu.memref_slice %arg20[%add3A_168, %dma_start3A_171] : memref<10240x8xf32, #tpu.memory_space<vmem_shared>> -> memref<80x8xf32, #tpu.memory_space<vmem_shared>>
    tpu.enqueue_dma source(%arg13 : memref<80x8xf32, #tpu.memory_space<vmem>>) target(%dma_start3A_172 : memref<80x8xf32, #tpu.memory_space<vmem_shared>>) target_semaphore(%arg18 : memref<!tpu.dma_semaphore, #tpu.memory_space<semaphore_mem>>)
    "tpu.region"() ({
      %run_scoped3A_607 = tpu.sem_alloc : memref<!tpu.dma_semaphore, #tpu.memory_space<semaphore_mem>>
      tpu.enqueue_dma source(%arg4 : memref<125x8xf32, #tpu.memory_space<hbm>>) target(%arg12 : memref<125x8xf32, #tpu.memory_space<vmem>>) target_semaphore(%run_scoped3A_607 : memref<!tpu.dma_semaphore, #tpu.memory_space<semaphore_mem>>)
      tpu.wait_dma2 semaphore(%run_scoped3A_607 : memref<!tpu.dma_semaphore, #tpu.memory_space<semaphore_mem>>) src(%arg4 : memref<125x8xf32, #tpu.memory_space<hbm>>) dst(%arg12 : memref<125x8xf32, #tpu.memory_space<vmem>>)
      tpu.yield
    }) : () -> ()
    %mul3A_173 = arith.constant 640 : i32
    %mul3A_174 = arith.muli %arg1, %mul3A_173 : i32
    %add3A_175 = arith.constant 0 : i32
    %add3A_176 = arith.addi %mul3A_174, %add3A_175 : i32
    %dma_wait3A = arith.constant 0 : i32
    %dma_wait3A_177 = arith.constant 0 : i32
    %dma_wait3A_178 = tpu.memref_slice %arg8[%dma_wait3A, %dma_wait3A_177] : memref<125x64xf32, #tpu.memory_space<vmem>> -> memref<80x64xf32, #tpu.memory_space<vmem>>
    %dma_wait3A_179 = arith.constant 0 : i32
    %dma_wait3A_180 = tpu.memref_slice %arg19[%add3A_176, %dma_wait3A_179] : memref<10240x64xf32, #tpu.memory_space<vmem_shared>> -> memref<80x64xf32, #tpu.memory_space<vmem_shared>>
    %dma_wait3A_181 = arith.constant 0 : i32
    %dma_wait3A_182 = tpu.memref_slice %arg19[%add3A_176, %dma_wait3A_181] : memref<10240x64xf32, #tpu.memory_space<vmem_shared>> -> memref<80x64xf32, #tpu.memory_space<vmem_shared>>
    %dma_wait3A_183 = arith.constant 0 : i32
    %dma_wait3A_184 = arith.constant 0 : i32
    %dma_wait3A_185 = tpu.memref_slice %arg8[%dma_wait3A_183, %dma_wait3A_184] : memref<125x64xf32, #tpu.memory_space<vmem>> -> memref<80x64xf32, #tpu.memory_space<vmem>>
    tpu.wait_dma2 semaphore(%arg17 : memref<!tpu.dma_semaphore, #tpu.memory_space<semaphore_mem>>) src(%dma_wait3A_185 : memref<80x64xf32, #tpu.memory_space<vmem>>) dst(%dma_wait3A_182 : memref<80x64xf32, #tpu.memory_space<vmem_shared>>)
    %mul3A_186 = arith.constant 640 : i32
    %mul3A_187 = arith.muli %arg1, %mul3A_186 : i32
    %add3A_188 = arith.constant 0 : i32
    %add3A_189 = arith.addi %mul3A_187, %add3A_188 : i32
    %dma_wait3A_190 = arith.constant 0 : i32
    %dma_wait3A_191 = tpu.memref_slice %arg20[%add3A_189, %dma_wait3A_190] : memref<10240x8xf32, #tpu.memory_space<vmem_shared>> -> memref<80x8xf32, #tpu.memory_space<vmem_shared>>
    %dma_wait3A_192 = arith.constant 0 : i32
    %dma_wait3A_193 = tpu.memref_slice %arg20[%add3A_189, %dma_wait3A_192] : memref<10240x8xf32, #tpu.memory_space<vmem_shared>> -> memref<80x8xf32, #tpu.memory_space<vmem_shared>>
    tpu.wait_dma2 semaphore(%arg18 : memref<!tpu.dma_semaphore, #tpu.memory_space<semaphore_mem>>) src(%arg13 : memref<80x8xf32, #tpu.memory_space<vmem>>) dst(%dma_wait3A_193 : memref<80x8xf32, #tpu.memory_space<vmem_shared>>)
    %mul3A_194 = arith.constant 640 : i32
    %mul3A_195 = arith.muli %arg1, %mul3A_194 : i32
    %add3A_196 = arith.constant 80 : i32
    %add3A_197 = arith.addi %mul3A_195, %add3A_196 : i32
    %dma_wait3A_198 = arith.constant 0 : i32
    %dma_wait3A_199 = arith.constant 0 : i32
    %dma_wait3A_200 = tpu.memref_slice %arg8[%dma_wait3A_198, %dma_wait3A_199] : memref<125x64xf32, #tpu.memory_space<vmem>> -> memref<80x64xf32, #tpu.memory_space<vmem>>
    %dma_wait3A_201 = arith.constant 0 : i32
    %dma_wait3A_202 = tpu.memref_slice %arg19[%add3A_197, %dma_wait3A_201] : memref<10240x64xf32, #tpu.memory_space<vmem_shared>> -> memref<80x64xf32, #tpu.memory_space<vmem_shared>>
    %dma_wait3A_203 = arith.constant 0 : i32
    %dma_wait3A_204 = tpu.memref_slice %arg19[%add3A_197, %dma_wait3A_203] : memref<10240x64xf32, #tpu.memory_space<vmem_shared>> -> memref<80x64xf32, #tpu.memory_space<vmem_shared>>
    %dma_wait3A_205 = arith.constant 0 : i32
    %dma_wait3A_206 = arith.constant 0 : i32
    %dma_wait3A_207 = tpu.memref_slice %arg8[%dma_wait3A_205, %dma_wait3A_206] : memref<125x64xf32, #tpu.memory_space<vmem>> -> memref<80x64xf32, #tpu.memory_space<vmem>>
    tpu.wait_dma2 semaphore(%arg17 : memref<!tpu.dma_semaphore, #tpu.memory_space<semaphore_mem>>) src(%dma_wait3A_207 : memref<80x64xf32, #tpu.memory_space<vmem>>) dst(%dma_wait3A_204 : memref<80x64xf32, #tpu.memory_space<vmem_shared>>)
    %mul3A_208 = arith.constant 640 : i32
    %mul3A_209 = arith.muli %arg1, %mul3A_208 : i32
    %add3A_210 = arith.constant 80 : i32
    %add3A_211 = arith.addi %mul3A_209, %add3A_210 : i32
    %dma_wait3A_212 = arith.constant 0 : i32
    %dma_wait3A_213 = tpu.memref_slice %arg20[%add3A_211, %dma_wait3A_212] : memref<10240x8xf32, #tpu.memory_space<vmem_shared>> -> memref<80x8xf32, #tpu.memory_space<vmem_shared>>
    %dma_wait3A_214 = arith.constant 0 : i32
    %dma_wait3A_215 = tpu.memref_slice %arg20[%add3A_211, %dma_wait3A_214] : memref<10240x8xf32, #tpu.memory_space<vmem_shared>> -> memref<80x8xf32, #tpu.memory_space<vmem_shared>>
    tpu.wait_dma2 semaphore(%arg18 : memref<!tpu.dma_semaphore, #tpu.memory_space<semaphore_mem>>) src(%arg13 : memref<80x8xf32, #tpu.memory_space<vmem>>) dst(%dma_wait3A_215 : memref<80x8xf32, #tpu.memory_space<vmem_shared>>)
    %mul3A_216 = arith.constant 640 : i32
    %mul3A_217 = arith.muli %arg1, %mul3A_216 : i32
    %add3A_218 = arith.constant 160 : i32
    %add3A_219 = arith.addi %mul3A_217, %add3A_218 : i32
    %dma_wait3A_220 = arith.constant 0 : i32
    %dma_wait3A_221 = arith.constant 0 : i32
    %dma_wait3A_222 = tpu.memref_slice %arg8[%dma_wait3A_220, %dma_wait3A_221] : memref<125x64xf32, #tpu.memory_space<vmem>> -> memref<80x64xf32, #tpu.memory_space<vmem>>
    %dma_wait3A_223 = arith.constant 0 : i32
    %dma_wait3A_224 = tpu.memref_slice %arg19[%add3A_219, %dma_wait3A_223] : memref<10240x64xf32, #tpu.memory_space<vmem_shared>> -> memref<80x64xf32, #tpu.memory_space<vmem_shared>>
    %dma_wait3A_225 = arith.constant 0 : i32
    %dma_wait3A_226 = tpu.memref_slice %arg19[%add3A_219, %dma_wait3A_225] : memref<10240x64xf32, #tpu.memory_space<vmem_shared>> -> memref<80x64xf32, #tpu.memory_space<vmem_shared>>
    %dma_wait3A_227 = arith.constant 0 : i32
    %dma_wait3A_228 = arith.constant 0 : i32
    %dma_wait3A_229 = tpu.memref_slice %arg8[%dma_wait3A_227, %dma_wait3A_228] : memref<125x64xf32, #tpu.memory_space<vmem>> -> memref<80x64xf32, #tpu.memory_space<vmem>>
    tpu.wait_dma2 semaphore(%arg17 : memref<!tpu.dma_semaphore, #tpu.memory_space<semaphore_mem>>) src(%dma_wait3A_229 : memref<80x64xf32, #tpu.memory_space<vmem>>) dst(%dma_wait3A_226 : memref<80x64xf32, #tpu.memory_space<vmem_shared>>)
    %mul3A_230 = arith.constant 640 : i32
    %mul3A_231 = arith.muli %arg1, %mul3A_230 : i32
    %add3A_232 = arith.constant 160 : i32
    %add3A_233 = arith.addi %mul3A_231, %add3A_232 : i32
    %dma_wait3A_234 = arith.constant 0 : i32
    %dma_wait3A_235 = tpu.memref_slice %arg20[%add3A_233, %dma_wait3A_234] : memref<10240x8xf32, #tpu.memory_space<vmem_shared>> -> memref<80x8xf32, #tpu.memory_space<vmem_shared>>
    %dma_wait3A_236 = arith.constant 0 : i32
    %dma_wait3A_237 = tpu.memref_slice %arg20[%add3A_233, %dma_wait3A_236] : memref<10240x8xf32, #tpu.memory_space<vmem_shared>> -> memref<80x8xf32, #tpu.memory_space<vmem_shared>>
    tpu.wait_dma2 semaphore(%arg18 : memref<!tpu.dma_semaphore, #tpu.memory_space<semaphore_mem>>) src(%arg13 : memref<80x8xf32, #tpu.memory_space<vmem>>) dst(%dma_wait3A_237 : memref<80x8xf32, #tpu.memory_space<vmem_shared>>)
    %mul3A_238 = arith.constant 640 : i32
    %mul3A_239 = arith.muli %arg1, %mul3A_238 : i32
    %add3A_240 = arith.constant 240 : i32
    %add3A_241 = arith.addi %mul3A_239, %add3A_240 : i32
    %dma_wait3A_242 = arith.constant 0 : i32
    %dma_wait3A_243 = arith.constant 0 : i32
    %dma_wait3A_244 = tpu.memref_slice %arg8[%dma_wait3A_242, %dma_wait3A_243] : memref<125x64xf32, #tpu.memory_space<vmem>> -> memref<80x64xf32, #tpu.memory_space<vmem>>
    %dma_wait3A_245 = arith.constant 0 : i32
    %dma_wait3A_246 = tpu.memref_slice %arg19[%add3A_241, %dma_wait3A_245] : memref<10240x64xf32, #tpu.memory_space<vmem_shared>> -> memref<80x64xf32, #tpu.memory_space<vmem_shared>>
    %dma_wait3A_247 = arith.constant 0 : i32
    %dma_wait3A_248 = tpu.memref_slice %arg19[%add3A_241, %dma_wait3A_247] : memref<10240x64xf32, #tpu.memory_space<vmem_shared>> -> memref<80x64xf32, #tpu.memory_space<vmem_shared>>
    %dma_wait3A_249 = arith.constant 0 : i32
    %dma_wait3A_250 = arith.constant 0 : i32
    %dma_wait3A_251 = tpu.memref_slice %arg8[%dma_wait3A_249, %dma_wait3A_250] : memref<125x64xf32, #tpu.memory_space<vmem>> -> memref<80x64xf32, #tpu.memory_space<vmem>>
    tpu.wait_dma2 semaphore(%arg17 : memref<!tpu.dma_semaphore, #tpu.memory_space<semaphore_mem>>) src(%dma_wait3A_251 : memref<80x64xf32, #tpu.memory_space<vmem>>) dst(%dma_wait3A_248 : memref<80x64xf32, #tpu.memory_space<vmem_shared>>)
    %mul3A_252 = arith.constant 640 : i32
    %mul3A_253 = arith.muli %arg1, %mul3A_252 : i32
    %add3A_254 = arith.constant 240 : i32
    %add3A_255 = arith.addi %mul3A_253, %add3A_254 : i32
    %dma_wait3A_256 = arith.constant 0 : i32
    %dma_wait3A_257 = tpu.memref_slice %arg20[%add3A_255, %dma_wait3A_256] : memref<10240x8xf32, #tpu.memory_space<vmem_shared>> -> memref<80x8xf32, #tpu.memory_space<vmem_shared>>
    %dma_wait3A_258 = arith.constant 0 : i32
    %dma_wait3A_259 = tpu.memref_slice %arg20[%add3A_255, %dma_wait3A_258] : memref<10240x8xf32, #tpu.memory_space<vmem_shared>> -> memref<80x8xf32, #tpu.memory_space<vmem_shared>>
    tpu.wait_dma2 semaphore(%arg18 : memref<!tpu.dma_semaphore, #tpu.memory_space<semaphore_mem>>) src(%arg13 : memref<80x8xf32, #tpu.memory_space<vmem>>) dst(%dma_wait3A_259 : memref<80x8xf32, #tpu.memory_space<vmem_shared>>)
    %mul3A_260 = arith.constant 640 : i32
    %mul3A_261 = arith.muli %arg1, %mul3A_260 : i32
    %add3A_262 = arith.constant 320 : i32
    %add3A_263 = arith.addi %mul3A_261, %add3A_262 : i32
    %dma_wait3A_264 = arith.constant 0 : i32
    %dma_wait3A_265 = arith.constant 0 : i32
    %dma_wait3A_266 = tpu.memref_slice %arg8[%dma_wait3A_264, %dma_wait3A_265] : memref<125x64xf32, #tpu.memory_space<vmem>> -> memref<80x64xf32, #tpu.memory_space<vmem>>
    %dma_wait3A_267 = arith.constant 0 : i32
    %dma_wait3A_268 = tpu.memref_slice %arg19[%add3A_263, %dma_wait3A_267] : memref<10240x64xf32, #tpu.memory_space<vmem_shared>> -> memref<80x64xf32, #tpu.memory_space<vmem_shared>>
    %dma_wait3A_269 = arith.constant 0 : i32
    %dma_wait3A_270 = tpu.memref_slice %arg19[%add3A_263, %dma_wait3A_269] : memref<10240x64xf32, #tpu.memory_space<vmem_shared>> -> memref<80x64xf32, #tpu.memory_space<vmem_shared>>
    %dma_wait3A_271 = arith.constant 0 : i32
    %dma_wait3A_272 = arith.constant 0 : i32
    %dma_wait3A_273 = tpu.memref_slice %arg8[%dma_wait3A_271, %dma_wait3A_272] : memref<125x64xf32, #tpu.memory_space<vmem>> -> memref<80x64xf32, #tpu.memory_space<vmem>>
    tpu.wait_dma2 semaphore(%arg17 : memref<!tpu.dma_semaphore, #tpu.memory_space<semaphore_mem>>) src(%dma_wait3A_273 : memref<80x64xf32, #tpu.memory_space<vmem>>) dst(%dma_wait3A_270 : memref<80x64xf32, #tpu.memory_space<vmem_shared>>)
    %mul3A_274 = arith.constant 640 : i32
    %mul3A_275 = arith.muli %arg1, %mul3A_274 : i32
    %add3A_276 = arith.constant 320 : i32
    %add3A_277 = arith.addi %mul3A_275, %add3A_276 : i32
    %dma_wait3A_278 = arith.constant 0 : i32
    %dma_wait3A_279 = tpu.memref_slice %arg20[%add3A_277, %dma_wait3A_278] : memref<10240x8xf32, #tpu.memory_space<vmem_shared>> -> memref<80x8xf32, #tpu.memory_space<vmem_shared>>
    %dma_wait3A_280 = arith.constant 0 : i32
    %dma_wait3A_281 = tpu.memref_slice %arg20[%add3A_277, %dma_wait3A_280] : memref<10240x8xf32, #tpu.memory_space<vmem_shared>> -> memref<80x8xf32, #tpu.memory_space<vmem_shared>>
    tpu.wait_dma2 semaphore(%arg18 : memref<!tpu.dma_semaphore, #tpu.memory_space<semaphore_mem>>) src(%arg13 : memref<80x8xf32, #tpu.memory_space<vmem>>) dst(%dma_wait3A_281 : memref<80x8xf32, #tpu.memory_space<vmem_shared>>)
    %mul3A_282 = arith.constant 640 : i32
    %mul3A_283 = arith.muli %arg1, %mul3A_282 : i32
    %add3A_284 = arith.constant 400 : i32
    %add3A_285 = arith.addi %mul3A_283, %add3A_284 : i32
    %dma_wait3A_286 = arith.constant 0 : i32
    %dma_wait3A_287 = arith.constant 0 : i32
    %dma_wait3A_288 = tpu.memref_slice %arg8[%dma_wait3A_286, %dma_wait3A_287] : memref<125x64xf32, #tpu.memory_space<vmem>> -> memref<80x64xf32, #tpu.memory_space<vmem>>
    %dma_wait3A_289 = arith.constant 0 : i32
    %dma_wait3A_290 = tpu.memref_slice %arg19[%add3A_285, %dma_wait3A_289] : memref<10240x64xf32, #tpu.memory_space<vmem_shared>> -> memref<80x64xf32, #tpu.memory_space<vmem_shared>>
    %dma_wait3A_291 = arith.constant 0 : i32
    %dma_wait3A_292 = tpu.memref_slice %arg19[%add3A_285, %dma_wait3A_291] : memref<10240x64xf32, #tpu.memory_space<vmem_shared>> -> memref<80x64xf32, #tpu.memory_space<vmem_shared>>
    %dma_wait3A_293 = arith.constant 0 : i32
    %dma_wait3A_294 = arith.constant 0 : i32
    %dma_wait3A_295 = tpu.memref_slice %arg8[%dma_wait3A_293, %dma_wait3A_294] : memref<125x64xf32, #tpu.memory_space<vmem>> -> memref<80x64xf32, #tpu.memory_space<vmem>>
    tpu.wait_dma2 semaphore(%arg17 : memref<!tpu.dma_semaphore, #tpu.memory_space<semaphore_mem>>) src(%dma_wait3A_295 : memref<80x64xf32, #tpu.memory_space<vmem>>) dst(%dma_wait3A_292 : memref<80x64xf32, #tpu.memory_space<vmem_shared>>)
    %mul3A_296 = arith.constant 640 : i32
    %mul3A_297 = arith.muli %arg1, %mul3A_296 : i32
    %add3A_298 = arith.constant 400 : i32
    %add3A_299 = arith.addi %mul3A_297, %add3A_298 : i32
    %dma_wait3A_300 = arith.constant 0 : i32
    %dma_wait3A_301 = tpu.memref_slice %arg20[%add3A_299, %dma_wait3A_300] : memref<10240x8xf32, #tpu.memory_space<vmem_shared>> -> memref<80x8xf32, #tpu.memory_space<vmem_shared>>
    %dma_wait3A_302 = arith.constant 0 : i32
    %dma_wait3A_303 = tpu.memref_slice %arg20[%add3A_299, %dma_wait3A_302] : memref<10240x8xf32, #tpu.memory_space<vmem_shared>> -> memref<80x8xf32, #tpu.memory_space<vmem_shared>>
    tpu.wait_dma2 semaphore(%arg18 : memref<!tpu.dma_semaphore, #tpu.memory_space<semaphore_mem>>) src(%arg13 : memref<80x8xf32, #tpu.memory_space<vmem>>) dst(%dma_wait3A_303 : memref<80x8xf32, #tpu.memory_space<vmem_shared>>)
    %mul3A_304 = arith.constant 640 : i32
    %mul3A_305 = arith.muli %arg1, %mul3A_304 : i32
    %add3A_306 = arith.constant 480 : i32
    %add3A_307 = arith.addi %mul3A_305, %add3A_306 : i32
    %dma_wait3A_308 = arith.constant 0 : i32
    %dma_wait3A_309 = arith.constant 0 : i32
    %dma_wait3A_310 = tpu.memref_slice %arg8[%dma_wait3A_308, %dma_wait3A_309] : memref<125x64xf32, #tpu.memory_space<vmem>> -> memref<80x64xf32, #tpu.memory_space<vmem>>
    %dma_wait3A_311 = arith.constant 0 : i32
    %dma_wait3A_312 = tpu.memref_slice %arg19[%add3A_307, %dma_wait3A_311] : memref<10240x64xf32, #tpu.memory_space<vmem_shared>> -> memref<80x64xf32, #tpu.memory_space<vmem_shared>>
    %dma_wait3A_313 = arith.constant 0 : i32
    %dma_wait3A_314 = tpu.memref_slice %arg19[%add3A_307, %dma_wait3A_313] : memref<10240x64xf32, #tpu.memory_space<vmem_shared>> -> memref<80x64xf32, #tpu.memory_space<vmem_shared>>
    %dma_wait3A_315 = arith.constant 0 : i32
    %dma_wait3A_316 = arith.constant 0 : i32
    %dma_wait3A_317 = tpu.memref_slice %arg8[%dma_wait3A_315, %dma_wait3A_316] : memref<125x64xf32, #tpu.memory_space<vmem>> -> memref<80x64xf32, #tpu.memory_space<vmem>>
    tpu.wait_dma2 semaphore(%arg17 : memref<!tpu.dma_semaphore, #tpu.memory_space<semaphore_mem>>) src(%dma_wait3A_317 : memref<80x64xf32, #tpu.memory_space<vmem>>) dst(%dma_wait3A_314 : memref<80x64xf32, #tpu.memory_space<vmem_shared>>)
    %mul3A_318 = arith.constant 640 : i32
    %mul3A_319 = arith.muli %arg1, %mul3A_318 : i32
    %add3A_320 = arith.constant 480 : i32
    %add3A_321 = arith.addi %mul3A_319, %add3A_320 : i32
    %dma_wait3A_322 = arith.constant 0 : i32
    %dma_wait3A_323 = tpu.memref_slice %arg20[%add3A_321, %dma_wait3A_322] : memref<10240x8xf32, #tpu.memory_space<vmem_shared>> -> memref<80x8xf32, #tpu.memory_space<vmem_shared>>
    %dma_wait3A_324 = arith.constant 0 : i32
    %dma_wait3A_325 = tpu.memref_slice %arg20[%add3A_321, %dma_wait3A_324] : memref<10240x8xf32, #tpu.memory_space<vmem_shared>> -> memref<80x8xf32, #tpu.memory_space<vmem_shared>>
    tpu.wait_dma2 semaphore(%arg18 : memref<!tpu.dma_semaphore, #tpu.memory_space<semaphore_mem>>) src(%arg13 : memref<80x8xf32, #tpu.memory_space<vmem>>) dst(%dma_wait3A_325 : memref<80x8xf32, #tpu.memory_space<vmem_shared>>)
    %mul3A_326 = arith.constant 640 : i32
    %mul3A_327 = arith.muli %arg1, %mul3A_326 : i32
    %add3A_328 = arith.constant 560 : i32
    %add3A_329 = arith.addi %mul3A_327, %add3A_328 : i32
    %dma_wait3A_330 = arith.constant 0 : i32
    %dma_wait3A_331 = arith.constant 0 : i32
    %dma_wait3A_332 = tpu.memref_slice %arg8[%dma_wait3A_330, %dma_wait3A_331] : memref<125x64xf32, #tpu.memory_space<vmem>> -> memref<80x64xf32, #tpu.memory_space<vmem>>
    %dma_wait3A_333 = arith.constant 0 : i32
    %dma_wait3A_334 = tpu.memref_slice %arg19[%add3A_329, %dma_wait3A_333] : memref<10240x64xf32, #tpu.memory_space<vmem_shared>> -> memref<80x64xf32, #tpu.memory_space<vmem_shared>>
    %dma_wait3A_335 = arith.constant 0 : i32
    %dma_wait3A_336 = tpu.memref_slice %arg19[%add3A_329, %dma_wait3A_335] : memref<10240x64xf32, #tpu.memory_space<vmem_shared>> -> memref<80x64xf32, #tpu.memory_space<vmem_shared>>
    %dma_wait3A_337 = arith.constant 0 : i32
    %dma_wait3A_338 = arith.constant 0 : i32
    %dma_wait3A_339 = tpu.memref_slice %arg8[%dma_wait3A_337, %dma_wait3A_338] : memref<125x64xf32, #tpu.memory_space<vmem>> -> memref<80x64xf32, #tpu.memory_space<vmem>>
    tpu.wait_dma2 semaphore(%arg17 : memref<!tpu.dma_semaphore, #tpu.memory_space<semaphore_mem>>) src(%dma_wait3A_339 : memref<80x64xf32, #tpu.memory_space<vmem>>) dst(%dma_wait3A_336 : memref<80x64xf32, #tpu.memory_space<vmem_shared>>)
    %mul3A_340 = arith.constant 640 : i32
    %mul3A_341 = arith.muli %arg1, %mul3A_340 : i32
    %add3A_342 = arith.constant 560 : i32
    %add3A_343 = arith.addi %mul3A_341, %add3A_342 : i32
    %dma_wait3A_344 = arith.constant 0 : i32
    %dma_wait3A_345 = tpu.memref_slice %arg20[%add3A_343, %dma_wait3A_344] : memref<10240x8xf32, #tpu.memory_space<vmem_shared>> -> memref<80x8xf32, #tpu.memory_space<vmem_shared>>
    %dma_wait3A_346 = arith.constant 0 : i32
    %dma_wait3A_347 = tpu.memref_slice %arg20[%add3A_343, %dma_wait3A_346] : memref<10240x8xf32, #tpu.memory_space<vmem_shared>> -> memref<80x8xf32, #tpu.memory_space<vmem_shared>>
    tpu.wait_dma2 semaphore(%arg18 : memref<!tpu.dma_semaphore, #tpu.memory_space<semaphore_mem>>) src(%arg13 : memref<80x8xf32, #tpu.memory_space<vmem>>) dst(%dma_wait3A_347 : memref<80x8xf32, #tpu.memory_space<vmem_shared>>)
    %barrier3A = arith.constant 0 : index
    tpu.barrier barrier_id(%barrier3A)
    %mul3A_348 = arith.constant 20000 : i32
    %mul3A_349 = arith.muli %arg1, %mul3A_348 : i32
    %add3A_350 = arith.constant 0 : i32
    %add3A_351 = arith.addi %mul3A_349, %add3A_350 : i32
    %mul3A_352 = arith.constant 64 : i32
    %mul3A_353 = arith.muli %arg0, %mul3A_352 : i32
    %dma_start3A_354 = tpu.memref_slice %arg2[%add3A_351, %mul3A_353] : memref<320000x128xf32, #tpu.memory_space<hbm>> -> memref<125x64xf32, #tpu.memory_space<hbm>>
    %dma_start3A_355 = tpu.memref_slice %arg2[%add3A_351, %mul3A_353] : memref<320000x128xf32, #tpu.memory_space<hbm>> -> memref<125x64xf32, #tpu.memory_space<hbm>>
    tpu.enqueue_dma source(%dma_start3A_355 : memref<125x64xf32, #tpu.memory_space<hbm>>) target(%arg8 : memref<125x64xf32, #tpu.memory_space<vmem>>) target_semaphore(%arg14 : memref<!tpu.dma_semaphore, #tpu.memory_space<semaphore_mem>>)
    %dma_start3A_356 = arith.constant 0 : i32
    %dma_start3A_357 = arith.constant 0 : i32
    %dma_start3A_358 = arith.constant 0 : i32
    %dma_start3A_359 = tpu.memref_slice %arg3[%arg1, %dma_start3A_356, %dma_start3A_357, %dma_start3A_358] : memref<16x160x1x125xi32, #tpu.memory_space<hbm>> -> memref<1x1x1x125xi32, #tpu.memory_space<hbm>>
    %dma_start3A_360 = tpu.memref_squeeze %dma_start3A_359 : memref<1x1x1x125xi32, #tpu.memory_space<hbm>> -> memref<1x125xi32, #tpu.memory_space<hbm>>
    %dma_start3A_361 = arith.constant 0 : i32
    %dma_start3A_362 = arith.constant 0 : i32
    %dma_start3A_363 = tpu.memref_slice %arg3[%arg1, %dma_start3A_356, %dma_start3A_361, %dma_start3A_362] : memref<16x160x1x125xi32, #tpu.memory_space<hbm>> -> memref<1x1x1x125xi32, #tpu.memory_space<hbm>>
    %dma_start3A_364 = tpu.memref_squeeze %dma_start3A_363 : memref<1x1x1x125xi32, #tpu.memory_space<hbm>> -> memref<1x125xi32, #tpu.memory_space<hbm>>
    tpu.enqueue_dma source(%dma_start3A_364 : memref<1x125xi32, #tpu.memory_space<hbm>>) target(%arg10 : memref<1x125xi32, #tpu.memory_space<vmem>>) target_semaphore(%arg14 : memref<!tpu.dma_semaphore, #tpu.memory_space<semaphore_mem>>)
    %add3A_365 = arith.constant 125 : i32
    %add3A_366 = arith.addi %mul3A_349, %add3A_365 : i32
    %mul3A_367 = arith.constant 64 : i32
    %mul3A_368 = arith.muli %arg0, %mul3A_367 : i32
    %dma_start3A_369 = tpu.memref_slice %arg2[%add3A_366, %mul3A_368] : memref<320000x128xf32, #tpu.memory_space<hbm>> -> memref<125x64xf32, #tpu.memory_space<hbm>>
    %dma_start3A_370 = tpu.memref_slice %arg2[%add3A_366, %mul3A_368] : memref<320000x128xf32, #tpu.memory_space<hbm>> -> memref<125x64xf32, #tpu.memory_space<hbm>>
    tpu.enqueue_dma source(%dma_start3A_370 : memref<125x64xf32, #tpu.memory_space<hbm>>) target(%arg9 : memref<125x64xf32, #tpu.memory_space<vmem>>) target_semaphore(%arg15 : memref<!tpu.dma_semaphore, #tpu.memory_space<semaphore_mem>>)
    %dma_start3A_371 = arith.constant 1 : i32
    %dma_start3A_372 = arith.constant 0 : i32
    %dma_start3A_373 = arith.constant 0 : i32
    %dma_start3A_374 = tpu.memref_slice %arg3[%arg1, %dma_start3A_371, %dma_start3A_372, %dma_start3A_373] : memref<16x160x1x125xi32, #tpu.memory_space<hbm>> -> memref<1x1x1x125xi32, #tpu.memory_space<hbm>>
    %dma_start3A_375 = tpu.memref_squeeze %dma_start3A_374 : memref<1x1x1x125xi32, #tpu.memory_space<hbm>> -> memref<1x125xi32, #tpu.memory_space<hbm>>
    %dma_start3A_376 = arith.constant 0 : i32
    %dma_start3A_377 = arith.constant 0 : i32
    %dma_start3A_378 = tpu.memref_slice %arg3[%arg1, %dma_start3A_371, %dma_start3A_376, %dma_start3A_377] : memref<16x160x1x125xi32, #tpu.memory_space<hbm>> -> memref<1x1x1x125xi32, #tpu.memory_space<hbm>>
    %dma_start3A_379 = tpu.memref_squeeze %dma_start3A_378 : memref<1x1x1x125xi32, #tpu.memory_space<hbm>> -> memref<1x125xi32, #tpu.memory_space<hbm>>
    tpu.enqueue_dma source(%dma_start3A_379 : memref<1x125xi32, #tpu.memory_space<hbm>>) target(%arg11 : memref<1x125xi32, #tpu.memory_space<vmem>>) target_semaphore(%arg15 : memref<!tpu.dma_semaphore, #tpu.memory_space<semaphore_mem>>)
    %add3A_380 = arith.constant 0 : i32
    %add3A_381 = arith.addi %mul3A_349, %add3A_380 : i32
    %mul3A_382 = arith.constant 64 : i32
    %mul3A_383 = arith.muli %arg0, %mul3A_382 : i32
    %dma_wait3A_384 = tpu.memref_slice %arg2[%add3A_381, %mul3A_383] : memref<320000x128xf32, #tpu.memory_space<hbm>> -> memref<125x64xf32, #tpu.memory_space<hbm>>
    %dma_wait3A_385 = tpu.memref_slice %arg2[%add3A_381, %mul3A_383] : memref<320000x128xf32, #tpu.memory_space<hbm>> -> memref<125x64xf32, #tpu.memory_space<hbm>>
    tpu.wait_dma2 semaphore(%arg14 : memref<!tpu.dma_semaphore, #tpu.memory_space<semaphore_mem>>) src(%dma_wait3A_385 : memref<125x64xf32, #tpu.memory_space<hbm>>) dst(%arg8 : memref<125x64xf32, #tpu.memory_space<vmem>>)
    %dma_wait3A_386 = arith.constant 0 : i32
    %dma_wait3A_387 = arith.constant 0 : i32
    %dma_wait3A_388 = arith.constant 0 : i32
    %dma_wait3A_389 = tpu.memref_slice %arg3[%arg1, %dma_wait3A_386, %dma_wait3A_387, %dma_wait3A_388] : memref<16x160x1x125xi32, #tpu.memory_space<hbm>> -> memref<1x1x1x125xi32, #tpu.memory_space<hbm>>
    %dma_wait3A_390 = tpu.memref_squeeze %dma_wait3A_389 : memref<1x1x1x125xi32, #tpu.memory_space<hbm>> -> memref<1x125xi32, #tpu.memory_space<hbm>>
    %dma_wait3A_391 = arith.constant 0 : i32
    %dma_wait3A_392 = arith.constant 0 : i32
    %dma_wait3A_393 = tpu.memref_slice %arg3[%arg1, %dma_wait3A_386, %dma_wait3A_391, %dma_wait3A_392] : memref<16x160x1x125xi32, #tpu.memory_space<hbm>> -> memref<1x1x1x125xi32, #tpu.memory_space<hbm>>
    %dma_wait3A_394 = tpu.memref_squeeze %dma_wait3A_393 : memref<1x1x1x125xi32, #tpu.memory_space<hbm>> -> memref<1x125xi32, #tpu.memory_space<hbm>>
    tpu.wait_dma2 semaphore(%arg14 : memref<!tpu.dma_semaphore, #tpu.memory_space<semaphore_mem>>) src(%dma_wait3A_394 : memref<1x125xi32, #tpu.memory_space<hbm>>) dst(%arg10 : memref<1x125xi32, #tpu.memory_space<vmem>>)
    %run_scoped3A = arith.constant 0 : i32
    "tpu.region"() ({
      %run_scoped3A_607 = tpu.sem_alloc : memref<!tpu.dma_semaphore, #tpu.memory_space<semaphore_mem>>
      %dma_start3A_608 = arith.constant 0 : i32
      %dma_start3A_609 = tpu.memref_slice %arg10[%run_scoped3A, %dma_start3A_608] : memref<1x125xi32, #tpu.memory_space<vmem>> -> memref<1x125xi32, #tpu.memory_space<vmem>>
      %dma_start3A_610 = tpu.memref_squeeze %dma_start3A_609 : memref<1x125xi32, #tpu.memory_space<vmem>> -> memref<125xi32, #tpu.memory_space<vmem>>
      %dma_start3A_611 = arith.constant 0 : i32
      %dma_start3A_612 = arith.constant 0 : i32
      %dma_start3A_613 = tpu.memref_slice %arg19[%dma_start3A_611, %dma_start3A_612] : memref<10240x64xf32, #tpu.memory_space<vmem_shared>> -> memref<10240x64xf32, #tpu.memory_space<vmem_shared>>
      tpu.enqueue_indirect_dma source(%arg8 : memref<125x64xf32, #tpu.memory_space<vmem>>) target(%dma_start3A_613 : memref<10240x64xf32, #tpu.memory_space<vmem_shared>>) offsets(%dma_start3A_610 : memref<125xi32, #tpu.memory_space<vmem>>) semaphore(%run_scoped3A_607 : memref<!tpu.dma_semaphore, #tpu.memory_space<semaphore_mem>>) {add = true}
      %dma_wait3A_614 = arith.constant 0 : i32
      %dma_wait3A_615 = tpu.memref_slice %arg10[%run_scoped3A, %dma_wait3A_614] : memref<1x125xi32, #tpu.memory_space<vmem>> -> memref<1x125xi32, #tpu.memory_space<vmem>>
      %dma_wait3A_616 = tpu.memref_squeeze %dma_wait3A_615 : memref<1x125xi32, #tpu.memory_space<vmem>> -> memref<125xi32, #tpu.memory_space<vmem>>
      %dma_wait3A_617 = arith.constant 0 : i32
      %dma_wait3A_618 = arith.constant 0 : i32
      %dma_wait3A_619 = tpu.memref_slice %arg19[%dma_wait3A_617, %dma_wait3A_618] : memref<10240x64xf32, #tpu.memory_space<vmem_shared>> -> memref<10240x64xf32, #tpu.memory_space<vmem_shared>>
      tpu.wait_indirect_dma semaphore(%run_scoped3A_607 : memref<!tpu.dma_semaphore, #tpu.memory_space<semaphore_mem>>) src(%arg8 : memref<125x64xf32, #tpu.memory_space<vmem>>) dst(%dma_wait3A_619 : memref<10240x64xf32, #tpu.memory_space<vmem_shared>>)
      tpu.yield
    }) : () -> ()
    %dma_start3A_395 = arith.constant 0 : i32
    %dma_start3A_396 = arith.constant 0 : i32
    %dma_start3A_397 = tpu.memref_slice %arg10[%dma_start3A_395, %dma_start3A_396] : memref<1x125xi32, #tpu.memory_space<vmem>> -> memref<1x125xi32, #tpu.memory_space<vmem>>
    %dma_start3A_398 = tpu.memref_squeeze %dma_start3A_397 : memref<1x125xi32, #tpu.memory_space<vmem>> -> memref<125xi32, #tpu.memory_space<vmem>>
    %dma_start3A_399 = arith.constant 0 : i32
    %dma_start3A_400 = arith.constant 0 : i32
    %dma_start3A_401 = tpu.memref_slice %arg20[%dma_start3A_399, %dma_start3A_400] : memref<10240x8xf32, #tpu.memory_space<vmem_shared>> -> memref<10240x8xf32, #tpu.memory_space<vmem_shared>>
    tpu.enqueue_indirect_dma source(%arg12 : memref<125x8xf32, #tpu.memory_space<vmem>>) target(%dma_start3A_401 : memref<10240x8xf32, #tpu.memory_space<vmem_shared>>) offsets(%dma_start3A_398 : memref<125xi32, #tpu.memory_space<vmem>>) semaphore(%arg16 : memref<!tpu.dma_semaphore, #tpu.memory_space<semaphore_mem>>) {add = true}
    %add3A_402 = arith.constant 250 : i32
    %add3A_403 = arith.addi %mul3A_349, %add3A_402 : i32
    %mul3A_404 = arith.constant 64 : i32
    %mul3A_405 = arith.muli %arg0, %mul3A_404 : i32
    %dma_start3A_406 = tpu.memref_slice %arg2[%add3A_403, %mul3A_405] : memref<320000x128xf32, #tpu.memory_space<hbm>> -> memref<125x64xf32, #tpu.memory_space<hbm>>
    %dma_start3A_407 = tpu.memref_slice %arg2[%add3A_403, %mul3A_405] : memref<320000x128xf32, #tpu.memory_space<hbm>> -> memref<125x64xf32, #tpu.memory_space<hbm>>
    tpu.enqueue_dma source(%dma_start3A_407 : memref<125x64xf32, #tpu.memory_space<hbm>>) target(%arg8 : memref<125x64xf32, #tpu.memory_space<vmem>>) target_semaphore(%arg14 : memref<!tpu.dma_semaphore, #tpu.memory_space<semaphore_mem>>)
    %dma_start3A_408 = arith.constant 2 : i32
    %dma_start3A_409 = arith.constant 0 : i32
    %dma_start3A_410 = arith.constant 0 : i32
    %dma_start3A_411 = tpu.memref_slice %arg3[%arg1, %dma_start3A_408, %dma_start3A_409, %dma_start3A_410] : memref<16x160x1x125xi32, #tpu.memory_space<hbm>> -> memref<1x1x1x125xi32, #tpu.memory_space<hbm>>
    %dma_start3A_412 = tpu.memref_squeeze %dma_start3A_411 : memref<1x1x1x125xi32, #tpu.memory_space<hbm>> -> memref<1x125xi32, #tpu.memory_space<hbm>>
    %dma_start3A_413 = arith.constant 0 : i32
    %dma_start3A_414 = arith.constant 0 : i32
    %dma_start3A_415 = tpu.memref_slice %arg3[%arg1, %dma_start3A_408, %dma_start3A_413, %dma_start3A_414] : memref<16x160x1x125xi32, #tpu.memory_space<hbm>> -> memref<1x1x1x125xi32, #tpu.memory_space<hbm>>
    %dma_start3A_416 = tpu.memref_squeeze %dma_start3A_415 : memref<1x1x1x125xi32, #tpu.memory_space<hbm>> -> memref<1x125xi32, #tpu.memory_space<hbm>>
    tpu.enqueue_dma source(%dma_start3A_416 : memref<1x125xi32, #tpu.memory_space<hbm>>) target(%arg10 : memref<1x125xi32, #tpu.memory_space<vmem>>) target_semaphore(%arg14 : memref<!tpu.dma_semaphore, #tpu.memory_space<semaphore_mem>>)
    %scan3A = arith.constant 0 : i32
    %scan3A_417 = arith.constant 0 : i32
    %scan3A_418 = arith.constant 78 : i32
    %scan3A_419 = arith.addi %scan3A_417, %scan3A_418 : i32
    %scan3A_420 = arith.constant 1 : i32
    scf.for %scan3A_607 = %scan3A_417 to %scan3A_419 step %scan3A_420  : i32 {
      %mul3A_608 = arith.constant 2 : i32
      %mul3A_609 = arith.muli %mul3A_608, %scan3A_607 : i32
      %add3A_610 = arith.constant 1 : i32
      %add3A_611 = arith.addi %mul3A_609, %add3A_610 : i32
      %mul3A_612 = arith.constant 125 : i32
      %mul3A_613 = arith.muli %add3A_611, %mul3A_612 : i32
      %add3A_614 = arith.addi %mul3A_349, %mul3A_613 : i32
      %mul3A_615 = arith.constant 64 : i32
      %mul3A_616 = arith.muli %arg0, %mul3A_615 : i32
      %dma_wait3A_617 = tpu.memref_slice %arg2[%add3A_614, %mul3A_616] : memref<320000x128xf32, #tpu.memory_space<hbm>> -> memref<125x64xf32, #tpu.memory_space<hbm>>
      %dma_wait3A_618 = tpu.memref_slice %arg2[%add3A_614, %mul3A_616] : memref<320000x128xf32, #tpu.memory_space<hbm>> -> memref<125x64xf32, #tpu.memory_space<hbm>>
      tpu.wait_dma2 semaphore(%arg15 : memref<!tpu.dma_semaphore, #tpu.memory_space<semaphore_mem>>) src(%dma_wait3A_618 : memref<125x64xf32, #tpu.memory_space<hbm>>) dst(%arg9 : memref<125x64xf32, #tpu.memory_space<vmem>>)
      %dma_wait3A_619 = arith.constant 0 : i32
      %dma_wait3A_620 = arith.constant 0 : i32
      %dma_wait3A_621 = tpu.memref_slice %arg3[%arg1, %add3A_611, %dma_wait3A_619, %dma_wait3A_620] : memref<16x160x1x125xi32, #tpu.memory_space<hbm>> -> memref<1x1x1x125xi32, #tpu.memory_space<hbm>>
      %dma_wait3A_622 = tpu.memref_squeeze %dma_wait3A_621 : memref<1x1x1x125xi32, #tpu.memory_space<hbm>> -> memref<1x125xi32, #tpu.memory_space<hbm>>
      %dma_wait3A_623 = arith.constant 0 : i32
      %dma_wait3A_624 = arith.constant 0 : i32
      %dma_wait3A_625 = tpu.memref_slice %arg3[%arg1, %add3A_611, %dma_wait3A_623, %dma_wait3A_624] : memref<16x160x1x125xi32, #tpu.memory_space<hbm>> -> memref<1x1x1x125xi32, #tpu.memory_space<hbm>>
      %dma_wait3A_626 = tpu.memref_squeeze %dma_wait3A_625 : memref<1x1x1x125xi32, #tpu.memory_space<hbm>> -> memref<1x125xi32, #tpu.memory_space<hbm>>
      tpu.wait_dma2 semaphore(%arg15 : memref<!tpu.dma_semaphore, #tpu.memory_space<semaphore_mem>>) src(%dma_wait3A_626 : memref<1x125xi32, #tpu.memory_space<hbm>>) dst(%arg11 : memref<1x125xi32, #tpu.memory_space<vmem>>)
      %run_scoped3A_627 = arith.constant 0 : i32
      "tpu.region"() ({
        %run_scoped3A_710 = tpu.sem_alloc : memref<!tpu.dma_semaphore, #tpu.memory_space<semaphore_mem>>
        %dma_start3A_711 = arith.constant 0 : i32
        %dma_start3A_712 = tpu.memref_slice %arg11[%run_scoped3A_627, %dma_start3A_711] : memref<1x125xi32, #tpu.memory_space<vmem>> -> memref<1x125xi32, #tpu.memory_space<vmem>>
        %dma_start3A_713 = tpu.memref_squeeze %dma_start3A_712 : memref<1x125xi32, #tpu.memory_space<vmem>> -> memref<125xi32, #tpu.memory_space<vmem>>
        %dma_start3A_714 = arith.constant 0 : i32
        %dma_start3A_715 = arith.constant 0 : i32
        %dma_start3A_716 = tpu.memref_slice %arg19[%dma_start3A_714, %dma_start3A_715] : memref<10240x64xf32, #tpu.memory_space<vmem_shared>> -> memref<10240x64xf32, #tpu.memory_space<vmem_shared>>
        tpu.enqueue_indirect_dma source(%arg9 : memref<125x64xf32, #tpu.memory_space<vmem>>) target(%dma_start3A_716 : memref<10240x64xf32, #tpu.memory_space<vmem_shared>>) offsets(%dma_start3A_713 : memref<125xi32, #tpu.memory_space<vmem>>) semaphore(%run_scoped3A_710 : memref<!tpu.dma_semaphore, #tpu.memory_space<semaphore_mem>>) {add = true}
        %dma_wait3A_717 = arith.constant 0 : i32
        %dma_wait3A_718 = tpu.memref_slice %arg11[%run_scoped3A_627, %dma_wait3A_717] : memref<1x125xi32, #tpu.memory_space<vmem>> -> memref<1x125xi32, #tpu.memory_space<vmem>>
        %dma_wait3A_719 = tpu.memref_squeeze %dma_wait3A_718 : memref<1x125xi32, #tpu.memory_space<vmem>> -> memref<125xi32, #tpu.memory_space<vmem>>
        %dma_wait3A_720 = arith.constant 0 : i32
        %dma_wait3A_721 = arith.constant 0 : i32
        %dma_wait3A_722 = tpu.memref_slice %arg19[%dma_wait3A_720, %dma_wait3A_721] : memref<10240x64xf32, #tpu.memory_space<vmem_shared>> -> memref<10240x64xf32, #tpu.memory_space<vmem_shared>>
        tpu.wait_indirect_dma semaphore(%run_scoped3A_710 : memref<!tpu.dma_semaphore, #tpu.memory_space<semaphore_mem>>) src(%arg9 : memref<125x64xf32, #tpu.memory_space<vmem>>) dst(%dma_wait3A_722 : memref<10240x64xf32, #tpu.memory_space<vmem_shared>>)
        tpu.yield
      }) : () -> ()
      %dma_wait3A_628 = arith.constant 0 : i32
      %dma_wait3A_629 = arith.constant 0 : i32
      %dma_wait3A_630 = tpu.memref_slice %arg10[%dma_wait3A_628, %dma_wait3A_629] : memref<1x125xi32, #tpu.memory_space<vmem>> -> memref<1x125xi32, #tpu.memory_space<vmem>>
      %dma_wait3A_631 = tpu.memref_squeeze %dma_wait3A_630 : memref<1x125xi32, #tpu.memory_space<vmem>> -> memref<125xi32, #tpu.memory_space<vmem>>
      %dma_wait3A_632 = arith.constant 0 : i32
      %dma_wait3A_633 = arith.constant 0 : i32
      %dma_wait3A_634 = tpu.memref_slice %arg20[%dma_wait3A_632, %dma_wait3A_633] : memref<10240x8xf32, #tpu.memory_space<vmem_shared>> -> memref<10240x8xf32, #tpu.memory_space<vmem_shared>>
      tpu.wait_indirect_dma semaphore(%arg16 : memref<!tpu.dma_semaphore, #tpu.memory_space<semaphore_mem>>) src(%arg12 : memref<125x8xf32, #tpu.memory_space<vmem>>) dst(%dma_wait3A_634 : memref<10240x8xf32, #tpu.memory_space<vmem_shared>>)
      %dma_start3A_635 = arith.constant 0 : i32
      %dma_start3A_636 = arith.constant 0 : i32
      %dma_start3A_637 = tpu.memref_slice %arg11[%dma_start3A_635, %dma_start3A_636] : memref<1x125xi32, #tpu.memory_space<vmem>> -> memref<1x125xi32, #tpu.memory_space<vmem>>
      %dma_start3A_638 = tpu.memref_squeeze %dma_start3A_637 : memref<1x125xi32, #tpu.memory_space<vmem>> -> memref<125xi32, #tpu.memory_space<vmem>>
      %dma_start3A_639 = arith.constant 0 : i32
      %dma_start3A_640 = arith.constant 0 : i32
      %dma_start3A_641 = tpu.memref_slice %arg20[%dma_start3A_639, %dma_start3A_640] : memref<10240x8xf32, #tpu.memory_space<vmem_shared>> -> memref<10240x8xf32, #tpu.memory_space<vmem_shared>>
      tpu.enqueue_indirect_dma source(%arg12 : memref<125x8xf32, #tpu.memory_space<vmem>>) target(%dma_start3A_641 : memref<10240x8xf32, #tpu.memory_space<vmem_shared>>) offsets(%dma_start3A_638 : memref<125xi32, #tpu.memory_space<vmem>>) semaphore(%arg16 : memref<!tpu.dma_semaphore, #tpu.memory_space<semaphore_mem>>) {add = true}
      %add3A_642 = arith.constant 2 : i32
      %add3A_643 = arith.addi %add3A_611, %add3A_642 : i32
      %mul3A_644 = arith.constant 125 : i32
      %mul3A_645 = arith.muli %add3A_643, %mul3A_644 : i32
      %add3A_646 = arith.addi %mul3A_349, %mul3A_645 : i32
      %mul3A_647 = arith.constant 64 : i32
      %mul3A_648 = arith.muli %arg0, %mul3A_647 : i32
      %dma_start3A_649 = tpu.memref_slice %arg2[%add3A_646, %mul3A_648] : memref<320000x128xf32, #tpu.memory_space<hbm>> -> memref<125x64xf32, #tpu.memory_space<hbm>>
      %dma_start3A_650 = tpu.memref_slice %arg2[%add3A_646, %mul3A_648] : memref<320000x128xf32, #tpu.memory_space<hbm>> -> memref<125x64xf32, #tpu.memory_space<hbm>>
      tpu.enqueue_dma source(%dma_start3A_650 : memref<125x64xf32, #tpu.memory_space<hbm>>) target(%arg9 : memref<125x64xf32, #tpu.memory_space<vmem>>) target_semaphore(%arg15 : memref<!tpu.dma_semaphore, #tpu.memory_space<semaphore_mem>>)
      %dma_start3A_651 = arith.constant 0 : i32
      %dma_start3A_652 = arith.constant 0 : i32
      %dma_start3A_653 = tpu.memref_slice %arg3[%arg1, %add3A_643, %dma_start3A_651, %dma_start3A_652] : memref<16x160x1x125xi32, #tpu.memory_space<hbm>> -> memref<1x1x1x125xi32, #tpu.memory_space<hbm>>
      %dma_start3A_654 = tpu.memref_squeeze %dma_start3A_653 : memref<1x1x1x125xi32, #tpu.memory_space<hbm>> -> memref<1x125xi32, #tpu.memory_space<hbm>>
      %dma_start3A_655 = arith.constant 0 : i32
      %dma_start3A_656 = arith.constant 0 : i32
      %dma_start3A_657 = tpu.memref_slice %arg3[%arg1, %add3A_643, %dma_start3A_655, %dma_start3A_656] : memref<16x160x1x125xi32, #tpu.memory_space<hbm>> -> memref<1x1x1x125xi32, #tpu.memory_space<hbm>>
      %dma_start3A_658 = tpu.memref_squeeze %dma_start3A_657 : memref<1x1x1x125xi32, #tpu.memory_space<hbm>> -> memref<1x125xi32, #tpu.memory_space<hbm>>
      tpu.enqueue_dma source(%dma_start3A_658 : memref<1x125xi32, #tpu.memory_space<hbm>>) target(%arg11 : memref<1x125xi32, #tpu.memory_space<vmem>>) target_semaphore(%arg15 : memref<!tpu.dma_semaphore, #tpu.memory_space<semaphore_mem>>)
      %mul3A_659 = arith.constant 2 : i32
      %mul3A_660 = arith.muli %mul3A_659, %scan3A_607 : i32
      %add3A_661 = arith.constant 2 : i32
      %add3A_662 = arith.addi %mul3A_660, %add3A_661 : i32
      %mul3A_663 = arith.constant 125 : i32
      %mul3A_664 = arith.muli %add3A_662, %mul3A_663 : i32
      %add3A_665 = arith.addi %mul3A_349, %mul3A_664 : i32
      %mul3A_666 = arith.constant 64 : i32
      %mul3A_667 = arith.muli %arg0, %mul3A_666 : i32
      %dma_wait3A_668 = tpu.memref_slice %arg2[%add3A_665, %mul3A_667] : memref<320000x128xf32, #tpu.memory_space<hbm>> -> memref<125x64xf32, #tpu.memory_space<hbm>>
      %dma_wait3A_669 = tpu.memref_slice %arg2[%add3A_665, %mul3A_667] : memref<320000x128xf32, #tpu.memory_space<hbm>> -> memref<125x64xf32, #tpu.memory_space<hbm>>
      tpu.wait_dma2 semaphore(%arg14 : memref<!tpu.dma_semaphore, #tpu.memory_space<semaphore_mem>>) src(%dma_wait3A_669 : memref<125x64xf32, #tpu.memory_space<hbm>>) dst(%arg8 : memref<125x64xf32, #tpu.memory_space<vmem>>)
      %dma_wait3A_670 = arith.constant 0 : i32
      %dma_wait3A_671 = arith.constant 0 : i32
      %dma_wait3A_672 = tpu.memref_slice %arg3[%arg1, %add3A_662, %dma_wait3A_670, %dma_wait3A_671] : memref<16x160x1x125xi32, #tpu.memory_space<hbm>> -> memref<1x1x1x125xi32, #tpu.memory_space<hbm>>
      %dma_wait3A_673 = tpu.memref_squeeze %dma_wait3A_672 : memref<1x1x1x125xi32, #tpu.memory_space<hbm>> -> memref<1x125xi32, #tpu.memory_space<hbm>>
      %dma_wait3A_674 = arith.constant 0 : i32
      %dma_wait3A_675 = arith.constant 0 : i32
      %dma_wait3A_676 = tpu.memref_slice %arg3[%arg1, %add3A_662, %dma_wait3A_674, %dma_wait3A_675] : memref<16x160x1x125xi32, #tpu.memory_space<hbm>> -> memref<1x1x1x125xi32, #tpu.memory_space<hbm>>
      %dma_wait3A_677 = tpu.memref_squeeze %dma_wait3A_676 : memref<1x1x1x125xi32, #tpu.memory_space<hbm>> -> memref<1x125xi32, #tpu.memory_space<hbm>>
      tpu.wait_dma2 semaphore(%arg14 : memref<!tpu.dma_semaphore, #tpu.memory_space<semaphore_mem>>) src(%dma_wait3A_677 : memref<1x125xi32, #tpu.memory_space<hbm>>) dst(%arg10 : memref<1x125xi32, #tpu.memory_space<vmem>>)
      %run_scoped3A_678 = arith.constant 0 : i32
      "tpu.region"() ({
        %run_scoped3A_710 = tpu.sem_alloc : memref<!tpu.dma_semaphore, #tpu.memory_space<semaphore_mem>>
        %dma_start3A_711 = arith.constant 0 : i32
        %dma_start3A_712 = tpu.memref_slice %arg10[%run_scoped3A_678, %dma_start3A_711] : memref<1x125xi32, #tpu.memory_space<vmem>> -> memref<1x125xi32, #tpu.memory_space<vmem>>
        %dma_start3A_713 = tpu.memref_squeeze %dma_start3A_712 : memref<1x125xi32, #tpu.memory_space<vmem>> -> memref<125xi32, #tpu.memory_space<vmem>>
        %dma_start3A_714 = arith.constant 0 : i32
        %dma_start3A_715 = arith.constant 0 : i32
        %dma_start3A_716 = tpu.memref_slice %arg19[%dma_start3A_714, %dma_start3A_715] : memref<10240x64xf32, #tpu.memory_space<vmem_shared>> -> memref<10240x64xf32, #tpu.memory_space<vmem_shared>>
        tpu.enqueue_indirect_dma source(%arg8 : memref<125x64xf32, #tpu.memory_space<vmem>>) target(%dma_start3A_716 : memref<10240x64xf32, #tpu.memory_space<vmem_shared>>) offsets(%dma_start3A_713 : memref<125xi32, #tpu.memory_space<vmem>>) semaphore(%run_scoped3A_710 : memref<!tpu.dma_semaphore, #tpu.memory_space<semaphore_mem>>) {add = true}
        %dma_wait3A_717 = arith.constant 0 : i32
        %dma_wait3A_718 = tpu.memref_slice %arg10[%run_scoped3A_678, %dma_wait3A_717] : memref<1x125xi32, #tpu.memory_space<vmem>> -> memref<1x125xi32, #tpu.memory_space<vmem>>
        %dma_wait3A_719 = tpu.memref_squeeze %dma_wait3A_718 : memref<1x125xi32, #tpu.memory_space<vmem>> -> memref<125xi32, #tpu.memory_space<vmem>>
        %dma_wait3A_720 = arith.constant 0 : i32
        %dma_wait3A_721 = arith.constant 0 : i32
        %dma_wait3A_722 = tpu.memref_slice %arg19[%dma_wait3A_720, %dma_wait3A_721] : memref<10240x64xf32, #tpu.memory_space<vmem_shared>> -> memref<10240x64xf32, #tpu.memory_space<vmem_shared>>
        tpu.wait_indirect_dma semaphore(%run_scoped3A_710 : memref<!tpu.dma_semaphore, #tpu.memory_space<semaphore_mem>>) src(%arg8 : memref<125x64xf32, #tpu.memory_space<vmem>>) dst(%dma_wait3A_722 : memref<10240x64xf32, #tpu.memory_space<vmem_shared>>)
        tpu.yield
      }) : () -> ()
      %dma_wait3A_679 = arith.constant 0 : i32
      %dma_wait3A_680 = arith.constant 0 : i32
      %dma_wait3A_681 = tpu.memref_slice %arg11[%dma_wait3A_679, %dma_wait3A_680] : memref<1x125xi32, #tpu.memory_space<vmem>> -> memref<1x125xi32, #tpu.memory_space<vmem>>
      %dma_wait3A_682 = tpu.memref_squeeze %dma_wait3A_681 : memref<1x125xi32, #tpu.memory_space<vmem>> -> memref<125xi32, #tpu.memory_space<vmem>>
      %dma_wait3A_683 = arith.constant 0 : i32
      %dma_wait3A_684 = arith.constant 0 : i32
      %dma_wait3A_685 = tpu.memref_slice %arg20[%dma_wait3A_683, %dma_wait3A_684] : memref<10240x8xf32, #tpu.memory_space<vmem_shared>> -> memref<10240x8xf32, #tpu.memory_space<vmem_shared>>
      tpu.wait_indirect_dma semaphore(%arg16 : memref<!tpu.dma_semaphore, #tpu.memory_space<semaphore_mem>>) src(%arg12 : memref<125x8xf32, #tpu.memory_space<vmem>>) dst(%dma_wait3A_685 : memref<10240x8xf32, #tpu.memory_space<vmem_shared>>)
      %dma_start3A_686 = arith.constant 0 : i32
      %dma_start3A_687 = arith.constant 0 : i32
      %dma_start3A_688 = tpu.memref_slice %arg10[%dma_start3A_686, %dma_start3A_687] : memref<1x125xi32, #tpu.memory_space<vmem>> -> memref<1x125xi32, #tpu.memory_space<vmem>>
      %dma_start3A_689 = tpu.memref_squeeze %dma_start3A_688 : memref<1x125xi32, #tpu.memory_space<vmem>> -> memref<125xi32, #tpu.memory_space<vmem>>
      %dma_start3A_690 = arith.constant 0 : i32
      %dma_start3A_691 = arith.constant 0 : i32
      %dma_start3A_692 = tpu.memref_slice %arg20[%dma_start3A_690, %dma_start3A_691] : memref<10240x8xf32, #tpu.memory_space<vmem_shared>> -> memref<10240x8xf32, #tpu.memory_space<vmem_shared>>
      tpu.enqueue_indirect_dma source(%arg12 : memref<125x8xf32, #tpu.memory_space<vmem>>) target(%dma_start3A_692 : memref<10240x8xf32, #tpu.memory_space<vmem_shared>>) offsets(%dma_start3A_689 : memref<125xi32, #tpu.memory_space<vmem>>) semaphore(%arg16 : memref<!tpu.dma_semaphore, #tpu.memory_space<semaphore_mem>>) {add = true}
      %add3A_693 = arith.constant 2 : i32
      %add3A_694 = arith.addi %add3A_662, %add3A_693 : i32
      %mul3A_695 = arith.constant 125 : i32
      %mul3A_696 = arith.muli %add3A_694, %mul3A_695 : i32
      %add3A_697 = arith.addi %mul3A_349, %mul3A_696 : i32
      %mul3A_698 = arith.constant 64 : i32
      %mul3A_699 = arith.muli %arg0, %mul3A_698 : i32
      %dma_start3A_700 = tpu.memref_slice %arg2[%add3A_697, %mul3A_699] : memref<320000x128xf32, #tpu.memory_space<hbm>> -> memref<125x64xf32, #tpu.memory_space<hbm>>
      %dma_start3A_701 = tpu.memref_slice %arg2[%add3A_697, %mul3A_699] : memref<320000x128xf32, #tpu.memory_space<hbm>> -> memref<125x64xf32, #tpu.memory_space<hbm>>
      tpu.enqueue_dma source(%dma_start3A_701 : memref<125x64xf32, #tpu.memory_space<hbm>>) target(%arg8 : memref<125x64xf32, #tpu.memory_space<vmem>>) target_semaphore(%arg14 : memref<!tpu.dma_semaphore, #tpu.memory_space<semaphore_mem>>)
      %dma_start3A_702 = arith.constant 0 : i32
      %dma_start3A_703 = arith.constant 0 : i32
      %dma_start3A_704 = tpu.memref_slice %arg3[%arg1, %add3A_694, %dma_start3A_702, %dma_start3A_703] : memref<16x160x1x125xi32, #tpu.memory_space<hbm>> -> memref<1x1x1x125xi32, #tpu.memory_space<hbm>>
      %dma_start3A_705 = tpu.memref_squeeze %dma_start3A_704 : memref<1x1x1x125xi32, #tpu.memory_space<hbm>> -> memref<1x125xi32, #tpu.memory_space<hbm>>
      %dma_start3A_706 = arith.constant 0 : i32
      %dma_start3A_707 = arith.constant 0 : i32
      %dma_start3A_708 = tpu.memref_slice %arg3[%arg1, %add3A_694, %dma_start3A_706, %dma_start3A_707] : memref<16x160x1x125xi32, #tpu.memory_space<hbm>> -> memref<1x1x1x125xi32, #tpu.memory_space<hbm>>
      %dma_start3A_709 = tpu.memref_squeeze %dma_start3A_708 : memref<1x1x1x125xi32, #tpu.memory_space<hbm>> -> memref<1x125xi32, #tpu.memory_space<hbm>>
      tpu.enqueue_dma source(%dma_start3A_709 : memref<1x125xi32, #tpu.memory_space<hbm>>) target(%arg10 : memref<1x125xi32, #tpu.memory_space<vmem>>) target_semaphore(%arg14 : memref<!tpu.dma_semaphore, #tpu.memory_space<semaphore_mem>>)
    }
    %scan3A_421 = arith.constant 78 : i32
    %add3A_422 = arith.constant 19625 : i32
    %add3A_423 = arith.addi %mul3A_349, %add3A_422 : i32
    %mul3A_424 = arith.constant 64 : i32
    %mul3A_425 = arith.muli %arg0, %mul3A_424 : i32
    %dma_wait3A_426 = tpu.memref_slice %arg2[%add3A_423, %mul3A_425] : memref<320000x128xf32, #tpu.memory_space<hbm>> -> memref<125x64xf32, #tpu.memory_space<hbm>>
    %dma_wait3A_427 = tpu.memref_slice %arg2[%add3A_423, %mul3A_425] : memref<320000x128xf32, #tpu.memory_space<hbm>> -> memref<125x64xf32, #tpu.memory_space<hbm>>
    tpu.wait_dma2 semaphore(%arg15 : memref<!tpu.dma_semaphore, #tpu.memory_space<semaphore_mem>>) src(%dma_wait3A_427 : memref<125x64xf32, #tpu.memory_space<hbm>>) dst(%arg9 : memref<125x64xf32, #tpu.memory_space<vmem>>)
    %dma_wait3A_428 = arith.constant 157 : i32
    %dma_wait3A_429 = arith.constant 0 : i32
    %dma_wait3A_430 = arith.constant 0 : i32
    %dma_wait3A_431 = tpu.memref_slice %arg3[%arg1, %dma_wait3A_428, %dma_wait3A_429, %dma_wait3A_430] : memref<16x160x1x125xi32, #tpu.memory_space<hbm>> -> memref<1x1x1x125xi32, #tpu.memory_space<hbm>>
    %dma_wait3A_432 = tpu.memref_squeeze %dma_wait3A_431 : memref<1x1x1x125xi32, #tpu.memory_space<hbm>> -> memref<1x125xi32, #tpu.memory_space<hbm>>
    %dma_wait3A_433 = arith.constant 0 : i32
    %dma_wait3A_434 = arith.constant 0 : i32
    %dma_wait3A_435 = tpu.memref_slice %arg3[%arg1, %dma_wait3A_428, %dma_wait3A_433, %dma_wait3A_434] : memref<16x160x1x125xi32, #tpu.memory_space<hbm>> -> memref<1x1x1x125xi32, #tpu.memory_space<hbm>>
    %dma_wait3A_436 = tpu.memref_squeeze %dma_wait3A_435 : memref<1x1x1x125xi32, #tpu.memory_space<hbm>> -> memref<1x125xi32, #tpu.memory_space<hbm>>
    tpu.wait_dma2 semaphore(%arg15 : memref<!tpu.dma_semaphore, #tpu.memory_space<semaphore_mem>>) src(%dma_wait3A_436 : memref<1x125xi32, #tpu.memory_space<hbm>>) dst(%arg11 : memref<1x125xi32, #tpu.memory_space<vmem>>)
    %run_scoped3A_437 = arith.constant 0 : i32
    "tpu.region"() ({
      %run_scoped3A_607 = tpu.sem_alloc : memref<!tpu.dma_semaphore, #tpu.memory_space<semaphore_mem>>
      %dma_start3A_608 = arith.constant 0 : i32
      %dma_start3A_609 = tpu.memref_slice %arg11[%run_scoped3A_437, %dma_start3A_608] : memref<1x125xi32, #tpu.memory_space<vmem>> -> memref<1x125xi32, #tpu.memory_space<vmem>>
      %dma_start3A_610 = tpu.memref_squeeze %dma_start3A_609 : memref<1x125xi32, #tpu.memory_space<vmem>> -> memref<125xi32, #tpu.memory_space<vmem>>
      %dma_start3A_611 = arith.constant 0 : i32
      %dma_start3A_612 = arith.constant 0 : i32
      %dma_start3A_613 = tpu.memref_slice %arg19[%dma_start3A_611, %dma_start3A_612] : memref<10240x64xf32, #tpu.memory_space<vmem_shared>> -> memref<10240x64xf32, #tpu.memory_space<vmem_shared>>
      tpu.enqueue_indirect_dma source(%arg9 : memref<125x64xf32, #tpu.memory_space<vmem>>) target(%dma_start3A_613 : memref<10240x64xf32, #tpu.memory_space<vmem_shared>>) offsets(%dma_start3A_610 : memref<125xi32, #tpu.memory_space<vmem>>) semaphore(%run_scoped3A_607 : memref<!tpu.dma_semaphore, #tpu.memory_space<semaphore_mem>>) {add = true}
      %dma_wait3A_614 = arith.constant 0 : i32
      %dma_wait3A_615 = tpu.memref_slice %arg11[%run_scoped3A_437, %dma_wait3A_614] : memref<1x125xi32, #tpu.memory_space<vmem>> -> memref<1x125xi32, #tpu.memory_space<vmem>>
      %dma_wait3A_616 = tpu.memref_squeeze %dma_wait3A_615 : memref<1x125xi32, #tpu.memory_space<vmem>> -> memref<125xi32, #tpu.memory_space<vmem>>
      %dma_wait3A_617 = arith.constant 0 : i32
      %dma_wait3A_618 = arith.constant 0 : i32
      %dma_wait3A_619 = tpu.memref_slice %arg19[%dma_wait3A_617, %dma_wait3A_618] : memref<10240x64xf32, #tpu.memory_space<vmem_shared>> -> memref<10240x64xf32, #tpu.memory_space<vmem_shared>>
      tpu.wait_indirect_dma semaphore(%run_scoped3A_607 : memref<!tpu.dma_semaphore, #tpu.memory_space<semaphore_mem>>) src(%arg9 : memref<125x64xf32, #tpu.memory_space<vmem>>) dst(%dma_wait3A_619 : memref<10240x64xf32, #tpu.memory_space<vmem_shared>>)
      tpu.yield
    }) : () -> ()
    %dma_wait3A_438 = arith.constant 0 : i32
    %dma_wait3A_439 = arith.constant 0 : i32
    %dma_wait3A_440 = tpu.memref_slice %arg10[%dma_wait3A_438, %dma_wait3A_439] : memref<1x125xi32, #tpu.memory_space<vmem>> -> memref<1x125xi32, #tpu.memory_space<vmem>>
    %dma_wait3A_441 = tpu.memref_squeeze %dma_wait3A_440 : memref<1x125xi32, #tpu.memory_space<vmem>> -> memref<125xi32, #tpu.memory_space<vmem>>
    %dma_wait3A_442 = arith.constant 0 : i32
    %dma_wait3A_443 = arith.constant 0 : i32
    %dma_wait3A_444 = tpu.memref_slice %arg20[%dma_wait3A_442, %dma_wait3A_443] : memref<10240x8xf32, #tpu.memory_space<vmem_shared>> -> memref<10240x8xf32, #tpu.memory_space<vmem_shared>>
    tpu.wait_indirect_dma semaphore(%arg16 : memref<!tpu.dma_semaphore, #tpu.memory_space<semaphore_mem>>) src(%arg12 : memref<125x8xf32, #tpu.memory_space<vmem>>) dst(%dma_wait3A_444 : memref<10240x8xf32, #tpu.memory_space<vmem_shared>>)
    %dma_start3A_445 = arith.constant 0 : i32
    %dma_start3A_446 = arith.constant 0 : i32
    %dma_start3A_447 = tpu.memref_slice %arg11[%dma_start3A_445, %dma_start3A_446] : memref<1x125xi32, #tpu.memory_space<vmem>> -> memref<1x125xi32, #tpu.memory_space<vmem>>
    %dma_start3A_448 = tpu.memref_squeeze %dma_start3A_447 : memref<1x125xi32, #tpu.memory_space<vmem>> -> memref<125xi32, #tpu.memory_space<vmem>>
    %dma_start3A_449 = arith.constant 0 : i32
    %dma_start3A_450 = arith.constant 0 : i32
    %dma_start3A_451 = tpu.memref_slice %arg20[%dma_start3A_449, %dma_start3A_450] : memref<10240x8xf32, #tpu.memory_space<vmem_shared>> -> memref<10240x8xf32, #tpu.memory_space<vmem_shared>>
    tpu.enqueue_indirect_dma source(%arg12 : memref<125x8xf32, #tpu.memory_space<vmem>>) target(%dma_start3A_451 : memref<10240x8xf32, #tpu.memory_space<vmem_shared>>) offsets(%dma_start3A_448 : memref<125xi32, #tpu.memory_space<vmem>>) semaphore(%arg16 : memref<!tpu.dma_semaphore, #tpu.memory_space<semaphore_mem>>) {add = true}
    %add3A_452 = arith.constant 19875 : i32
    %add3A_453 = arith.addi %mul3A_349, %add3A_452 : i32
    %mul3A_454 = arith.constant 64 : i32
    %mul3A_455 = arith.muli %arg0, %mul3A_454 : i32
    %dma_start3A_456 = tpu.memref_slice %arg2[%add3A_453, %mul3A_455] : memref<320000x128xf32, #tpu.memory_space<hbm>> -> memref<125x64xf32, #tpu.memory_space<hbm>>
    %dma_start3A_457 = tpu.memref_slice %arg2[%add3A_453, %mul3A_455] : memref<320000x128xf32, #tpu.memory_space<hbm>> -> memref<125x64xf32, #tpu.memory_space<hbm>>
    tpu.enqueue_dma source(%dma_start3A_457 : memref<125x64xf32, #tpu.memory_space<hbm>>) target(%arg9 : memref<125x64xf32, #tpu.memory_space<vmem>>) target_semaphore(%arg15 : memref<!tpu.dma_semaphore, #tpu.memory_space<semaphore_mem>>)
    %dma_start3A_458 = arith.constant 159 : i32
    %dma_start3A_459 = arith.constant 0 : i32
    %dma_start3A_460 = arith.constant 0 : i32
    %dma_start3A_461 = tpu.memref_slice %arg3[%arg1, %dma_start3A_458, %dma_start3A_459, %dma_start3A_460] : memref<16x160x1x125xi32, #tpu.memory_space<hbm>> -> memref<1x1x1x125xi32, #tpu.memory_space<hbm>>
    %dma_start3A_462 = tpu.memref_squeeze %dma_start3A_461 : memref<1x1x1x125xi32, #tpu.memory_space<hbm>> -> memref<1x125xi32, #tpu.memory_space<hbm>>
    %dma_start3A_463 = arith.constant 0 : i32
    %dma_start3A_464 = arith.constant 0 : i32
    %dma_start3A_465 = tpu.memref_slice %arg3[%arg1, %dma_start3A_458, %dma_start3A_463, %dma_start3A_464] : memref<16x160x1x125xi32, #tpu.memory_space<hbm>> -> memref<1x1x1x125xi32, #tpu.memory_space<hbm>>
    %dma_start3A_466 = tpu.memref_squeeze %dma_start3A_465 : memref<1x1x1x125xi32, #tpu.memory_space<hbm>> -> memref<1x125xi32, #tpu.memory_space<hbm>>
    tpu.enqueue_dma source(%dma_start3A_466 : memref<1x125xi32, #tpu.memory_space<hbm>>) target(%arg11 : memref<1x125xi32, #tpu.memory_space<vmem>>) target_semaphore(%arg15 : memref<!tpu.dma_semaphore, #tpu.memory_space<semaphore_mem>>)
    %add3A_467 = arith.constant 19750 : i32
    %add3A_468 = arith.addi %mul3A_349, %add3A_467 : i32
    %mul3A_469 = arith.constant 64 : i32
    %mul3A_470 = arith.muli %arg0, %mul3A_469 : i32
    %dma_wait3A_471 = tpu.memref_slice %arg2[%add3A_468, %mul3A_470] : memref<320000x128xf32, #tpu.memory_space<hbm>> -> memref<125x64xf32, #tpu.memory_space<hbm>>
    %dma_wait3A_472 = tpu.memref_slice %arg2[%add3A_468, %mul3A_470] : memref<320000x128xf32, #tpu.memory_space<hbm>> -> memref<125x64xf32, #tpu.memory_space<hbm>>
    tpu.wait_dma2 semaphore(%arg14 : memref<!tpu.dma_semaphore, #tpu.memory_space<semaphore_mem>>) src(%dma_wait3A_472 : memref<125x64xf32, #tpu.memory_space<hbm>>) dst(%arg8 : memref<125x64xf32, #tpu.memory_space<vmem>>)
    %dma_wait3A_473 = arith.constant 158 : i32
    %dma_wait3A_474 = arith.constant 0 : i32
    %dma_wait3A_475 = arith.constant 0 : i32
    %dma_wait3A_476 = tpu.memref_slice %arg3[%arg1, %dma_wait3A_473, %dma_wait3A_474, %dma_wait3A_475] : memref<16x160x1x125xi32, #tpu.memory_space<hbm>> -> memref<1x1x1x125xi32, #tpu.memory_space<hbm>>
    %dma_wait3A_477 = tpu.memref_squeeze %dma_wait3A_476 : memref<1x1x1x125xi32, #tpu.memory_space<hbm>> -> memref<1x125xi32, #tpu.memory_space<hbm>>
    %dma_wait3A_478 = arith.constant 0 : i32
    %dma_wait3A_479 = arith.constant 0 : i32
    %dma_wait3A_480 = tpu.memref_slice %arg3[%arg1, %dma_wait3A_473, %dma_wait3A_478, %dma_wait3A_479] : memref<16x160x1x125xi32, #tpu.memory_space<hbm>> -> memref<1x1x1x125xi32, #tpu.memory_space<hbm>>
    %dma_wait3A_481 = tpu.memref_squeeze %dma_wait3A_480 : memref<1x1x1x125xi32, #tpu.memory_space<hbm>> -> memref<1x125xi32, #tpu.memory_space<hbm>>
    tpu.wait_dma2 semaphore(%arg14 : memref<!tpu.dma_semaphore, #tpu.memory_space<semaphore_mem>>) src(%dma_wait3A_481 : memref<1x125xi32, #tpu.memory_space<hbm>>) dst(%arg10 : memref<1x125xi32, #tpu.memory_space<vmem>>)
    %run_scoped3A_482 = arith.constant 0 : i32
    "tpu.region"() ({
      %run_scoped3A_607 = tpu.sem_alloc : memref<!tpu.dma_semaphore, #tpu.memory_space<semaphore_mem>>
      %dma_start3A_608 = arith.constant 0 : i32
      %dma_start3A_609 = tpu.memref_slice %arg10[%run_scoped3A_482, %dma_start3A_608] : memref<1x125xi32, #tpu.memory_space<vmem>> -> memref<1x125xi32, #tpu.memory_space<vmem>>
      %dma_start3A_610 = tpu.memref_squeeze %dma_start3A_609 : memref<1x125xi32, #tpu.memory_space<vmem>> -> memref<125xi32, #tpu.memory_space<vmem>>
      %dma_start3A_611 = arith.constant 0 : i32
      %dma_start3A_612 = arith.constant 0 : i32
      %dma_start3A_613 = tpu.memref_slice %arg19[%dma_start3A_611, %dma_start3A_612] : memref<10240x64xf32, #tpu.memory_space<vmem_shared>> -> memref<10240x64xf32, #tpu.memory_space<vmem_shared>>
      tpu.enqueue_indirect_dma source(%arg8 : memref<125x64xf32, #tpu.memory_space<vmem>>) target(%dma_start3A_613 : memref<10240x64xf32, #tpu.memory_space<vmem_shared>>) offsets(%dma_start3A_610 : memref<125xi32, #tpu.memory_space<vmem>>) semaphore(%run_scoped3A_607 : memref<!tpu.dma_semaphore, #tpu.memory_space<semaphore_mem>>) {add = true}
      %dma_wait3A_614 = arith.constant 0 : i32
      %dma_wait3A_615 = tpu.memref_slice %arg10[%run_scoped3A_482, %dma_wait3A_614] : memref<1x125xi32, #tpu.memory_space<vmem>> -> memref<1x125xi32, #tpu.memory_space<vmem>>
      %dma_wait3A_616 = tpu.memref_squeeze %dma_wait3A_615 : memref<1x125xi32, #tpu.memory_space<vmem>> -> memref<125xi32, #tpu.memory_space<vmem>>
      %dma_wait3A_617 = arith.constant 0 : i32
      %dma_wait3A_618 = arith.constant 0 : i32
      %dma_wait3A_619 = tpu.memref_slice %arg19[%dma_wait3A_617, %dma_wait3A_618] : memref<10240x64xf32, #tpu.memory_space<vmem_shared>> -> memref<10240x64xf32, #tpu.memory_space<vmem_shared>>
      tpu.wait_indirect_dma semaphore(%run_scoped3A_607 : memref<!tpu.dma_semaphore, #tpu.memory_space<semaphore_mem>>) src(%arg8 : memref<125x64xf32, #tpu.memory_space<vmem>>) dst(%dma_wait3A_619 : memref<10240x64xf32, #tpu.memory_space<vmem_shared>>)
      tpu.yield
    }) : () -> ()
    %dma_wait3A_483 = arith.constant 0 : i32
    %dma_wait3A_484 = arith.constant 0 : i32
    %dma_wait3A_485 = tpu.memref_slice %arg11[%dma_wait3A_483, %dma_wait3A_484] : memref<1x125xi32, #tpu.memory_space<vmem>> -> memref<1x125xi32, #tpu.memory_space<vmem>>
    %dma_wait3A_486 = tpu.memref_squeeze %dma_wait3A_485 : memref<1x125xi32, #tpu.memory_space<vmem>> -> memref<125xi32, #tpu.memory_space<vmem>>
    %dma_wait3A_487 = arith.constant 0 : i32
    %dma_wait3A_488 = arith.constant 0 : i32
    %dma_wait3A_489 = tpu.memref_slice %arg20[%dma_wait3A_487, %dma_wait3A_488] : memref<10240x8xf32, #tpu.memory_space<vmem_shared>> -> memref<10240x8xf32, #tpu.memory_space<vmem_shared>>
    tpu.wait_indirect_dma semaphore(%arg16 : memref<!tpu.dma_semaphore, #tpu.memory_space<semaphore_mem>>) src(%arg12 : memref<125x8xf32, #tpu.memory_space<vmem>>) dst(%dma_wait3A_489 : memref<10240x8xf32, #tpu.memory_space<vmem_shared>>)
    %dma_start3A_490 = arith.constant 0 : i32
    %dma_start3A_491 = arith.constant 0 : i32
    %dma_start3A_492 = tpu.memref_slice %arg10[%dma_start3A_490, %dma_start3A_491] : memref<1x125xi32, #tpu.memory_space<vmem>> -> memref<1x125xi32, #tpu.memory_space<vmem>>
    %dma_start3A_493 = tpu.memref_squeeze %dma_start3A_492 : memref<1x125xi32, #tpu.memory_space<vmem>> -> memref<125xi32, #tpu.memory_space<vmem>>
    %dma_start3A_494 = arith.constant 0 : i32
    %dma_start3A_495 = arith.constant 0 : i32
    %dma_start3A_496 = tpu.memref_slice %arg20[%dma_start3A_494, %dma_start3A_495] : memref<10240x8xf32, #tpu.memory_space<vmem_shared>> -> memref<10240x8xf32, #tpu.memory_space<vmem_shared>>
    tpu.enqueue_indirect_dma source(%arg12 : memref<125x8xf32, #tpu.memory_space<vmem>>) target(%dma_start3A_496 : memref<10240x8xf32, #tpu.memory_space<vmem_shared>>) offsets(%dma_start3A_493 : memref<125xi32, #tpu.memory_space<vmem>>) semaphore(%arg16 : memref<!tpu.dma_semaphore, #tpu.memory_space<semaphore_mem>>) {add = true}
    %add3A_497 = arith.constant 19875 : i32
    %add3A_498 = arith.addi %mul3A_349, %add3A_497 : i32
    %mul3A_499 = arith.constant 64 : i32
    %mul3A_500 = arith.muli %arg0, %mul3A_499 : i32
    %dma_wait3A_501 = tpu.memref_slice %arg2[%add3A_498, %mul3A_500] : memref<320000x128xf32, #tpu.memory_space<hbm>> -> memref<125x64xf32, #tpu.memory_space<hbm>>
    %dma_wait3A_502 = tpu.memref_slice %arg2[%add3A_498, %mul3A_500] : memref<320000x128xf32, #tpu.memory_space<hbm>> -> memref<125x64xf32, #tpu.memory_space<hbm>>
    tpu.wait_dma2 semaphore(%arg15 : memref<!tpu.dma_semaphore, #tpu.memory_space<semaphore_mem>>) src(%dma_wait3A_502 : memref<125x64xf32, #tpu.memory_space<hbm>>) dst(%arg9 : memref<125x64xf32, #tpu.memory_space<vmem>>)
    %dma_wait3A_503 = arith.constant 159 : i32
    %dma_wait3A_504 = arith.constant 0 : i32
    %dma_wait3A_505 = arith.constant 0 : i32
    %dma_wait3A_506 = tpu.memref_slice %arg3[%arg1, %dma_wait3A_503, %dma_wait3A_504, %dma_wait3A_505] : memref<16x160x1x125xi32, #tpu.memory_space<hbm>> -> memref<1x1x1x125xi32, #tpu.memory_space<hbm>>
    %dma_wait3A_507 = tpu.memref_squeeze %dma_wait3A_506 : memref<1x1x1x125xi32, #tpu.memory_space<hbm>> -> memref<1x125xi32, #tpu.memory_space<hbm>>
    %dma_wait3A_508 = arith.constant 0 : i32
    %dma_wait3A_509 = arith.constant 0 : i32
    %dma_wait3A_510 = tpu.memref_slice %arg3[%arg1, %dma_wait3A_503, %dma_wait3A_508, %dma_wait3A_509] : memref<16x160x1x125xi32, #tpu.memory_space<hbm>> -> memref<1x1x1x125xi32, #tpu.memory_space<hbm>>
    %dma_wait3A_511 = tpu.memref_squeeze %dma_wait3A_510 : memref<1x1x1x125xi32, #tpu.memory_space<hbm>> -> memref<1x125xi32, #tpu.memory_space<hbm>>
    tpu.wait_dma2 semaphore(%arg15 : memref<!tpu.dma_semaphore, #tpu.memory_space<semaphore_mem>>) src(%dma_wait3A_511 : memref<1x125xi32, #tpu.memory_space<hbm>>) dst(%arg11 : memref<1x125xi32, #tpu.memory_space<vmem>>)
    %run_scoped3A_512 = arith.constant 0 : i32
    "tpu.region"() ({
      %run_scoped3A_607 = tpu.sem_alloc : memref<!tpu.dma_semaphore, #tpu.memory_space<semaphore_mem>>
      %dma_start3A_608 = arith.constant 0 : i32
      %dma_start3A_609 = tpu.memref_slice %arg11[%run_scoped3A_512, %dma_start3A_608] : memref<1x125xi32, #tpu.memory_space<vmem>> -> memref<1x125xi32, #tpu.memory_space<vmem>>
      %dma_start3A_610 = tpu.memref_squeeze %dma_start3A_609 : memref<1x125xi32, #tpu.memory_space<vmem>> -> memref<125xi32, #tpu.memory_space<vmem>>
      %dma_start3A_611 = arith.constant 0 : i32
      %dma_start3A_612 = arith.constant 0 : i32
      %dma_start3A_613 = tpu.memref_slice %arg19[%dma_start3A_611, %dma_start3A_612] : memref<10240x64xf32, #tpu.memory_space<vmem_shared>> -> memref<10240x64xf32, #tpu.memory_space<vmem_shared>>
      tpu.enqueue_indirect_dma source(%arg9 : memref<125x64xf32, #tpu.memory_space<vmem>>) target(%dma_start3A_613 : memref<10240x64xf32, #tpu.memory_space<vmem_shared>>) offsets(%dma_start3A_610 : memref<125xi32, #tpu.memory_space<vmem>>) semaphore(%run_scoped3A_607 : memref<!tpu.dma_semaphore, #tpu.memory_space<semaphore_mem>>) {add = true}
      %dma_wait3A_614 = arith.constant 0 : i32
      %dma_wait3A_615 = tpu.memref_slice %arg11[%run_scoped3A_512, %dma_wait3A_614] : memref<1x125xi32, #tpu.memory_space<vmem>> -> memref<1x125xi32, #tpu.memory_space<vmem>>
      %dma_wait3A_616 = tpu.memref_squeeze %dma_wait3A_615 : memref<1x125xi32, #tpu.memory_space<vmem>> -> memref<125xi32, #tpu.memory_space<vmem>>
      %dma_wait3A_617 = arith.constant 0 : i32
      %dma_wait3A_618 = arith.constant 0 : i32
      %dma_wait3A_619 = tpu.memref_slice %arg19[%dma_wait3A_617, %dma_wait3A_618] : memref<10240x64xf32, #tpu.memory_space<vmem_shared>> -> memref<10240x64xf32, #tpu.memory_space<vmem_shared>>
      tpu.wait_indirect_dma semaphore(%run_scoped3A_607 : memref<!tpu.dma_semaphore, #tpu.memory_space<semaphore_mem>>) src(%arg9 : memref<125x64xf32, #tpu.memory_space<vmem>>) dst(%dma_wait3A_619 : memref<10240x64xf32, #tpu.memory_space<vmem_shared>>)
      tpu.yield
    }) : () -> ()
    %dma_wait3A_513 = arith.constant 0 : i32
    %dma_wait3A_514 = arith.constant 0 : i32
    %dma_wait3A_515 = tpu.memref_slice %arg10[%dma_wait3A_513, %dma_wait3A_514] : memref<1x125xi32, #tpu.memory_space<vmem>> -> memref<1x125xi32, #tpu.memory_space<vmem>>
    %dma_wait3A_516 = tpu.memref_squeeze %dma_wait3A_515 : memref<1x125xi32, #tpu.memory_space<vmem>> -> memref<125xi32, #tpu.memory_space<vmem>>
    %dma_wait3A_517 = arith.constant 0 : i32
    %dma_wait3A_518 = arith.constant 0 : i32
    %dma_wait3A_519 = tpu.memref_slice %arg20[%dma_wait3A_517, %dma_wait3A_518] : memref<10240x8xf32, #tpu.memory_space<vmem_shared>> -> memref<10240x8xf32, #tpu.memory_space<vmem_shared>>
    tpu.wait_indirect_dma semaphore(%arg16 : memref<!tpu.dma_semaphore, #tpu.memory_space<semaphore_mem>>) src(%arg12 : memref<125x8xf32, #tpu.memory_space<vmem>>) dst(%dma_wait3A_519 : memref<10240x8xf32, #tpu.memory_space<vmem_shared>>)
    %dma_start3A_520 = arith.constant 0 : i32
    %dma_start3A_521 = arith.constant 0 : i32
    %dma_start3A_522 = tpu.memref_slice %arg11[%dma_start3A_520, %dma_start3A_521] : memref<1x125xi32, #tpu.memory_space<vmem>> -> memref<1x125xi32, #tpu.memory_space<vmem>>
    %dma_start3A_523 = tpu.memref_squeeze %dma_start3A_522 : memref<1x125xi32, #tpu.memory_space<vmem>> -> memref<125xi32, #tpu.memory_space<vmem>>
    %dma_start3A_524 = arith.constant 0 : i32
    %dma_start3A_525 = arith.constant 0 : i32
    %dma_start3A_526 = tpu.memref_slice %arg20[%dma_start3A_524, %dma_start3A_525] : memref<10240x8xf32, #tpu.memory_space<vmem_shared>> -> memref<10240x8xf32, #tpu.memory_space<vmem_shared>>
    tpu.enqueue_indirect_dma source(%arg12 : memref<125x8xf32, #tpu.memory_space<vmem>>) target(%dma_start3A_526 : memref<10240x8xf32, #tpu.memory_space<vmem_shared>>) offsets(%dma_start3A_523 : memref<125xi32, #tpu.memory_space<vmem>>) semaphore(%arg16 : memref<!tpu.dma_semaphore, #tpu.memory_space<semaphore_mem>>) {add = true}
    %dma_wait3A_527 = arith.constant 0 : i32
    %dma_wait3A_528 = arith.constant 0 : i32
    %dma_wait3A_529 = tpu.memref_slice %arg11[%dma_wait3A_527, %dma_wait3A_528] : memref<1x125xi32, #tpu.memory_space<vmem>> -> memref<1x125xi32, #tpu.memory_space<vmem>>
    %dma_wait3A_530 = tpu.memref_squeeze %dma_wait3A_529 : memref<1x125xi32, #tpu.memory_space<vmem>> -> memref<125xi32, #tpu.memory_space<vmem>>
    %dma_wait3A_531 = arith.constant 0 : i32
    %dma_wait3A_532 = arith.constant 0 : i32
    %dma_wait3A_533 = tpu.memref_slice %arg20[%dma_wait3A_531, %dma_wait3A_532] : memref<10240x8xf32, #tpu.memory_space<vmem_shared>> -> memref<10240x8xf32, #tpu.memory_space<vmem_shared>>
    tpu.wait_indirect_dma semaphore(%arg16 : memref<!tpu.dma_semaphore, #tpu.memory_space<semaphore_mem>>) src(%arg12 : memref<125x8xf32, #tpu.memory_space<vmem>>) dst(%dma_wait3A_533 : memref<10240x8xf32, #tpu.memory_space<vmem_shared>>)
    %barrier3A_534 = arith.constant 0 : index
    tpu.barrier barrier_id(%barrier3A_534)
    %mul3A_535 = arith.constant 640 : i32
    %mul3A_536 = arith.muli %arg1, %mul3A_535 : i32
    %add3A_537 = arith.constant 0 : i32
    %add3A_538 = arith.addi %mul3A_536, %add3A_537 : i32
    "tpu.region"() ({
      %run_scoped3A_607 = tpu.sem_alloc : memref<!tpu.dma_semaphore, #tpu.memory_space<semaphore_mem>>
      %dma_start3A_608 = arith.constant 0 : i32
      %dma_start3A_609 = arith.constant 0 : i32
      %dma_start3A_610 = tpu.memref_slice %arg8[%dma_start3A_608, %dma_start3A_609] : memref<125x64xf32, #tpu.memory_space<vmem>> -> memref<80x64xf32, #tpu.memory_space<vmem>>
      %dma_start3A_611 = arith.constant 0 : i32
      %dma_start3A_612 = tpu.memref_slice %arg19[%add3A_538, %dma_start3A_611] : memref<10240x64xf32, #tpu.memory_space<vmem_shared>> -> memref<80x64xf32, #tpu.memory_space<vmem_shared>>
      %dma_start3A_613 = arith.constant 0 : i32
      %dma_start3A_614 = arith.constant 0 : i32
      %dma_start3A_615 = tpu.memref_slice %arg8[%dma_start3A_613, %dma_start3A_614] : memref<125x64xf32, #tpu.memory_space<vmem>> -> memref<80x64xf32, #tpu.memory_space<vmem>>
      %dma_start3A_616 = arith.constant 0 : i32
      %dma_start3A_617 = tpu.memref_slice %arg19[%add3A_538, %dma_start3A_616] : memref<10240x64xf32, #tpu.memory_space<vmem_shared>> -> memref<80x64xf32, #tpu.memory_space<vmem_shared>>
      tpu.enqueue_dma source(%dma_start3A_617 : memref<80x64xf32, #tpu.memory_space<vmem_shared>>) target(%dma_start3A_615 : memref<80x64xf32, #tpu.memory_space<vmem>>) target_semaphore(%run_scoped3A_607 : memref<!tpu.dma_semaphore, #tpu.memory_space<semaphore_mem>>)
      %dma_wait3A_618 = arith.constant 0 : i32
      %dma_wait3A_619 = arith.constant 0 : i32
      %dma_wait3A_620 = tpu.memref_slice %arg8[%dma_wait3A_618, %dma_wait3A_619] : memref<125x64xf32, #tpu.memory_space<vmem>> -> memref<80x64xf32, #tpu.memory_space<vmem>>
      %dma_wait3A_621 = arith.constant 0 : i32
      %dma_wait3A_622 = tpu.memref_slice %arg19[%add3A_538, %dma_wait3A_621] : memref<10240x64xf32, #tpu.memory_space<vmem_shared>> -> memref<80x64xf32, #tpu.memory_space<vmem_shared>>
      %dma_wait3A_623 = arith.constant 0 : i32
      %dma_wait3A_624 = arith.constant 0 : i32
      %dma_wait3A_625 = tpu.memref_slice %arg8[%dma_wait3A_623, %dma_wait3A_624] : memref<125x64xf32, #tpu.memory_space<vmem>> -> memref<80x64xf32, #tpu.memory_space<vmem>>
      %dma_wait3A_626 = arith.constant 0 : i32
      %dma_wait3A_627 = tpu.memref_slice %arg19[%add3A_538, %dma_wait3A_626] : memref<10240x64xf32, #tpu.memory_space<vmem_shared>> -> memref<80x64xf32, #tpu.memory_space<vmem_shared>>
      tpu.wait_dma2 semaphore(%run_scoped3A_607 : memref<!tpu.dma_semaphore, #tpu.memory_space<semaphore_mem>>) src(%dma_wait3A_627 : memref<80x64xf32, #tpu.memory_space<vmem_shared>>) dst(%dma_wait3A_625 : memref<80x64xf32, #tpu.memory_space<vmem>>)
      tpu.yield
    }) : () -> ()
    "tpu.region"() ({
      %run_scoped3A_607 = tpu.sem_alloc : memref<!tpu.dma_semaphore, #tpu.memory_space<semaphore_mem>>
      %dma_start3A_608 = arith.constant 0 : i32
      %dma_start3A_609 = tpu.memref_slice %arg20[%add3A_538, %dma_start3A_608] : memref<10240x8xf32, #tpu.memory_space<vmem_shared>> -> memref<80x8xf32, #tpu.memory_space<vmem_shared>>
      %dma_start3A_610 = arith.constant 0 : i32
      %dma_start3A_611 = tpu.memref_slice %arg20[%add3A_538, %dma_start3A_610] : memref<10240x8xf32, #tpu.memory_space<vmem_shared>> -> memref<80x8xf32, #tpu.memory_space<vmem_shared>>
      tpu.enqueue_dma source(%dma_start3A_611 : memref<80x8xf32, #tpu.memory_space<vmem_shared>>) target(%arg13 : memref<80x8xf32, #tpu.memory_space<vmem>>) target_semaphore(%run_scoped3A_607 : memref<!tpu.dma_semaphore, #tpu.memory_space<semaphore_mem>>)
      %dma_wait3A_612 = arith.constant 0 : i32
      %dma_wait3A_613 = tpu.memref_slice %arg20[%add3A_538, %dma_wait3A_612] : memref<10240x8xf32, #tpu.memory_space<vmem_shared>> -> memref<80x8xf32, #tpu.memory_space<vmem_shared>>
      %dma_wait3A_614 = arith.constant 0 : i32
      %dma_wait3A_615 = tpu.memref_slice %arg20[%add3A_538, %dma_wait3A_614] : memref<10240x8xf32, #tpu.memory_space<vmem_shared>> -> memref<80x8xf32, #tpu.memory_space<vmem_shared>>
      tpu.wait_dma2 semaphore(%run_scoped3A_607 : memref<!tpu.dma_semaphore, #tpu.memory_space<semaphore_mem>>) src(%dma_wait3A_615 : memref<80x8xf32, #tpu.memory_space<vmem_shared>>) dst(%arg13 : memref<80x8xf32, #tpu.memory_space<vmem>>)
      tpu.yield
    }) : () -> ()
    %scan3A_539 = arith.constant 0 : i32
    %scan3A_540 = arith.constant 0 : i32
    %scan3A_541 = arith.constant 80 : i32
    %scan3A_542 = arith.addi %scan3A_540, %scan3A_541 : i32
    %scan3A_543 = arith.constant 1 : i32
    scf.for %scan3A_607 = %scan3A_540 to %scan3A_542 step %scan3A_543  : i32 {
      %broadcast_in_dim3A = vector.broadcast %scan3A_607 : i32 to vector<16xi32>
      %broadcast_in_dim3A_608 = arith.constant 0 : i32
      %broadcast_in_dim3A_609 = vector.broadcast %broadcast_in_dim3A_608 : i32 to vector<16xi32>
      %gather3A = tpu.vector_load_idx %arg13[%broadcast_in_dim3A, %broadcast_in_dim3A_609] : memref<80x8xf32, #tpu.memory_space<vmem>>[vector<16xi32>, vector<16xi32>], vector<16xf32>,
      %max3A = arith.constant 1.000000e+00 : f32
      %max3A_610 = vector.broadcast %max3A : f32 to vector<16xf32>
      %max3A_611 = arith.maximumf %gather3A, %max3A_610 : vector<16xf32>
      %get3A = arith.index_cast %scan3A_607 : i32 to index
      %get3A_612 = arith.constant 0 : index
      %get3A_613 = tpu.vector_load %arg8[%get3A, %get3A_612] {strides = array<i32>} : memref<125x64xf32, #tpu.memory_space<vmem>>, vector<16xf32>,
      %div3A = arith.divf %get3A_613, %max3A_611 : vector<16xf32>
      %swap3A = arith.index_cast %scan3A_607 : i32 to index
      %swap3A_614 = arith.constant 0 : index
      %swap3A_615 = tpu.vector_load %arg8[%swap3A, %swap3A_614] {strides = array<i32>} : memref<125x64xf32, #tpu.memory_space<vmem>>, vector<16xf32>,
      tpu.vector_store %arg8[%swap3A, %swap3A_614], %div3A {strides = array<i32>} : memref<125x64xf32, #tpu.memory_space<vmem>>, vector<16xf32>,
      %get3A_616 = arith.index_cast %scan3A_607 : i32 to index
      %get3A_617 = arith.constant 16 : index
      %get3A_618 = tpu.vector_load %arg8[%get3A_616, %get3A_617] {strides = array<i32>} : memref<125x64xf32, #tpu.memory_space<vmem>>, vector<16xf32>,
      %div3A_619 = arith.divf %get3A_618, %max3A_611 : vector<16xf32>
      %swap3A_620 = arith.index_cast %scan3A_607 : i32 to index
      %swap3A_621 = arith.constant 16 : index
      %swap3A_622 = tpu.vector_load %arg8[%swap3A_620, %swap3A_621] {strides = array<i32>} : memref<125x64xf32, #tpu.memory_space<vmem>>, vector<16xf32>,
      tpu.vector_store %arg8[%swap3A_620, %swap3A_621], %div3A_619 {strides = array<i32>} : memref<125x64xf32, #tpu.memory_space<vmem>>, vector<16xf32>,
      %get3A_623 = arith.index_cast %scan3A_607 : i32 to index
      %get3A_624 = arith.constant 32 : index
      %get3A_625 = tpu.vector_load %arg8[%get3A_623, %get3A_624] {strides = array<i32>} : memref<125x64xf32, #tpu.memory_space<vmem>>, vector<16xf32>,
      %div3A_626 = arith.divf %get3A_625, %max3A_611 : vector<16xf32>
      %swap3A_627 = arith.index_cast %scan3A_607 : i32 to index
      %swap3A_628 = arith.constant 32 : index
      %swap3A_629 = tpu.vector_load %arg8[%swap3A_627, %swap3A_628] {strides = array<i32>} : memref<125x64xf32, #tpu.memory_space<vmem>>, vector<16xf32>,
      tpu.vector_store %arg8[%swap3A_627, %swap3A_628], %div3A_626 {strides = array<i32>} : memref<125x64xf32, #tpu.memory_space<vmem>>, vector<16xf32>,
      %get3A_630 = arith.index_cast %scan3A_607 : i32 to index
      %get3A_631 = arith.constant 48 : index
      %get3A_632 = tpu.vector_load %arg8[%get3A_630, %get3A_631] {strides = array<i32>} : memref<125x64xf32, #tpu.memory_space<vmem>>, vector<16xf32>,
      %div3A_633 = arith.divf %get3A_632, %max3A_611 : vector<16xf32>
      %swap3A_634 = arith.index_cast %scan3A_607 : i32 to index
      %swap3A_635 = arith.constant 48 : index
      %swap3A_636 = tpu.vector_load %arg8[%swap3A_634, %swap3A_635] {strides = array<i32>} : memref<125x64xf32, #tpu.memory_space<vmem>>, vector<16xf32>,
      tpu.vector_store %arg8[%swap3A_634, %swap3A_635], %div3A_633 {strides = array<i32>} : memref<125x64xf32, #tpu.memory_space<vmem>>, vector<16xf32>,
    }
    %scan3A_544 = arith.constant 80 : i32
    %mul3A_545 = arith.constant 64 : i32
    %mul3A_546 = arith.muli %arg0, %mul3A_545 : i32
    "tpu.region"() ({
      %run_scoped3A_607 = tpu.sem_alloc : memref<!tpu.dma_semaphore, #tpu.memory_space<semaphore_mem>>
      %dma_start3A_608 = arith.constant 0 : i32
      %dma_start3A_609 = arith.constant 0 : i32
      %dma_start3A_610 = tpu.memref_slice %arg8[%dma_start3A_608, %dma_start3A_609] : memref<125x64xf32, #tpu.memory_space<vmem>> -> memref<80x64xf32, #tpu.memory_space<vmem>>
      %dma_start3A_611 = tpu.memref_slice %arg7[%add3A_538, %mul3A_546] : memref<10000x128xf32, #tpu.memory_space<hbm>> -> memref<80x64xf32, #tpu.memory_space<hbm>>
      %dma_start3A_612 = tpu.memref_slice %arg7[%add3A_538, %mul3A_546] : memref<10000x128xf32, #tpu.memory_space<hbm>> -> memref<80x64xf32, #tpu.memory_space<hbm>>
      %dma_start3A_613 = arith.constant 0 : i32
      %dma_start3A_614 = arith.constant 0 : i32
      %dma_start3A_615 = tpu.memref_slice %arg8[%dma_start3A_613, %dma_start3A_614] : memref<125x64xf32, #tpu.memory_space<vmem>> -> memref<80x64xf32, #tpu.memory_space<vmem>>
      tpu.enqueue_dma source(%dma_start3A_615 : memref<80x64xf32, #tpu.memory_space<vmem>>) target(%dma_start3A_612 : memref<80x64xf32, #tpu.memory_space<hbm>>) target_semaphore(%run_scoped3A_607 : memref<!tpu.dma_semaphore, #tpu.memory_space<semaphore_mem>>)
      %dma_wait3A_616 = arith.constant 0 : i32
      %dma_wait3A_617 = arith.constant 0 : i32
      %dma_wait3A_618 = tpu.memref_slice %arg8[%dma_wait3A_616, %dma_wait3A_617] : memref<125x64xf32, #tpu.memory_space<vmem>> -> memref<80x64xf32, #tpu.memory_space<vmem>>
      %dma_wait3A_619 = tpu.memref_slice %arg7[%add3A_538, %mul3A_546] : memref<10000x128xf32, #tpu.memory_space<hbm>> -> memref<80x64xf32, #tpu.memory_space<hbm>>
      %dma_wait3A_620 = tpu.memref_slice %arg7[%add3A_538, %mul3A_546] : memref<10000x128xf32, #tpu.memory_space<hbm>> -> memref<80x64xf32, #tpu.memory_space<hbm>>
      %dma_wait3A_621 = arith.constant 0 : i32
      %dma_wait3A_622 = arith.constant 0 : i32
      %dma_wait3A_623 = tpu.memref_slice %arg8[%dma_wait3A_621, %dma_wait3A_622] : memref<125x64xf32, #tpu.memory_space<vmem>> -> memref<80x64xf32, #tpu.memory_space<vmem>>
      tpu.wait_dma2 semaphore(%run_scoped3A_607 : memref<!tpu.dma_semaphore, #tpu.memory_space<semaphore_mem>>) src(%dma_wait3A_623 : memref<80x64xf32, #tpu.memory_space<vmem>>) dst(%dma_wait3A_620 : memref<80x64xf32, #tpu.memory_space<hbm>>)
      tpu.yield
    }) : () -> ()
    %mul3A_547 = arith.constant 640 : i32
    %mul3A_548 = arith.muli %arg1, %mul3A_547 : i32
    %add3A_549 = arith.constant 80 : i32
    %add3A_550 = arith.addi %mul3A_548, %add3A_549 : i32
    "tpu.region"() ({
      %run_scoped3A_607 = tpu.sem_alloc : memref<!tpu.dma_semaphore, #tpu.memory_space<semaphore_mem>>
      %dma_start3A_608 = arith.constant 0 : i32
      %dma_start3A_609 = arith.constant 0 : i32
      %dma_start3A_610 = tpu.memref_slice %arg8[%dma_start3A_608, %dma_start3A_609] : memref<125x64xf32, #tpu.memory_space<vmem>> -> memref<80x64xf32, #tpu.memory_space<vmem>>
      %dma_start3A_611 = arith.constant 0 : i32
      %dma_start3A_612 = tpu.memref_slice %arg19[%add3A_550, %dma_start3A_611] : memref<10240x64xf32, #tpu.memory_space<vmem_shared>> -> memref<80x64xf32, #tpu.memory_space<vmem_shared>>
      %dma_start3A_613 = arith.constant 0 : i32
      %dma_start3A_614 = arith.constant 0 : i32
      %dma_start3A_615 = tpu.memref_slice %arg8[%dma_start3A_613, %dma_start3A_614] : memref<125x64xf32, #tpu.memory_space<vmem>> -> memref<80x64xf32, #tpu.memory_space<vmem>>
      %dma_start3A_616 = arith.constant 0 : i32
      %dma_start3A_617 = tpu.memref_slice %arg19[%add3A_550, %dma_start3A_616] : memref<10240x64xf32, #tpu.memory_space<vmem_shared>> -> memref<80x64xf32, #tpu.memory_space<vmem_shared>>
      tpu.enqueue_dma source(%dma_start3A_617 : memref<80x64xf32, #tpu.memory_space<vmem_shared>>) target(%dma_start3A_615 : memref<80x64xf32, #tpu.memory_space<vmem>>) target_semaphore(%run_scoped3A_607 : memref<!tpu.dma_semaphore, #tpu.memory_space<semaphore_mem>>)
      %dma_wait3A_618 = arith.constant 0 : i32
      %dma_wait3A_619 = arith.constant 0 : i32
      %dma_wait3A_620 = tpu.memref_slice %arg8[%dma_wait3A_618, %dma_wait3A_619] : memref<125x64xf32, #tpu.memory_space<vmem>> -> memref<80x64xf32, #tpu.memory_space<vmem>>
      %dma_wait3A_621 = arith.constant 0 : i32
      %dma_wait3A_622 = tpu.memref_slice %arg19[%add3A_550, %dma_wait3A_621] : memref<10240x64xf32, #tpu.memory_space<vmem_shared>> -> memref<80x64xf32, #tpu.memory_space<vmem_shared>>
      %dma_wait3A_623 = arith.constant 0 : i32
      %dma_wait3A_624 = arith.constant 0 : i32
      %dma_wait3A_625 = tpu.memref_slice %arg8[%dma_wait3A_623, %dma_wait3A_624] : memref<125x64xf32, #tpu.memory_space<vmem>> -> memref<80x64xf32, #tpu.memory_space<vmem>>
      %dma_wait3A_626 = arith.constant 0 : i32
      %dma_wait3A_627 = tpu.memref_slice %arg19[%add3A_550, %dma_wait3A_626] : memref<10240x64xf32, #tpu.memory_space<vmem_shared>> -> memref<80x64xf32, #tpu.memory_space<vmem_shared>>
      tpu.wait_dma2 semaphore(%run_scoped3A_607 : memref<!tpu.dma_semaphore, #tpu.memory_space<semaphore_mem>>) src(%dma_wait3A_627 : memref<80x64xf32, #tpu.memory_space<vmem_shared>>) dst(%dma_wait3A_625 : memref<80x64xf32, #tpu.memory_space<vmem>>)
      tpu.yield
    }) : () -> ()
    "tpu.region"() ({
      %run_scoped3A_607 = tpu.sem_alloc : memref<!tpu.dma_semaphore, #tpu.memory_space<semaphore_mem>>
      %dma_start3A_608 = arith.constant 0 : i32
      %dma_start3A_609 = tpu.memref_slice %arg20[%add3A_550, %dma_start3A_608] : memref<10240x8xf32, #tpu.memory_space<vmem_shared>> -> memref<80x8xf32, #tpu.memory_space<vmem_shared>>
      %dma_start3A_610 = arith.constant 0 : i32
      %dma_start3A_611 = tpu.memref_slice %arg20[%add3A_550, %dma_start3A_610] : memref<10240x8xf32, #tpu.memory_space<vmem_shared>> -> memref<80x8xf32, #tpu.memory_space<vmem_shared>>
      tpu.enqueue_dma source(%dma_start3A_611 : memref<80x8xf32, #tpu.memory_space<vmem_shared>>) target(%arg13 : memref<80x8xf32, #tpu.memory_space<vmem>>) target_semaphore(%run_scoped3A_607 : memref<!tpu.dma_semaphore, #tpu.memory_space<semaphore_mem>>)
      %dma_wait3A_612 = arith.constant 0 : i32
      %dma_wait3A_613 = tpu.memref_slice %arg20[%add3A_550, %dma_wait3A_612] : memref<10240x8xf32, #tpu.memory_space<vmem_shared>> -> memref<80x8xf32, #tpu.memory_space<vmem_shared>>
      %dma_wait3A_614 = arith.constant 0 : i32
      %dma_wait3A_615 = tpu.memref_slice %arg20[%add3A_550, %dma_wait3A_614] : memref<10240x8xf32, #tpu.memory_space<vmem_shared>> -> memref<80x8xf32, #tpu.memory_space<vmem_shared>>
      tpu.wait_dma2 semaphore(%run_scoped3A_607 : memref<!tpu.dma_semaphore, #tpu.memory_space<semaphore_mem>>) src(%dma_wait3A_615 : memref<80x8xf32, #tpu.memory_space<vmem_shared>>) dst(%arg13 : memref<80x8xf32, #tpu.memory_space<vmem>>)
      tpu.yield
    }) : () -> ()
    %scan3A_551 = arith.constant 0 : i32
    %scan3A_552 = arith.constant 0 : i32
    %scan3A_553 = arith.constant 80 : i32
    %scan3A_554 = arith.addi %scan3A_552, %scan3A_553 : i32
    %scan3A_555 = arith.constant 1 : i32
    scf.for %scan3A_607 = %scan3A_552 to %scan3A_554 step %scan3A_555  : i32 {
      %broadcast_in_dim3A = vector.broadcast %scan3A_607 : i32 to vector<16xi32>
      %broadcast_in_dim3A_608 = arith.constant 0 : i32
      %broadcast_in_dim3A_609 = vector.broadcast %broadcast_in_dim3A_608 : i32 to vector<16xi32>
      %gather3A = tpu.vector_load_idx %arg13[%broadcast_in_dim3A, %broadcast_in_dim3A_609] : memref<80x8xf32, #tpu.memory_space<vmem>>[vector<16xi32>, vector<16xi32>], vector<16xf32>,
      %max3A = arith.constant 1.000000e+00 : f32
      %max3A_610 = vector.broadcast %max3A : f32 to vector<16xf32>
      %max3A_611 = arith.maximumf %gather3A, %max3A_610 : vector<16xf32>
      %get3A = arith.index_cast %scan3A_607 : i32 to index
      %get3A_612 = arith.constant 0 : index
      %get3A_613 = tpu.vector_load %arg8[%get3A, %get3A_612] {strides = array<i32>} : memref<125x64xf32, #tpu.memory_space<vmem>>, vector<16xf32>,
      %div3A = arith.divf %get3A_613, %max3A_611 : vector<16xf32>
      %swap3A = arith.index_cast %scan3A_607 : i32 to index
      %swap3A_614 = arith.constant 0 : index
      %swap3A_615 = tpu.vector_load %arg8[%swap3A, %swap3A_614] {strides = array<i32>} : memref<125x64xf32, #tpu.memory_space<vmem>>, vector<16xf32>,
      tpu.vector_store %arg8[%swap3A, %swap3A_614], %div3A {strides = array<i32>} : memref<125x64xf32, #tpu.memory_space<vmem>>, vector<16xf32>,
      %get3A_616 = arith.index_cast %scan3A_607 : i32 to index
      %get3A_617 = arith.constant 16 : index
      %get3A_618 = tpu.vector_load %arg8[%get3A_616, %get3A_617] {strides = array<i32>} : memref<125x64xf32, #tpu.memory_space<vmem>>, vector<16xf32>,
      %div3A_619 = arith.divf %get3A_618, %max3A_611 : vector<16xf32>
      %swap3A_620 = arith.index_cast %scan3A_607 : i32 to index
      %swap3A_621 = arith.constant 16 : index
      %swap3A_622 = tpu.vector_load %arg8[%swap3A_620, %swap3A_621] {strides = array<i32>} : memref<125x64xf32, #tpu.memory_space<vmem>>, vector<16xf32>,
      tpu.vector_store %arg8[%swap3A_620, %swap3A_621], %div3A_619 {strides = array<i32>} : memref<125x64xf32, #tpu.memory_space<vmem>>, vector<16xf32>,
      %get3A_623 = arith.index_cast %scan3A_607 : i32 to index
      %get3A_624 = arith.constant 32 : index
      %get3A_625 = tpu.vector_load %arg8[%get3A_623, %get3A_624] {strides = array<i32>} : memref<125x64xf32, #tpu.memory_space<vmem>>, vector<16xf32>,
      %div3A_626 = arith.divf %get3A_625, %max3A_611 : vector<16xf32>
      %swap3A_627 = arith.index_cast %scan3A_607 : i32 to index
      %swap3A_628 = arith.constant 32 : index
      %swap3A_629 = tpu.vector_load %arg8[%swap3A_627, %swap3A_628] {strides = array<i32>} : memref<125x64xf32, #tpu.memory_space<vmem>>, vector<16xf32>,
      tpu.vector_store %arg8[%swap3A_627, %swap3A_628], %div3A_626 {strides = array<i32>} : memref<125x64xf32, #tpu.memory_space<vmem>>, vector<16xf32>,
      %get3A_630 = arith.index_cast %scan3A_607 : i32 to index
      %get3A_631 = arith.constant 48 : index
      %get3A_632 = tpu.vector_load %arg8[%get3A_630, %get3A_631] {strides = array<i32>} : memref<125x64xf32, #tpu.memory_space<vmem>>, vector<16xf32>,
      %div3A_633 = arith.divf %get3A_632, %max3A_611 : vector<16xf32>
      %swap3A_634 = arith.index_cast %scan3A_607 : i32 to index
      %swap3A_635 = arith.constant 48 : index
      %swap3A_636 = tpu.vector_load %arg8[%swap3A_634, %swap3A_635] {strides = array<i32>} : memref<125x64xf32, #tpu.memory_space<vmem>>, vector<16xf32>,
      tpu.vector_store %arg8[%swap3A_634, %swap3A_635], %div3A_633 {strides = array<i32>} : memref<125x64xf32, #tpu.memory_space<vmem>>, vector<16xf32>,
    }
    %scan3A_556 = arith.constant 80 : i32
    %mul3A_557 = arith.constant 64 : i32
    %mul3A_558 = arith.muli %arg0, %mul3A_557 : i32
    "tpu.region"() ({
      %run_scoped3A_607 = tpu.sem_alloc : memref<!tpu.dma_semaphore, #tpu.memory_space<semaphore_mem>>
      %dma_start3A_608 = arith.constant 0 : i32
      %dma_start3A_609 = arith.constant 0 : i32
      %dma_start3A_610 = tpu.memref_slice %arg8[%dma_start3A_608, %dma_start3A_609] : memref<125x64xf32, #tpu.memory_space<vmem>> -> memref<80x64xf32, #tpu.memory_space<vmem>>
      %dma_start3A_611 = tpu.memref_slice %arg7[%add3A_550, %mul3A_558] : memref<10000x128xf32, #tpu.memory_space<hbm>> -> memref<80x64xf32, #tpu.memory_space<hbm>>
      %dma_start3A_612 = tpu.memref_slice %arg7[%add3A_550, %mul3A_558] : memref<10000x128xf32, #tpu.memory_space<hbm>> -> memref<80x64xf32, #tpu.memory_space<hbm>>
      %dma_start3A_613 = arith.constant 0 : i32
      %dma_start3A_614 = arith.constant 0 : i32
      %dma_start3A_615 = tpu.memref_slice %arg8[%dma_start3A_613, %dma_start3A_614] : memref<125x64xf32, #tpu.memory_space<vmem>> -> memref<80x64xf32, #tpu.memory_space<vmem>>
      tpu.enqueue_dma source(%dma_start3A_615 : memref<80x64xf32, #tpu.memory_space<vmem>>) target(%dma_start3A_612 : memref<80x64xf32, #tpu.memory_space<hbm>>) target_semaphore(%run_scoped3A_607 : memref<!tpu.dma_semaphore, #tpu.memory_space<semaphore_mem>>)
      %dma_wait3A_616 = arith.constant 0 : i32
      %dma_wait3A_617 = arith.constant 0 : i32
      %dma_wait3A_618 = tpu.memref_slice %arg8[%dma_wait3A_616, %dma_wait3A_617] : memref<125x64xf32, #tpu.memory_space<vmem>> -> memref<80x64xf32, #tpu.memory_space<vmem>>
      %dma_wait3A_619 = tpu.memref_slice %arg7[%add3A_550, %mul3A_558] : memref<10000x128xf32, #tpu.memory_space<hbm>> -> memref<80x64xf32, #tpu.memory_space<hbm>>
      %dma_wait3A_620 = tpu.memref_slice %arg7[%add3A_550, %mul3A_558] : memref<10000x128xf32, #tpu.memory_space<hbm>> -> memref<80x64xf32, #tpu.memory_space<hbm>>
      %dma_wait3A_621 = arith.constant 0 : i32
      %dma_wait3A_622 = arith.constant 0 : i32
      %dma_wait3A_623 = tpu.memref_slice %arg8[%dma_wait3A_621, %dma_wait3A_622] : memref<125x64xf32, #tpu.memory_space<vmem>> -> memref<80x64xf32, #tpu.memory_space<vmem>>
      tpu.wait_dma2 semaphore(%run_scoped3A_607 : memref<!tpu.dma_semaphore, #tpu.memory_space<semaphore_mem>>) src(%dma_wait3A_623 : memref<80x64xf32, #tpu.memory_space<vmem>>) dst(%dma_wait3A_620 : memref<80x64xf32, #tpu.memory_space<hbm>>)
      tpu.yield
    }) : () -> ()
    %mul3A_559 = arith.constant 640 : i32
    %mul3A_560 = arith.muli %arg1, %mul3A_559 : i32
    %add3A_561 = arith.constant 160 : i32
    %add3A_562 = arith.addi %mul3A_560, %add3A_561 : i32
    "tpu.region"() ({
      %run_scoped3A_607 = tpu.sem_alloc : memref<!tpu.dma_semaphore, #tpu.memory_space<semaphore_mem>>
      %dma_start3A_608 = arith.constant 0 : i32
      %dma_start3A_609 = arith.constant 0 : i32
      %dma_start3A_610 = tpu.memref_slice %arg8[%dma_start3A_608, %dma_start3A_609] : memref<125x64xf32, #tpu.memory_space<vmem>> -> memref<80x64xf32, #tpu.memory_space<vmem>>
      %dma_start3A_611 = arith.constant 0 : i32
      %dma_start3A_612 = tpu.memref_slice %arg19[%add3A_562, %dma_start3A_611] : memref<10240x64xf32, #tpu.memory_space<vmem_shared>> -> memref<80x64xf32, #tpu.memory_space<vmem_shared>>
      %dma_start3A_613 = arith.constant 0 : i32
      %dma_start3A_614 = arith.constant 0 : i32
      %dma_start3A_615 = tpu.memref_slice %arg8[%dma_start3A_613, %dma_start3A_614] : memref<125x64xf32, #tpu.memory_space<vmem>> -> memref<80x64xf32, #tpu.memory_space<vmem>>
      %dma_start3A_616 = arith.constant 0 : i32
      %dma_start3A_617 = tpu.memref_slice %arg19[%add3A_562, %dma_start3A_616] : memref<10240x64xf32, #tpu.memory_space<vmem_shared>> -> memref<80x64xf32, #tpu.memory_space<vmem_shared>>
      tpu.enqueue_dma source(%dma_start3A_617 : memref<80x64xf32, #tpu.memory_space<vmem_shared>>) target(%dma_start3A_615 : memref<80x64xf32, #tpu.memory_space<vmem>>) target_semaphore(%run_scoped3A_607 : memref<!tpu.dma_semaphore, #tpu.memory_space<semaphore_mem>>)
      %dma_wait3A_618 = arith.constant 0 : i32
      %dma_wait3A_619 = arith.constant 0 : i32
      %dma_wait3A_620 = tpu.memref_slice %arg8[%dma_wait3A_618, %dma_wait3A_619] : memref<125x64xf32, #tpu.memory_space<vmem>> -> memref<80x64xf32, #tpu.memory_space<vmem>>
      %dma_wait3A_621 = arith.constant 0 : i32
      %dma_wait3A_622 = tpu.memref_slice %arg19[%add3A_562, %dma_wait3A_621] : memref<10240x64xf32, #tpu.memory_space<vmem_shared>> -> memref<80x64xf32, #tpu.memory_space<vmem_shared>>
      %dma_wait3A_623 = arith.constant 0 : i32
      %dma_wait3A_624 = arith.constant 0 : i32
      %dma_wait3A_625 = tpu.memref_slice %arg8[%dma_wait3A_623, %dma_wait3A_624] : memref<125x64xf32, #tpu.memory_space<vmem>> -> memref<80x64xf32, #tpu.memory_space<vmem>>
      %dma_wait3A_626 = arith.constant 0 : i32
      %dma_wait3A_627 = tpu.memref_slice %arg19[%add3A_562, %dma_wait3A_626] : memref<10240x64xf32, #tpu.memory_space<vmem_shared>> -> memref<80x64xf32, #tpu.memory_space<vmem_shared>>
      tpu.wait_dma2 semaphore(%run_scoped3A_607 : memref<!tpu.dma_semaphore, #tpu.memory_space<semaphore_mem>>) src(%dma_wait3A_627 : memref<80x64xf32, #tpu.memory_space<vmem_shared>>) dst(%dma_wait3A_625 : memref<80x64xf32, #tpu.memory_space<vmem>>)
      tpu.yield
    }) : () -> ()
    "tpu.region"() ({
      %run_scoped3A_607 = tpu.sem_alloc : memref<!tpu.dma_semaphore, #tpu.memory_space<semaphore_mem>>
      %dma_start3A_608 = arith.constant 0 : i32
      %dma_start3A_609 = tpu.memref_slice %arg20[%add3A_562, %dma_start3A_608] : memref<10240x8xf32, #tpu.memory_space<vmem_shared>> -> memref<80x8xf32, #tpu.memory_space<vmem_shared>>
      %dma_start3A_610 = arith.constant 0 : i32
      %dma_start3A_611 = tpu.memref_slice %arg20[%add3A_562, %dma_start3A_610] : memref<10240x8xf32, #tpu.memory_space<vmem_shared>> -> memref<80x8xf32, #tpu.memory_space<vmem_shared>>
      tpu.enqueue_dma source(%dma_start3A_611 : memref<80x8xf32, #tpu.memory_space<vmem_shared>>) target(%arg13 : memref<80x8xf32, #tpu.memory_space<vmem>>) target_semaphore(%run_scoped3A_607 : memref<!tpu.dma_semaphore, #tpu.memory_space<semaphore_mem>>)
      %dma_wait3A_612 = arith.constant 0 : i32
      %dma_wait3A_613 = tpu.memref_slice %arg20[%add3A_562, %dma_wait3A_612] : memref<10240x8xf32, #tpu.memory_space<vmem_shared>> -> memref<80x8xf32, #tpu.memory_space<vmem_shared>>
      %dma_wait3A_614 = arith.constant 0 : i32
      %dma_wait3A_615 = tpu.memref_slice %arg20[%add3A_562, %dma_wait3A_614] : memref<10240x8xf32, #tpu.memory_space<vmem_shared>> -> memref<80x8xf32, #tpu.memory_space<vmem_shared>>
      tpu.wait_dma2 semaphore(%run_scoped3A_607 : memref<!tpu.dma_semaphore, #tpu.memory_space<semaphore_mem>>) src(%dma_wait3A_615 : memref<80x8xf32, #tpu.memory_space<vmem_shared>>) dst(%arg13 : memref<80x8xf32, #tpu.memory_space<vmem>>)
      tpu.yield
    }) : () -> ()
    %scan3A_563 = arith.constant 0 : i32
    %scan3A_564 = arith.constant 0 : i32
    %scan3A_565 = arith.constant 80 : i32
    %scan3A_566 = arith.addi %scan3A_564, %scan3A_565 : i32
    %scan3A_567 = arith.constant 1 : i32
    scf.for %scan3A_607 = %scan3A_564 to %scan3A_566 step %scan3A_567  : i32 {
      %broadcast_in_dim3A = vector.broadcast %scan3A_607 : i32 to vector<16xi32>
      %broadcast_in_dim3A_608 = arith.constant 0 : i32
      %broadcast_in_dim3A_609 = vector.broadcast %broadcast_in_dim3A_608 : i32 to vector<16xi32>
      %gather3A = tpu.vector_load_idx %arg13[%broadcast_in_dim3A, %broadcast_in_dim3A_609] : memref<80x8xf32, #tpu.memory_space<vmem>>[vector<16xi32>, vector<16xi32>], vector<16xf32>,
      %max3A = arith.constant 1.000000e+00 : f32
      %max3A_610 = vector.broadcast %max3A : f32 to vector<16xf32>
      %max3A_611 = arith.maximumf %gather3A, %max3A_610 : vector<16xf32>
      %get3A = arith.index_cast %scan3A_607 : i32 to index
      %get3A_612 = arith.constant 0 : index
      %get3A_613 = tpu.vector_load %arg8[%get3A, %get3A_612] {strides = array<i32>} : memref<125x64xf32, #tpu.memory_space<vmem>>, vector<16xf32>,
      %div3A = arith.divf %get3A_613, %max3A_611 : vector<16xf32>
      %swap3A = arith.index_cast %scan3A_607 : i32 to index
      %swap3A_614 = arith.constant 0 : index
      %swap3A_615 = tpu.vector_load %arg8[%swap3A, %swap3A_614] {strides = array<i32>} : memref<125x64xf32, #tpu.memory_space<vmem>>, vector<16xf32>,
      tpu.vector_store %arg8[%swap3A, %swap3A_614], %div3A {strides = array<i32>} : memref<125x64xf32, #tpu.memory_space<vmem>>, vector<16xf32>,
      %get3A_616 = arith.index_cast %scan3A_607 : i32 to index
      %get3A_617 = arith.constant 16 : index
      %get3A_618 = tpu.vector_load %arg8[%get3A_616, %get3A_617] {strides = array<i32>} : memref<125x64xf32, #tpu.memory_space<vmem>>, vector<16xf32>,
      %div3A_619 = arith.divf %get3A_618, %max3A_611 : vector<16xf32>
      %swap3A_620 = arith.index_cast %scan3A_607 : i32 to index
      %swap3A_621 = arith.constant 16 : index
      %swap3A_622 = tpu.vector_load %arg8[%swap3A_620, %swap3A_621] {strides = array<i32>} : memref<125x64xf32, #tpu.memory_space<vmem>>, vector<16xf32>,
      tpu.vector_store %arg8[%swap3A_620, %swap3A_621], %div3A_619 {strides = array<i32>} : memref<125x64xf32, #tpu.memory_space<vmem>>, vector<16xf32>,
      %get3A_623 = arith.index_cast %scan3A_607 : i32 to index
      %get3A_624 = arith.constant 32 : index
      %get3A_625 = tpu.vector_load %arg8[%get3A_623, %get3A_624] {strides = array<i32>} : memref<125x64xf32, #tpu.memory_space<vmem>>, vector<16xf32>,
      %div3A_626 = arith.divf %get3A_625, %max3A_611 : vector<16xf32>
      %swap3A_627 = arith.index_cast %scan3A_607 : i32 to index
      %swap3A_628 = arith.constant 32 : index
      %swap3A_629 = tpu.vector_load %arg8[%swap3A_627, %swap3A_628] {strides = array<i32>} : memref<125x64xf32, #tpu.memory_space<vmem>>, vector<16xf32>,
      tpu.vector_store %arg8[%swap3A_627, %swap3A_628], %div3A_626 {strides = array<i32>} : memref<125x64xf32, #tpu.memory_space<vmem>>, vector<16xf32>,
      %get3A_630 = arith.index_cast %scan3A_607 : i32 to index
      %get3A_631 = arith.constant 48 : index
      %get3A_632 = tpu.vector_load %arg8[%get3A_630, %get3A_631] {strides = array<i32>} : memref<125x64xf32, #tpu.memory_space<vmem>>, vector<16xf32>,
      %div3A_633 = arith.divf %get3A_632, %max3A_611 : vector<16xf32>
      %swap3A_634 = arith.index_cast %scan3A_607 : i32 to index
      %swap3A_635 = arith.constant 48 : index
      %swap3A_636 = tpu.vector_load %arg8[%swap3A_634, %swap3A_635] {strides = array<i32>} : memref<125x64xf32, #tpu.memory_space<vmem>>, vector<16xf32>,
      tpu.vector_store %arg8[%swap3A_634, %swap3A_635], %div3A_633 {strides = array<i32>} : memref<125x64xf32, #tpu.memory_space<vmem>>, vector<16xf32>,
    }
    %scan3A_568 = arith.constant 80 : i32
    %mul3A_569 = arith.constant 64 : i32
    %mul3A_570 = arith.muli %arg0, %mul3A_569 : i32
    "tpu.region"() ({
      %run_scoped3A_607 = tpu.sem_alloc : memref<!tpu.dma_semaphore, #tpu.memory_space<semaphore_mem>>
      %dma_start3A_608 = arith.constant 0 : i32
      %dma_start3A_609 = arith.constant 0 : i32
      %dma_start3A_610 = tpu.memref_slice %arg8[%dma_start3A_608, %dma_start3A_609] : memref<125x64xf32, #tpu.memory_space<vmem>> -> memref<80x64xf32, #tpu.memory_space<vmem>>
      %dma_start3A_611 = tpu.memref_slice %arg7[%add3A_562, %mul3A_570] : memref<10000x128xf32, #tpu.memory_space<hbm>> -> memref<80x64xf32, #tpu.memory_space<hbm>>
      %dma_start3A_612 = tpu.memref_slice %arg7[%add3A_562, %mul3A_570] : memref<10000x128xf32, #tpu.memory_space<hbm>> -> memref<80x64xf32, #tpu.memory_space<hbm>>
      %dma_start3A_613 = arith.constant 0 : i32
      %dma_start3A_614 = arith.constant 0 : i32
      %dma_start3A_615 = tpu.memref_slice %arg8[%dma_start3A_613, %dma_start3A_614] : memref<125x64xf32, #tpu.memory_space<vmem>> -> memref<80x64xf32, #tpu.memory_space<vmem>>
      tpu.enqueue_dma source(%dma_start3A_615 : memref<80x64xf32, #tpu.memory_space<vmem>>) target(%dma_start3A_612 : memref<80x64xf32, #tpu.memory_space<hbm>>) target_semaphore(%run_scoped3A_607 : memref<!tpu.dma_semaphore, #tpu.memory_space<semaphore_mem>>)
      %dma_wait3A_616 = arith.constant 0 : i32
      %dma_wait3A_617 = arith.constant 0 : i32
      %dma_wait3A_618 = tpu.memref_slice %arg8[%dma_wait3A_616, %dma_wait3A_617] : memref<125x64xf32, #tpu.memory_space<vmem>> -> memref<80x64xf32, #tpu.memory_space<vmem>>
      %dma_wait3A_619 = tpu.memref_slice %arg7[%add3A_562, %mul3A_570] : memref<10000x128xf32, #tpu.memory_space<hbm>> -> memref<80x64xf32, #tpu.memory_space<hbm>>
      %dma_wait3A_620 = tpu.memref_slice %arg7[%add3A_562, %mul3A_570] : memref<10000x128xf32, #tpu.memory_space<hbm>> -> memref<80x64xf32, #tpu.memory_space<hbm>>
      %dma_wait3A_621 = arith.constant 0 : i32
      %dma_wait3A_622 = arith.constant 0 : i32
      %dma_wait3A_623 = tpu.memref_slice %arg8[%dma_wait3A_621, %dma_wait3A_622] : memref<125x64xf32, #tpu.memory_space<vmem>> -> memref<80x64xf32, #tpu.memory_space<vmem>>
      tpu.wait_dma2 semaphore(%run_scoped3A_607 : memref<!tpu.dma_semaphore, #tpu.memory_space<semaphore_mem>>) src(%dma_wait3A_623 : memref<80x64xf32, #tpu.memory_space<vmem>>) dst(%dma_wait3A_620 : memref<80x64xf32, #tpu.memory_space<hbm>>)
      tpu.yield
    }) : () -> ()
    %mul3A_571 = arith.constant 640 : i32
    %mul3A_572 = arith.muli %arg1, %mul3A_571 : i32
    %add3A_573 = arith.constant 240 : i32
    %add3A_574 = arith.addi %mul3A_572, %add3A_573 : i32
    "tpu.region"() ({
      %run_scoped3A_607 = tpu.sem_alloc : memref<!tpu.dma_semaphore, #tpu.memory_space<semaphore_mem>>
      %dma_start3A_608 = arith.constant 0 : i32
      %dma_start3A_609 = arith.constant 0 : i32
      %dma_start3A_610 = tpu.memref_slice %arg8[%dma_start3A_608, %dma_start3A_609] : memref<125x64xf32, #tpu.memory_space<vmem>> -> memref<80x64xf32, #tpu.memory_space<vmem>>
      %dma_start3A_611 = arith.constant 0 : i32
      %dma_start3A_612 = tpu.memref_slice %arg19[%add3A_574, %dma_start3A_611] : memref<10240x64xf32, #tpu.memory_space<vmem_shared>> -> memref<80x64xf32, #tpu.memory_space<vmem_shared>>
      %dma_start3A_613 = arith.constant 0 : i32
      %dma_start3A_614 = arith.constant 0 : i32
      %dma_start3A_615 = tpu.memref_slice %arg8[%dma_start3A_613, %dma_start3A_614] : memref<125x64xf32, #tpu.memory_space<vmem>> -> memref<80x64xf32, #tpu.memory_space<vmem>>
      %dma_start3A_616 = arith.constant 0 : i32
      %dma_start3A_617 = tpu.memref_slice %arg19[%add3A_574, %dma_start3A_616] : memref<10240x64xf32, #tpu.memory_space<vmem_shared>> -> memref<80x64xf32, #tpu.memory_space<vmem_shared>>
      tpu.enqueue_dma source(%dma_start3A_617 : memref<80x64xf32, #tpu.memory_space<vmem_shared>>) target(%dma_start3A_615 : memref<80x64xf32, #tpu.memory_space<vmem>>) target_semaphore(%run_scoped3A_607 : memref<!tpu.dma_semaphore, #tpu.memory_space<semaphore_mem>>)
      %dma_wait3A_618 = arith.constant 0 : i32
      %dma_wait3A_619 = arith.constant 0 : i32
      %dma_wait3A_620 = tpu.memref_slice %arg8[%dma_wait3A_618, %dma_wait3A_619] : memref<125x64xf32, #tpu.memory_space<vmem>> -> memref<80x64xf32, #tpu.memory_space<vmem>>
      %dma_wait3A_621 = arith.constant 0 : i32
      %dma_wait3A_622 = tpu.memref_slice %arg19[%add3A_574, %dma_wait3A_621] : memref<10240x64xf32, #tpu.memory_space<vmem_shared>> -> memref<80x64xf32, #tpu.memory_space<vmem_shared>>
      %dma_wait3A_623 = arith.constant 0 : i32
      %dma_wait3A_624 = arith.constant 0 : i32
      %dma_wait3A_625 = tpu.memref_slice %arg8[%dma_wait3A_623, %dma_wait3A_624] : memref<125x64xf32, #tpu.memory_space<vmem>> -> memref<80x64xf32, #tpu.memory_space<vmem>>
      %dma_wait3A_626 = arith.constant 0 : i32
      %dma_wait3A_627 = tpu.memref_slice %arg19[%add3A_574, %dma_wait3A_626] : memref<10240x64xf32, #tpu.memory_space<vmem_shared>> -> memref<80x64xf32, #tpu.memory_space<vmem_shared>>
      tpu.wait_dma2 semaphore(%run_scoped3A_607 : memref<!tpu.dma_semaphore, #tpu.memory_space<semaphore_mem>>) src(%dma_wait3A_627 : memref<80x64xf32, #tpu.memory_space<vmem_shared>>) dst(%dma_wait3A_625 : memref<80x64xf32, #tpu.memory_space<vmem>>)
      tpu.yield
    }) : () -> ()
    "tpu.region"() ({
      %run_scoped3A_607 = tpu.sem_alloc : memref<!tpu.dma_semaphore, #tpu.memory_space<semaphore_mem>>
      %dma_start3A_608 = arith.constant 0 : i32
      %dma_start3A_609 = tpu.memref_slice %arg20[%add3A_574, %dma_start3A_608] : memref<10240x8xf32, #tpu.memory_space<vmem_shared>> -> memref<80x8xf32, #tpu.memory_space<vmem_shared>>
      %dma_start3A_610 = arith.constant 0 : i32
      %dma_start3A_611 = tpu.memref_slice %arg20[%add3A_574, %dma_start3A_610] : memref<10240x8xf32, #tpu.memory_space<vmem_shared>> -> memref<80x8xf32, #tpu.memory_space<vmem_shared>>
      tpu.enqueue_dma source(%dma_start3A_611 : memref<80x8xf32, #tpu.memory_space<vmem_shared>>) target(%arg13 : memref<80x8xf32, #tpu.memory_space<vmem>>) target_semaphore(%run_scoped3A_607 : memref<!tpu.dma_semaphore, #tpu.memory_space<semaphore_mem>>)
      %dma_wait3A_612 = arith.constant 0 : i32
      %dma_wait3A_613 = tpu.memref_slice %arg20[%add3A_574, %dma_wait3A_612] : memref<10240x8xf32, #tpu.memory_space<vmem_shared>> -> memref<80x8xf32, #tpu.memory_space<vmem_shared>>
      %dma_wait3A_614 = arith.constant 0 : i32
      %dma_wait3A_615 = tpu.memref_slice %arg20[%add3A_574, %dma_wait3A_614] : memref<10240x8xf32, #tpu.memory_space<vmem_shared>> -> memref<80x8xf32, #tpu.memory_space<vmem_shared>>
      tpu.wait_dma2 semaphore(%run_scoped3A_607 : memref<!tpu.dma_semaphore, #tpu.memory_space<semaphore_mem>>) src(%dma_wait3A_615 : memref<80x8xf32, #tpu.memory_space<vmem_shared>>) dst(%arg13 : memref<80x8xf32, #tpu.memory_space<vmem>>)
      tpu.yield
    }) : () -> ()
    %scan3A_575 = arith.constant 0 : i32
    %scan3A_576 = arith.constant 0 : i32
    %scan3A_577 = arith.constant 80 : i32
    %scan3A_578 = arith.addi %scan3A_576, %scan3A_577 : i32
    %scan3A_579 = arith.constant 1 : i32
    scf.for %scan3A_607 = %scan3A_576 to %scan3A_578 step %scan3A_579  : i32 {
      %broadcast_in_dim3A = vector.broadcast %scan3A_607 : i32 to vector<16xi32>
      %broadcast_in_dim3A_608 = arith.constant 0 : i32
      %broadcast_in_dim3A_609 = vector.broadcast %broadcast_in_dim3A_608 : i32 to vector<16xi32>
      %gather3A = tpu.vector_load_idx %arg13[%broadcast_in_dim3A, %broadcast_in_dim3A_609] : memref<80x8xf32, #tpu.memory_space<vmem>>[vector<16xi32>, vector<16xi32>], vector<16xf32>,
      %max3A = arith.constant 1.000000e+00 : f32
      %max3A_610 = vector.broadcast %max3A : f32 to vector<16xf32>
      %max3A_611 = arith.maximumf %gather3A, %max3A_610 : vector<16xf32>
      %get3A = arith.index_cast %scan3A_607 : i32 to index
      %get3A_612 = arith.constant 0 : index
      %get3A_613 = tpu.vector_load %arg8[%get3A, %get3A_612] {strides = array<i32>} : memref<125x64xf32, #tpu.memory_space<vmem>>, vector<16xf32>,
      %div3A = arith.divf %get3A_613, %max3A_611 : vector<16xf32>
      %swap3A = arith.index_cast %scan3A_607 : i32 to index
      %swap3A_614 = arith.constant 0 : index
      %swap3A_615 = tpu.vector_load %arg8[%swap3A, %swap3A_614] {strides = array<i32>} : memref<125x64xf32, #tpu.memory_space<vmem>>, vector<16xf32>,
      tpu.vector_store %arg8[%swap3A, %swap3A_614], %div3A {strides = array<i32>} : memref<125x64xf32, #tpu.memory_space<vmem>>, vector<16xf32>,
      %get3A_616 = arith.index_cast %scan3A_607 : i32 to index
      %get3A_617 = arith.constant 16 : index
      %get3A_618 = tpu.vector_load %arg8[%get3A_616, %get3A_617] {strides = array<i32>} : memref<125x64xf32, #tpu.memory_space<vmem>>, vector<16xf32>,
      %div3A_619 = arith.divf %get3A_618, %max3A_611 : vector<16xf32>
      %swap3A_620 = arith.index_cast %scan3A_607 : i32 to index
      %swap3A_621 = arith.constant 16 : index
      %swap3A_622 = tpu.vector_load %arg8[%swap3A_620, %swap3A_621] {strides = array<i32>} : memref<125x64xf32, #tpu.memory_space<vmem>>, vector<16xf32>,
      tpu.vector_store %arg8[%swap3A_620, %swap3A_621], %div3A_619 {strides = array<i32>} : memref<125x64xf32, #tpu.memory_space<vmem>>, vector<16xf32>,
      %get3A_623 = arith.index_cast %scan3A_607 : i32 to index
      %get3A_624 = arith.constant 32 : index
      %get3A_625 = tpu.vector_load %arg8[%get3A_623, %get3A_624] {strides = array<i32>} : memref<125x64xf32, #tpu.memory_space<vmem>>, vector<16xf32>,
      %div3A_626 = arith.divf %get3A_625, %max3A_611 : vector<16xf32>
      %swap3A_627 = arith.index_cast %scan3A_607 : i32 to index
      %swap3A_628 = arith.constant 32 : index
      %swap3A_629 = tpu.vector_load %arg8[%swap3A_627, %swap3A_628] {strides = array<i32>} : memref<125x64xf32, #tpu.memory_space<vmem>>, vector<16xf32>,
      tpu.vector_store %arg8[%swap3A_627, %swap3A_628], %div3A_626 {strides = array<i32>} : memref<125x64xf32, #tpu.memory_space<vmem>>, vector<16xf32>,
      %get3A_630 = arith.index_cast %scan3A_607 : i32 to index
      %get3A_631 = arith.constant 48 : index
      %get3A_632 = tpu.vector_load %arg8[%get3A_630, %get3A_631] {strides = array<i32>} : memref<125x64xf32, #tpu.memory_space<vmem>>, vector<16xf32>,
      %div3A_633 = arith.divf %get3A_632, %max3A_611 : vector<16xf32>
      %swap3A_634 = arith.index_cast %scan3A_607 : i32 to index
      %swap3A_635 = arith.constant 48 : index
      %swap3A_636 = tpu.vector_load %arg8[%swap3A_634, %swap3A_635] {strides = array<i32>} : memref<125x64xf32, #tpu.memory_space<vmem>>, vector<16xf32>,
      tpu.vector_store %arg8[%swap3A_634, %swap3A_635], %div3A_633 {strides = array<i32>} : memref<125x64xf32, #tpu.memory_space<vmem>>, vector<16xf32>,
    }
    %scan3A_580 = arith.constant 80 : i32
    %mul3A_581 = arith.constant 64 : i32
    %mul3A_582 = arith.muli %arg0, %mul3A_581 : i32
    "tpu.region"() ({
      %run_scoped3A_607 = tpu.sem_alloc : memref<!tpu.dma_semaphore, #tpu.memory_space<semaphore_mem>>
      %dma_start3A_608 = arith.constant 0 : i32
      %dma_start3A_609 = arith.constant 0 : i32
      %dma_start3A_610 = tpu.memref_slice %arg8[%dma_start3A_608, %dma_start3A_609] : memref<125x64xf32, #tpu.memory_space<vmem>> -> memref<80x64xf32, #tpu.memory_space<vmem>>
      %dma_start3A_611 = tpu.memref_slice %arg7[%add3A_574, %mul3A_582] : memref<10000x128xf32, #tpu.memory_space<hbm>> -> memref<80x64xf32, #tpu.memory_space<hbm>>
      %dma_start3A_612 = tpu.memref_slice %arg7[%add3A_574, %mul3A_582] : memref<10000x128xf32, #tpu.memory_space<hbm>> -> memref<80x64xf32, #tpu.memory_space<hbm>>
      %dma_start3A_613 = arith.constant 0 : i32
      %dma_start3A_614 = arith.constant 0 : i32
      %dma_start3A_615 = tpu.memref_slice %arg8[%dma_start3A_613, %dma_start3A_614] : memref<125x64xf32, #tpu.memory_space<vmem>> -> memref<80x64xf32, #tpu.memory_space<vmem>>
      tpu.enqueue_dma source(%dma_start3A_615 : memref<80x64xf32, #tpu.memory_space<vmem>>) target(%dma_start3A_612 : memref<80x64xf32, #tpu.memory_space<hbm>>) target_semaphore(%run_scoped3A_607 : memref<!tpu.dma_semaphore, #tpu.memory_space<semaphore_mem>>)
      %dma_wait3A_616 = arith.constant 0 : i32
      %dma_wait3A_617 = arith.constant 0 : i32
      %dma_wait3A_618 = tpu.memref_slice %arg8[%dma_wait3A_616, %dma_wait3A_617] : memref<125x64xf32, #tpu.memory_space<vmem>> -> memref<80x64xf32, #tpu.memory_space<vmem>>
      %dma_wait3A_619 = tpu.memref_slice %arg7[%add3A_574, %mul3A_582] : memref<10000x128xf32, #tpu.memory_space<hbm>> -> memref<80x64xf32, #tpu.memory_space<hbm>>
      %dma_wait3A_620 = tpu.memref_slice %arg7[%add3A_574, %mul3A_582] : memref<10000x128xf32, #tpu.memory_space<hbm>> -> memref<80x64xf32, #tpu.memory_space<hbm>>
      %dma_wait3A_621 = arith.constant 0 : i32
      %dma_wait3A_622 = arith.constant 0 : i32
      %dma_wait3A_623 = tpu.memref_slice %arg8[%dma_wait3A_621, %dma_wait3A_622] : memref<125x64xf32, #tpu.memory_space<vmem>> -> memref<80x64xf32, #tpu.memory_space<vmem>>
      tpu.wait_dma2 semaphore(%run_scoped3A_607 : memref<!tpu.dma_semaphore, #tpu.memory_space<semaphore_mem>>) src(%dma_wait3A_623 : memref<80x64xf32, #tpu.memory_space<vmem>>) dst(%dma_wait3A_620 : memref<80x64xf32, #tpu.memory_space<hbm>>)
      tpu.yield
    }) : () -> ()
    %mul3A_583 = arith.constant 640 : i32
    %mul3A_584 = arith.muli %arg1, %mul3A_583 : i32
    %add3A_585 = arith.constant 320 : i32
    %add3A_586 = arith.addi %mul3A_584, %add3A_585 : i32
    "tpu.region"() ({
      %run_scoped3A_607 = tpu.sem_alloc : memref<!tpu.dma_semaphore, #tpu.memory_space<semaphore_mem>>
      %dma_start3A_608 = arith.constant 0 : i32
      %dma_start3A_609 = arith.constant 0 : i32
      %dma_start3A_610 = tpu.memref_slice %arg8[%dma_start3A_608, %dma_start3A_609] : memref<125x64xf32, #tpu.memory_space<vmem>> -> memref<80x64xf32, #tpu.memory_space<vmem>>
      %dma_start3A_611 = arith.constant 0 : i32
      %dma_start3A_612 = tpu.memref_slice %arg19[%add3A_586, %dma_start3A_611] : memref<10240x64xf32, #tpu.memory_space<vmem_shared>> -> memref<80x64xf32, #tpu.memory_space<vmem_shared>>
      %dma_start3A_613 = arith.constant 0 : i32
      %dma_start3A_614 = arith.constant 0 : i32
      %dma_start3A_615 = tpu.memref_slice %arg8[%dma_start3A_613, %dma_start3A_614] : memref<125x64xf32, #tpu.memory_space<vmem>> -> memref<80x64xf32, #tpu.memory_space<vmem>>
      %dma_start3A_616 = arith.constant 0 : i32
      %dma_start3A_617 = tpu.memref_slice %arg19[%add3A_586, %dma_start3A_616] : memref<10240x64xf32, #tpu.memory_space<vmem_shared>> -> memref<80x64xf32, #tpu.memory_space<vmem_shared>>
      tpu.enqueue_dma source(%dma_start3A_617 : memref<80x64xf32, #tpu.memory_space<vmem_shared>>) target(%dma_start3A_615 : memref<80x64xf32, #tpu.memory_space<vmem>>) target_semaphore(%run_scoped3A_607 : memref<!tpu.dma_semaphore, #tpu.memory_space<semaphore_mem>>)
      %dma_wait3A_618 = arith.constant 0 : i32
      %dma_wait3A_619 = arith.constant 0 : i32
      %dma_wait3A_620 = tpu.memref_slice %arg8[%dma_wait3A_618, %dma_wait3A_619] : memref<125x64xf32, #tpu.memory_space<vmem>> -> memref<80x64xf32, #tpu.memory_space<vmem>>
      %dma_wait3A_621 = arith.constant 0 : i32
      %dma_wait3A_622 = tpu.memref_slice %arg19[%add3A_586, %dma_wait3A_621] : memref<10240x64xf32, #tpu.memory_space<vmem_shared>> -> memref<80x64xf32, #tpu.memory_space<vmem_shared>>
      %dma_wait3A_623 = arith.constant 0 : i32
      %dma_wait3A_624 = arith.constant 0 : i32
      %dma_wait3A_625 = tpu.memref_slice %arg8[%dma_wait3A_623, %dma_wait3A_624] : memref<125x64xf32, #tpu.memory_space<vmem>> -> memref<80x64xf32, #tpu.memory_space<vmem>>
      %dma_wait3A_626 = arith.constant 0 : i32
      %dma_wait3A_627 = tpu.memref_slice %arg19[%add3A_586, %dma_wait3A_626] : memref<10240x64xf32, #tpu.memory_space<vmem_shared>> -> memref<80x64xf32, #tpu.memory_space<vmem_shared>>
      tpu.wait_dma2 semaphore(%run_scoped3A_607 : memref<!tpu.dma_semaphore, #tpu.memory_space<semaphore_mem>>) src(%dma_wait3A_627 : memref<80x64xf32, #tpu.memory_space<vmem_shared>>) dst(%dma_wait3A_625 : memref<80x64xf32, #tpu.memory_space<vmem>>)
      tpu.yield
    }) : () -> ()
    "tpu.region"() ({
      %run_scoped3A_607 = tpu.sem_alloc : memref<!tpu.dma_semaphore, #tpu.memory_space<semaphore_mem>>
      %dma_start3A_608 = arith.constant 0 : i32
      %dma_start3A_609 = tpu.memref_slice %arg20[%add3A_586, %dma_start3A_608] : memref<10240x8xf32, #tpu.memory_space<vmem_shared>> -> memref<80x8xf32, #tpu.memory_space<vmem_shared>>
      %dma_start3A_610 = arith.constant 0 : i32
      %dma_start3A_611 = tpu.memref_slice %arg20[%add3A_586, %dma_start3A_610] : memref<10240x8xf32, #tpu.memory_space<vmem_shared>> -> memref<80x8xf32, #tpu.memory_space<vmem_shared>>
      tpu.enqueue_dma source(%dma_start3A_611 : memref<80x8xf32, #tpu.memory_space<vmem_shared>>) target(%arg13 : memref<80x8xf32, #tpu.memory_space<vmem>>) target_semaphore(%run_scoped3A_607 : memref<!tpu.dma_semaphore, #tpu.memory_space<semaphore_mem>>)
      %dma_wait3A_612 = arith.constant 0 : i32
      %dma_wait3A_613 = tpu.memref_slice %arg20[%add3A_586, %dma_wait3A_612] : memref<10240x8xf32, #tpu.memory_space<vmem_shared>> -> memref<80x8xf32, #tpu.memory_space<vmem_shared>>
      %dma_wait3A_614 = arith.constant 0 : i32
      %dma_wait3A_615 = tpu.memref_slice %arg20[%add3A_586, %dma_wait3A_614] : memref<10240x8xf32, #tpu.memory_space<vmem_shared>> -> memref<80x8xf32, #tpu.memory_space<vmem_shared>>
      tpu.wait_dma2 semaphore(%run_scoped3A_607 : memref<!tpu.dma_semaphore, #tpu.memory_space<semaphore_mem>>) src(%dma_wait3A_615 : memref<80x8xf32, #tpu.memory_space<vmem_shared>>) dst(%arg13 : memref<80x8xf32, #tpu.memory_space<vmem>>)
      tpu.yield
    }) : () -> ()
    %scan3A_587 = arith.constant 0 : i32
    %scan3A_588 = arith.constant 0 : i32
    %scan3A_589 = arith.constant 80 : i32
    %scan3A_590 = arith.addi %scan3A_588, %scan3A_589 : i32
    %scan3A_591 = arith.constant 1 : i32
    scf.for %scan3A_607 = %scan3A_588 to %scan3A_590 step %scan3A_591  : i32 {
      %broadcast_in_dim3A = vector.broadcast %scan3A_607 : i32 to vector<16xi32>
      %broadcast_in_dim3A_608 = arith.constant 0 : i32
      %broadcast_in_dim3A_609 = vector.broadcast %broadcast_in_dim3A_608 : i32 to vector<16xi32>
      %gather3A = tpu.vector_load_idx %arg13[%broadcast_in_dim3A, %broadcast_in_dim3A_609] : memref<80x8xf32, #tpu.memory_space<vmem>>[vector<16xi32>, vector<16xi32>], vector<16xf32>,
      %max3A = arith.constant 1.000000e+00 : f32
      %max3A_610 = vector.broadcast %max3A : f32 to vector<16xf32>
      %max3A_611 = arith.maximumf %gather3A, %max3A_610 : vector<16xf32>
      %get3A = arith.index_cast %scan3A_607 : i32 to index
      %get3A_612 = arith.constant 0 : index
      %get3A_613 = tpu.vector_load %arg8[%get3A, %get3A_612] {strides = array<i32>} : memref<125x64xf32, #tpu.memory_space<vmem>>, vector<16xf32>,
      %div3A = arith.divf %get3A_613, %max3A_611 : vector<16xf32>
      %swap3A = arith.index_cast %scan3A_607 : i32 to index
      %swap3A_614 = arith.constant 0 : index
      %swap3A_615 = tpu.vector_load %arg8[%swap3A, %swap3A_614] {strides = array<i32>} : memref<125x64xf32, #tpu.memory_space<vmem>>, vector<16xf32>,
      tpu.vector_store %arg8[%swap3A, %swap3A_614], %div3A {strides = array<i32>} : memref<125x64xf32, #tpu.memory_space<vmem>>, vector<16xf32>,
      %get3A_616 = arith.index_cast %scan3A_607 : i32 to index
      %get3A_617 = arith.constant 16 : index
      %get3A_618 = tpu.vector_load %arg8[%get3A_616, %get3A_617] {strides = array<i32>} : memref<125x64xf32, #tpu.memory_space<vmem>>, vector<16xf32>,
      %div3A_619 = arith.divf %get3A_618, %max3A_611 : vector<16xf32>
      %swap3A_620 = arith.index_cast %scan3A_607 : i32 to index
      %swap3A_621 = arith.constant 16 : index
      %swap3A_622 = tpu.vector_load %arg8[%swap3A_620, %swap3A_621] {strides = array<i32>} : memref<125x64xf32, #tpu.memory_space<vmem>>, vector<16xf32>,
      tpu.vector_store %arg8[%swap3A_620, %swap3A_621], %div3A_619 {strides = array<i32>} : memref<125x64xf32, #tpu.memory_space<vmem>>, vector<16xf32>,
      %get3A_623 = arith.index_cast %scan3A_607 : i32 to index
      %get3A_624 = arith.constant 32 : index
      %get3A_625 = tpu.vector_load %arg8[%get3A_623, %get3A_624] {strides = array<i32>} : memref<125x64xf32, #tpu.memory_space<vmem>>, vector<16xf32>,
      %div3A_626 = arith.divf %get3A_625, %max3A_611 : vector<16xf32>
      %swap3A_627 = arith.index_cast %scan3A_607 : i32 to index
      %swap3A_628 = arith.constant 32 : index
      %swap3A_629 = tpu.vector_load %arg8[%swap3A_627, %swap3A_628] {strides = array<i32>} : memref<125x64xf32, #tpu.memory_space<vmem>>, vector<16xf32>,
      tpu.vector_store %arg8[%swap3A_627, %swap3A_628], %div3A_626 {strides = array<i32>} : memref<125x64xf32, #tpu.memory_space<vmem>>, vector<16xf32>,
      %get3A_630 = arith.index_cast %scan3A_607 : i32 to index
      %get3A_631 = arith.constant 48 : index
      %get3A_632 = tpu.vector_load %arg8[%get3A_630, %get3A_631] {strides = array<i32>} : memref<125x64xf32, #tpu.memory_space<vmem>>, vector<16xf32>,
      %div3A_633 = arith.divf %get3A_632, %max3A_611 : vector<16xf32>
      %swap3A_634 = arith.index_cast %scan3A_607 : i32 to index
      %swap3A_635 = arith.constant 48 : index
      %swap3A_636 = tpu.vector_load %arg8[%swap3A_634, %swap3A_635] {strides = array<i32>} : memref<125x64xf32, #tpu.memory_space<vmem>>, vector<16xf32>,
      tpu.vector_store %arg8[%swap3A_634, %swap3A_635], %div3A_633 {strides = array<i32>} : memref<125x64xf32, #tpu.memory_space<vmem>>, vector<16xf32>,
    }
    %scan3A_592 = arith.constant 80 : i32
    %mul3A_593 = arith.constant 64 : i32
    %mul3A_594 = arith.muli %arg0, %mul3A_593 : i32
    "tpu.region"() ({
      %run_scoped3A_607 = tpu.sem_alloc : memref<!tpu.dma_semaphore, #tpu.memory_space<semaphore_mem>>
      %dma_start3A_608 = arith.constant 0 : i32
      %dma_start3A_609 = arith.constant 0 : i32
      %dma_start3A_610 = tpu.memref_slice %arg8[%dma_start3A_608, %dma_start3A_609] : memref<125x64xf32, #tpu.memory_space<vmem>> -> memref<80x64xf32, #tpu.memory_space<vmem>>
      %dma_start3A_611 = tpu.memref_slice %arg7[%add3A_586, %mul3A_594] : memref<10000x128xf32, #tpu.memory_space<hbm>> -> memref<80x64xf32, #tpu.memory_space<hbm>>
      %dma_start3A_612 = tpu.memref_slice %arg7[%add3A_586, %mul3A_594] : memref<10000x128xf32, #tpu.memory_space<hbm>> -> memref<80x64xf32, #tpu.memory_space<hbm>>
      %dma_start3A_613 = arith.constant 0 : i32
      %dma_start3A_614 = arith.constant 0 : i32
      %dma_start3A_615 = tpu.memref_slice %arg8[%dma_start3A_613, %dma_start3A_614] : memref<125x64xf32, #tpu.memory_space<vmem>> -> memref<80x64xf32, #tpu.memory_space<vmem>>
      tpu.enqueue_dma source(%dma_start3A_615 : memref<80x64xf32, #tpu.memory_space<vmem>>) target(%dma_start3A_612 : memref<80x64xf32, #tpu.memory_space<hbm>>) target_semaphore(%run_scoped3A_607 : memref<!tpu.dma_semaphore, #tpu.memory_space<semaphore_mem>>)
      %dma_wait3A_616 = arith.constant 0 : i32
      %dma_wait3A_617 = arith.constant 0 : i32
      %dma_wait3A_618 = tpu.memref_slice %arg8[%dma_wait3A_616, %dma_wait3A_617] : memref<125x64xf32, #tpu.memory_space<vmem>> -> memref<80x64xf32, #tpu.memory_space<vmem>>
      %dma_wait3A_619 = tpu.memref_slice %arg7[%add3A_586, %mul3A_594] : memref<10000x128xf32, #tpu.memory_space<hbm>> -> memref<80x64xf32, #tpu.memory_space<hbm>>
      %dma_wait3A_620 = tpu.memref_slice %arg7[%add3A_586, %mul3A_594] : memref<10000x128xf32, #tpu.memory_space<hbm>> -> memref<80x64xf32, #tpu.memory_space<hbm>>
      %dma_wait3A_621 = arith.constant 0 : i32
      %dma_wait3A_622 = arith.constant 0 : i32
      %dma_wait3A_623 = tpu.memref_slice %arg8[%dma_wait3A_621, %dma_wait3A_622] : memref<125x64xf32, #tpu.memory_space<vmem>> -> memref<80x64xf32, #tpu.memory_space<vmem>>
      tpu.wait_dma2 semaphore(%run_scoped3A_607 : memref<!tpu.dma_semaphore, #tpu.memory_space<semaphore_mem>>) src(%dma_wait3A_623 : memref<80x64xf32, #tpu.memory_space<vmem>>) dst(%dma_wait3A_620 : memref<80x64xf32, #tpu.memory_space<hbm>>)
      tpu.yield
    }) : () -> ()
    %lt3A = arith.constant 15 : i32
    %lt3A_595 = arith.cmpi slt, %arg1, %lt3A : i32
    %convert_element_type3A = arith.extui %lt3A_595 : i1 to i32
    %cond3A = arith.constant 0 : i32
    %cond3A_596 = arith.cmpi ne, %convert_element_type3A, %cond3A : i32
    scf.if %cond3A_596 {
      %mul3A_607 = arith.constant 640 : i32
      %mul3A_608 = arith.muli %arg1, %mul3A_607 : i32
      %add3A_609 = arith.constant 400 : i32
      %add3A_610 = arith.addi %mul3A_608, %add3A_609 : i32
      "tpu.region"() ({
        %run_scoped3A_619 = tpu.sem_alloc : memref<!tpu.dma_semaphore, #tpu.memory_space<semaphore_mem>>
        %dma_start3A_620 = arith.constant 0 : i32
        %dma_start3A_621 = arith.constant 0 : i32
        %dma_start3A_622 = tpu.memref_slice %arg8[%dma_start3A_620, %dma_start3A_621] : memref<125x64xf32, #tpu.memory_space<vmem>> -> memref<80x64xf32, #tpu.memory_space<vmem>>
        %dma_start3A_623 = arith.constant 0 : i32
        %dma_start3A_624 = tpu.memref_slice %arg19[%add3A_610, %dma_start3A_623] : memref<10240x64xf32, #tpu.memory_space<vmem_shared>> -> memref<80x64xf32, #tpu.memory_space<vmem_shared>>
        %dma_start3A_625 = arith.constant 0 : i32
        %dma_start3A_626 = arith.constant 0 : i32
        %dma_start3A_627 = tpu.memref_slice %arg8[%dma_start3A_625, %dma_start3A_626] : memref<125x64xf32, #tpu.memory_space<vmem>> -> memref<80x64xf32, #tpu.memory_space<vmem>>
        %dma_start3A_628 = arith.constant 0 : i32
        %dma_start3A_629 = tpu.memref_slice %arg19[%add3A_610, %dma_start3A_628] : memref<10240x64xf32, #tpu.memory_space<vmem_shared>> -> memref<80x64xf32, #tpu.memory_space<vmem_shared>>
        tpu.enqueue_dma source(%dma_start3A_629 : memref<80x64xf32, #tpu.memory_space<vmem_shared>>) target(%dma_start3A_627 : memref<80x64xf32, #tpu.memory_space<vmem>>) target_semaphore(%run_scoped3A_619 : memref<!tpu.dma_semaphore, #tpu.memory_space<semaphore_mem>>)
        %dma_wait3A_630 = arith.constant 0 : i32
        %dma_wait3A_631 = arith.constant 0 : i32
        %dma_wait3A_632 = tpu.memref_slice %arg8[%dma_wait3A_630, %dma_wait3A_631] : memref<125x64xf32, #tpu.memory_space<vmem>> -> memref<80x64xf32, #tpu.memory_space<vmem>>
        %dma_wait3A_633 = arith.constant 0 : i32
        %dma_wait3A_634 = tpu.memref_slice %arg19[%add3A_610, %dma_wait3A_633] : memref<10240x64xf32, #tpu.memory_space<vmem_shared>> -> memref<80x64xf32, #tpu.memory_space<vmem_shared>>
        %dma_wait3A_635 = arith.constant 0 : i32
        %dma_wait3A_636 = arith.constant 0 : i32
        %dma_wait3A_637 = tpu.memref_slice %arg8[%dma_wait3A_635, %dma_wait3A_636] : memref<125x64xf32, #tpu.memory_space<vmem>> -> memref<80x64xf32, #tpu.memory_space<vmem>>
        %dma_wait3A_638 = arith.constant 0 : i32
        %dma_wait3A_639 = tpu.memref_slice %arg19[%add3A_610, %dma_wait3A_638] : memref<10240x64xf32, #tpu.memory_space<vmem_shared>> -> memref<80x64xf32, #tpu.memory_space<vmem_shared>>
        tpu.wait_dma2 semaphore(%run_scoped3A_619 : memref<!tpu.dma_semaphore, #tpu.memory_space<semaphore_mem>>) src(%dma_wait3A_639 : memref<80x64xf32, #tpu.memory_space<vmem_shared>>) dst(%dma_wait3A_637 : memref<80x64xf32, #tpu.memory_space<vmem>>)
        tpu.yield
      }) : () -> ()
      "tpu.region"() ({
        %run_scoped3A_619 = tpu.sem_alloc : memref<!tpu.dma_semaphore, #tpu.memory_space<semaphore_mem>>
        %dma_start3A_620 = arith.constant 0 : i32
        %dma_start3A_621 = tpu.memref_slice %arg20[%add3A_610, %dma_start3A_620] : memref<10240x8xf32, #tpu.memory_space<vmem_shared>> -> memref<80x8xf32, #tpu.memory_space<vmem_shared>>
        %dma_start3A_622 = arith.constant 0 : i32
        %dma_start3A_623 = tpu.memref_slice %arg20[%add3A_610, %dma_start3A_622] : memref<10240x8xf32, #tpu.memory_space<vmem_shared>> -> memref<80x8xf32, #tpu.memory_space<vmem_shared>>
        tpu.enqueue_dma source(%dma_start3A_623 : memref<80x8xf32, #tpu.memory_space<vmem_shared>>) target(%arg13 : memref<80x8xf32, #tpu.memory_space<vmem>>) target_semaphore(%run_scoped3A_619 : memref<!tpu.dma_semaphore, #tpu.memory_space<semaphore_mem>>)
        %dma_wait3A_624 = arith.constant 0 : i32
        %dma_wait3A_625 = tpu.memref_slice %arg20[%add3A_610, %dma_wait3A_624] : memref<10240x8xf32, #tpu.memory_space<vmem_shared>> -> memref<80x8xf32, #tpu.memory_space<vmem_shared>>
        %dma_wait3A_626 = arith.constant 0 : i32
        %dma_wait3A_627 = tpu.memref_slice %arg20[%add3A_610, %dma_wait3A_626] : memref<10240x8xf32, #tpu.memory_space<vmem_shared>> -> memref<80x8xf32, #tpu.memory_space<vmem_shared>>
        tpu.wait_dma2 semaphore(%run_scoped3A_619 : memref<!tpu.dma_semaphore, #tpu.memory_space<semaphore_mem>>) src(%dma_wait3A_627 : memref<80x8xf32, #tpu.memory_space<vmem_shared>>) dst(%arg13 : memref<80x8xf32, #tpu.memory_space<vmem>>)
        tpu.yield
      }) : () -> ()
      %scan3A_611 = arith.constant 0 : i32
      %scan3A_612 = arith.constant 0 : i32
      %scan3A_613 = arith.constant 80 : i32
      %scan3A_614 = arith.addi %scan3A_612, %scan3A_613 : i32
      %scan3A_615 = arith.constant 1 : i32
      scf.for %scan3A_619 = %scan3A_612 to %scan3A_614 step %scan3A_615  : i32 {
        %broadcast_in_dim3A = vector.broadcast %scan3A_619 : i32 to vector<16xi32>
        %broadcast_in_dim3A_620 = arith.constant 0 : i32
        %broadcast_in_dim3A_621 = vector.broadcast %broadcast_in_dim3A_620 : i32 to vector<16xi32>
        %gather3A = tpu.vector_load_idx %arg13[%broadcast_in_dim3A, %broadcast_in_dim3A_621] : memref<80x8xf32, #tpu.memory_space<vmem>>[vector<16xi32>, vector<16xi32>], vector<16xf32>,
        %max3A = arith.constant 1.000000e+00 : f32
        %max3A_622 = vector.broadcast %max3A : f32 to vector<16xf32>
        %max3A_623 = arith.maximumf %gather3A, %max3A_622 : vector<16xf32>
        %get3A = arith.index_cast %scan3A_619 : i32 to index
        %get3A_624 = arith.constant 0 : index
        %get3A_625 = tpu.vector_load %arg8[%get3A, %get3A_624] {strides = array<i32>} : memref<125x64xf32, #tpu.memory_space<vmem>>, vector<16xf32>,
        %div3A = arith.divf %get3A_625, %max3A_623 : vector<16xf32>
        %swap3A = arith.index_cast %scan3A_619 : i32 to index
        %swap3A_626 = arith.constant 0 : index
        %swap3A_627 = tpu.vector_load %arg8[%swap3A, %swap3A_626] {strides = array<i32>} : memref<125x64xf32, #tpu.memory_space<vmem>>, vector<16xf32>,
        tpu.vector_store %arg8[%swap3A, %swap3A_626], %div3A {strides = array<i32>} : memref<125x64xf32, #tpu.memory_space<vmem>>, vector<16xf32>,
        %get3A_628 = arith.index_cast %scan3A_619 : i32 to index
        %get3A_629 = arith.constant 16 : index
        %get3A_630 = tpu.vector_load %arg8[%get3A_628, %get3A_629] {strides = array<i32>} : memref<125x64xf32, #tpu.memory_space<vmem>>, vector<16xf32>,
        %div3A_631 = arith.divf %get3A_630, %max3A_623 : vector<16xf32>
        %swap3A_632 = arith.index_cast %scan3A_619 : i32 to index
        %swap3A_633 = arith.constant 16 : index
        %swap3A_634 = tpu.vector_load %arg8[%swap3A_632, %swap3A_633] {strides = array<i32>} : memref<125x64xf32, #tpu.memory_space<vmem>>, vector<16xf32>,
        tpu.vector_store %arg8[%swap3A_632, %swap3A_633], %div3A_631 {strides = array<i32>} : memref<125x64xf32, #tpu.memory_space<vmem>>, vector<16xf32>,
        %get3A_635 = arith.index_cast %scan3A_619 : i32 to index
        %get3A_636 = arith.constant 32 : index
        %get3A_637 = tpu.vector_load %arg8[%get3A_635, %get3A_636] {strides = array<i32>} : memref<125x64xf32, #tpu.memory_space<vmem>>, vector<16xf32>,
        %div3A_638 = arith.divf %get3A_637, %max3A_623 : vector<16xf32>
        %swap3A_639 = arith.index_cast %scan3A_619 : i32 to index
        %swap3A_640 = arith.constant 32 : index
        %swap3A_641 = tpu.vector_load %arg8[%swap3A_639, %swap3A_640] {strides = array<i32>} : memref<125x64xf32, #tpu.memory_space<vmem>>, vector<16xf32>,
        tpu.vector_store %arg8[%swap3A_639, %swap3A_640], %div3A_638 {strides = array<i32>} : memref<125x64xf32, #tpu.memory_space<vmem>>, vector<16xf32>,
        %get3A_642 = arith.index_cast %scan3A_619 : i32 to index
        %get3A_643 = arith.constant 48 : index
        %get3A_644 = tpu.vector_load %arg8[%get3A_642, %get3A_643] {strides = array<i32>} : memref<125x64xf32, #tpu.memory_space<vmem>>, vector<16xf32>,
        %div3A_645 = arith.divf %get3A_644, %max3A_623 : vector<16xf32>
        %swap3A_646 = arith.index_cast %scan3A_619 : i32 to index
        %swap3A_647 = arith.constant 48 : index
        %swap3A_648 = tpu.vector_load %arg8[%swap3A_646, %swap3A_647] {strides = array<i32>} : memref<125x64xf32, #tpu.memory_space<vmem>>, vector<16xf32>,
        tpu.vector_store %arg8[%swap3A_646, %swap3A_647], %div3A_645 {strides = array<i32>} : memref<125x64xf32, #tpu.memory_space<vmem>>, vector<16xf32>,
      }
      %scan3A_616 = arith.constant 80 : i32
      %mul3A_617 = arith.constant 64 : i32
      %mul3A_618 = arith.muli %arg0, %mul3A_617 : i32
      "tpu.region"() ({
        %run_scoped3A_619 = tpu.sem_alloc : memref<!tpu.dma_semaphore, #tpu.memory_space<semaphore_mem>>
        %dma_start3A_620 = arith.constant 0 : i32
        %dma_start3A_621 = arith.constant 0 : i32
        %dma_start3A_622 = tpu.memref_slice %arg8[%dma_start3A_620, %dma_start3A_621] : memref<125x64xf32, #tpu.memory_space<vmem>> -> memref<80x64xf32, #tpu.memory_space<vmem>>
        %dma_start3A_623 = tpu.memref_slice %arg7[%add3A_610, %mul3A_618] : memref<10000x128xf32, #tpu.memory_space<hbm>> -> memref<80x64xf32, #tpu.memory_space<hbm>>
        %dma_start3A_624 = tpu.memref_slice %arg7[%add3A_610, %mul3A_618] : memref<10000x128xf32, #tpu.memory_space<hbm>> -> memref<80x64xf32, #tpu.memory_space<hbm>>
        %dma_start3A_625 = arith.constant 0 : i32
        %dma_start3A_626 = arith.constant 0 : i32
        %dma_start3A_627 = tpu.memref_slice %arg8[%dma_start3A_625, %dma_start3A_626] : memref<125x64xf32, #tpu.memory_space<vmem>> -> memref<80x64xf32, #tpu.memory_space<vmem>>
        tpu.enqueue_dma source(%dma_start3A_627 : memref<80x64xf32, #tpu.memory_space<vmem>>) target(%dma_start3A_624 : memref<80x64xf32, #tpu.memory_space<hbm>>) target_semaphore(%run_scoped3A_619 : memref<!tpu.dma_semaphore, #tpu.memory_space<semaphore_mem>>)
        %dma_wait3A_628 = arith.constant 0 : i32
        %dma_wait3A_629 = arith.constant 0 : i32
        %dma_wait3A_630 = tpu.memref_slice %arg8[%dma_wait3A_628, %dma_wait3A_629] : memref<125x64xf32, #tpu.memory_space<vmem>> -> memref<80x64xf32, #tpu.memory_space<vmem>>
        %dma_wait3A_631 = tpu.memref_slice %arg7[%add3A_610, %mul3A_618] : memref<10000x128xf32, #tpu.memory_space<hbm>> -> memref<80x64xf32, #tpu.memory_space<hbm>>
        %dma_wait3A_632 = tpu.memref_slice %arg7[%add3A_610, %mul3A_618] : memref<10000x128xf32, #tpu.memory_space<hbm>> -> memref<80x64xf32, #tpu.memory_space<hbm>>
        %dma_wait3A_633 = arith.constant 0 : i32
        %dma_wait3A_634 = arith.constant 0 : i32
        %dma_wait3A_635 = tpu.memref_slice %arg8[%dma_wait3A_633, %dma_wait3A_634] : memref<125x64xf32, #tpu.memory_space<vmem>> -> memref<80x64xf32, #tpu.memory_space<vmem>>
        tpu.wait_dma2 semaphore(%run_scoped3A_619 : memref<!tpu.dma_semaphore, #tpu.memory_space<semaphore_mem>>) src(%dma_wait3A_635 : memref<80x64xf32, #tpu.memory_space<vmem>>) dst(%dma_wait3A_632 : memref<80x64xf32, #tpu.memory_space<hbm>>)
        tpu.yield
      }) : () -> ()
    } else {
    }
    %lt3A_597 = arith.constant 15 : i32
    %lt3A_598 = arith.cmpi slt, %arg1, %lt3A_597 : i32
    %convert_element_type3A_599 = arith.extui %lt3A_598 : i1 to i32
    %cond3A_600 = arith.constant 0 : i32
    %cond3A_601 = arith.cmpi ne, %convert_element_type3A_599, %cond3A_600 : i32
    scf.if %cond3A_601 {
      %mul3A_607 = arith.constant 640 : i32
      %mul3A_608 = arith.muli %arg1, %mul3A_607 : i32
      %add3A_609 = arith.constant 480 : i32
      %add3A_610 = arith.addi %mul3A_608, %add3A_609 : i32
      "tpu.region"() ({
        %run_scoped3A_619 = tpu.sem_alloc : memref<!tpu.dma_semaphore, #tpu.memory_space<semaphore_mem>>
        %dma_start3A_620 = arith.constant 0 : i32
        %dma_start3A_621 = arith.constant 0 : i32
        %dma_start3A_622 = tpu.memref_slice %arg8[%dma_start3A_620, %dma_start3A_621] : memref<125x64xf32, #tpu.memory_space<vmem>> -> memref<80x64xf32, #tpu.memory_space<vmem>>
        %dma_start3A_623 = arith.constant 0 : i32
        %dma_start3A_624 = tpu.memref_slice %arg19[%add3A_610, %dma_start3A_623] : memref<10240x64xf32, #tpu.memory_space<vmem_shared>> -> memref<80x64xf32, #tpu.memory_space<vmem_shared>>
        %dma_start3A_625 = arith.constant 0 : i32
        %dma_start3A_626 = arith.constant 0 : i32
        %dma_start3A_627 = tpu.memref_slice %arg8[%dma_start3A_625, %dma_start3A_626] : memref<125x64xf32, #tpu.memory_space<vmem>> -> memref<80x64xf32, #tpu.memory_space<vmem>>
        %dma_start3A_628 = arith.constant 0 : i32
        %dma_start3A_629 = tpu.memref_slice %arg19[%add3A_610, %dma_start3A_628] : memref<10240x64xf32, #tpu.memory_space<vmem_shared>> -> memref<80x64xf32, #tpu.memory_space<vmem_shared>>
        tpu.enqueue_dma source(%dma_start3A_629 : memref<80x64xf32, #tpu.memory_space<vmem_shared>>) target(%dma_start3A_627 : memref<80x64xf32, #tpu.memory_space<vmem>>) target_semaphore(%run_scoped3A_619 : memref<!tpu.dma_semaphore, #tpu.memory_space<semaphore_mem>>)
        %dma_wait3A_630 = arith.constant 0 : i32
        %dma_wait3A_631 = arith.constant 0 : i32
        %dma_wait3A_632 = tpu.memref_slice %arg8[%dma_wait3A_630, %dma_wait3A_631] : memref<125x64xf32, #tpu.memory_space<vmem>> -> memref<80x64xf32, #tpu.memory_space<vmem>>
        %dma_wait3A_633 = arith.constant 0 : i32
        %dma_wait3A_634 = tpu.memref_slice %arg19[%add3A_610, %dma_wait3A_633] : memref<10240x64xf32, #tpu.memory_space<vmem_shared>> -> memref<80x64xf32, #tpu.memory_space<vmem_shared>>
        %dma_wait3A_635 = arith.constant 0 : i32
        %dma_wait3A_636 = arith.constant 0 : i32
        %dma_wait3A_637 = tpu.memref_slice %arg8[%dma_wait3A_635, %dma_wait3A_636] : memref<125x64xf32, #tpu.memory_space<vmem>> -> memref<80x64xf32, #tpu.memory_space<vmem>>
        %dma_wait3A_638 = arith.constant 0 : i32
        %dma_wait3A_639 = tpu.memref_slice %arg19[%add3A_610, %dma_wait3A_638] : memref<10240x64xf32, #tpu.memory_space<vmem_shared>> -> memref<80x64xf32, #tpu.memory_space<vmem_shared>>
        tpu.wait_dma2 semaphore(%run_scoped3A_619 : memref<!tpu.dma_semaphore, #tpu.memory_space<semaphore_mem>>) src(%dma_wait3A_639 : memref<80x64xf32, #tpu.memory_space<vmem_shared>>) dst(%dma_wait3A_637 : memref<80x64xf32, #tpu.memory_space<vmem>>)
        tpu.yield
      }) : () -> ()
      "tpu.region"() ({
        %run_scoped3A_619 = tpu.sem_alloc : memref<!tpu.dma_semaphore, #tpu.memory_space<semaphore_mem>>
        %dma_start3A_620 = arith.constant 0 : i32
        %dma_start3A_621 = tpu.memref_slice %arg20[%add3A_610, %dma_start3A_620] : memref<10240x8xf32, #tpu.memory_space<vmem_shared>> -> memref<80x8xf32, #tpu.memory_space<vmem_shared>>
        %dma_start3A_622 = arith.constant 0 : i32
        %dma_start3A_623 = tpu.memref_slice %arg20[%add3A_610, %dma_start3A_622] : memref<10240x8xf32, #tpu.memory_space<vmem_shared>> -> memref<80x8xf32, #tpu.memory_space<vmem_shared>>
        tpu.enqueue_dma source(%dma_start3A_623 : memref<80x8xf32, #tpu.memory_space<vmem_shared>>) target(%arg13 : memref<80x8xf32, #tpu.memory_space<vmem>>) target_semaphore(%run_scoped3A_619 : memref<!tpu.dma_semaphore, #tpu.memory_space<semaphore_mem>>)
        %dma_wait3A_624 = arith.constant 0 : i32
        %dma_wait3A_625 = tpu.memref_slice %arg20[%add3A_610, %dma_wait3A_624] : memref<10240x8xf32, #tpu.memory_space<vmem_shared>> -> memref<80x8xf32, #tpu.memory_space<vmem_shared>>
        %dma_wait3A_626 = arith.constant 0 : i32
        %dma_wait3A_627 = tpu.memref_slice %arg20[%add3A_610, %dma_wait3A_626] : memref<10240x8xf32, #tpu.memory_space<vmem_shared>> -> memref<80x8xf32, #tpu.memory_space<vmem_shared>>
        tpu.wait_dma2 semaphore(%run_scoped3A_619 : memref<!tpu.dma_semaphore, #tpu.memory_space<semaphore_mem>>) src(%dma_wait3A_627 : memref<80x8xf32, #tpu.memory_space<vmem_shared>>) dst(%arg13 : memref<80x8xf32, #tpu.memory_space<vmem>>)
        tpu.yield
      }) : () -> ()
      %scan3A_611 = arith.constant 0 : i32
      %scan3A_612 = arith.constant 0 : i32
      %scan3A_613 = arith.constant 80 : i32
      %scan3A_614 = arith.addi %scan3A_612, %scan3A_613 : i32
      %scan3A_615 = arith.constant 1 : i32
      scf.for %scan3A_619 = %scan3A_612 to %scan3A_614 step %scan3A_615  : i32 {
        %broadcast_in_dim3A = vector.broadcast %scan3A_619 : i32 to vector<16xi32>
        %broadcast_in_dim3A_620 = arith.constant 0 : i32
        %broadcast_in_dim3A_621 = vector.broadcast %broadcast_in_dim3A_620 : i32 to vector<16xi32>
        %gather3A = tpu.vector_load_idx %arg13[%broadcast_in_dim3A, %broadcast_in_dim3A_621] : memref<80x8xf32, #tpu.memory_space<vmem>>[vector<16xi32>, vector<16xi32>], vector<16xf32>,
        %max3A = arith.constant 1.000000e+00 : f32
        %max3A_622 = vector.broadcast %max3A : f32 to vector<16xf32>
        %max3A_623 = arith.maximumf %gather3A, %max3A_622 : vector<16xf32>
        %get3A = arith.index_cast %scan3A_619 : i32 to index
        %get3A_624 = arith.constant 0 : index
        %get3A_625 = tpu.vector_load %arg8[%get3A, %get3A_624] {strides = array<i32>} : memref<125x64xf32, #tpu.memory_space<vmem>>, vector<16xf32>,
        %div3A = arith.divf %get3A_625, %max3A_623 : vector<16xf32>
        %swap3A = arith.index_cast %scan3A_619 : i32 to index
        %swap3A_626 = arith.constant 0 : index
        %swap3A_627 = tpu.vector_load %arg8[%swap3A, %swap3A_626] {strides = array<i32>} : memref<125x64xf32, #tpu.memory_space<vmem>>, vector<16xf32>,
        tpu.vector_store %arg8[%swap3A, %swap3A_626], %div3A {strides = array<i32>} : memref<125x64xf32, #tpu.memory_space<vmem>>, vector<16xf32>,
        %get3A_628 = arith.index_cast %scan3A_619 : i32 to index
        %get3A_629 = arith.constant 16 : index
        %get3A_630 = tpu.vector_load %arg8[%get3A_628, %get3A_629] {strides = array<i32>} : memref<125x64xf32, #tpu.memory_space<vmem>>, vector<16xf32>,
        %div3A_631 = arith.divf %get3A_630, %max3A_623 : vector<16xf32>
        %swap3A_632 = arith.index_cast %scan3A_619 : i32 to index
        %swap3A_633 = arith.constant 16 : index
        %swap3A_634 = tpu.vector_load %arg8[%swap3A_632, %swap3A_633] {strides = array<i32>} : memref<125x64xf32, #tpu.memory_space<vmem>>, vector<16xf32>,
        tpu.vector_store %arg8[%swap3A_632, %swap3A_633], %div3A_631 {strides = array<i32>} : memref<125x64xf32, #tpu.memory_space<vmem>>, vector<16xf32>,
        %get3A_635 = arith.index_cast %scan3A_619 : i32 to index
        %get3A_636 = arith.constant 32 : index
        %get3A_637 = tpu.vector_load %arg8[%get3A_635, %get3A_636] {strides = array<i32>} : memref<125x64xf32, #tpu.memory_space<vmem>>, vector<16xf32>,
        %div3A_638 = arith.divf %get3A_637, %max3A_623 : vector<16xf32>
        %swap3A_639 = arith.index_cast %scan3A_619 : i32 to index
        %swap3A_640 = arith.constant 32 : index
        %swap3A_641 = tpu.vector_load %arg8[%swap3A_639, %swap3A_640] {strides = array<i32>} : memref<125x64xf32, #tpu.memory_space<vmem>>, vector<16xf32>,
        tpu.vector_store %arg8[%swap3A_639, %swap3A_640], %div3A_638 {strides = array<i32>} : memref<125x64xf32, #tpu.memory_space<vmem>>, vector<16xf32>,
        %get3A_642 = arith.index_cast %scan3A_619 : i32 to index
        %get3A_643 = arith.constant 48 : index
        %get3A_644 = tpu.vector_load %arg8[%get3A_642, %get3A_643] {strides = array<i32>} : memref<125x64xf32, #tpu.memory_space<vmem>>, vector<16xf32>,
        %div3A_645 = arith.divf %get3A_644, %max3A_623 : vector<16xf32>
        %swap3A_646 = arith.index_cast %scan3A_619 : i32 to index
        %swap3A_647 = arith.constant 48 : index
        %swap3A_648 = tpu.vector_load %arg8[%swap3A_646, %swap3A_647] {strides = array<i32>} : memref<125x64xf32, #tpu.memory_space<vmem>>, vector<16xf32>,
        tpu.vector_store %arg8[%swap3A_646, %swap3A_647], %div3A_645 {strides = array<i32>} : memref<125x64xf32, #tpu.memory_space<vmem>>, vector<16xf32>,
      }
      %scan3A_616 = arith.constant 80 : i32
      %mul3A_617 = arith.constant 64 : i32
      %mul3A_618 = arith.muli %arg0, %mul3A_617 : i32
      "tpu.region"() ({
        %run_scoped3A_619 = tpu.sem_alloc : memref<!tpu.dma_semaphore, #tpu.memory_space<semaphore_mem>>
        %dma_start3A_620 = arith.constant 0 : i32
        %dma_start3A_621 = arith.constant 0 : i32
        %dma_start3A_622 = tpu.memref_slice %arg8[%dma_start3A_620, %dma_start3A_621] : memref<125x64xf32, #tpu.memory_space<vmem>> -> memref<80x64xf32, #tpu.memory_space<vmem>>
        %dma_start3A_623 = tpu.memref_slice %arg7[%add3A_610, %mul3A_618] : memref<10000x128xf32, #tpu.memory_space<hbm>> -> memref<80x64xf32, #tpu.memory_space<hbm>>
        %dma_start3A_624 = tpu.memref_slice %arg7[%add3A_610, %mul3A_618] : memref<10000x128xf32, #tpu.memory_space<hbm>> -> memref<80x64xf32, #tpu.memory_space<hbm>>
        %dma_start3A_625 = arith.constant 0 : i32
        %dma_start3A_626 = arith.constant 0 : i32
        %dma_start3A_627 = tpu.memref_slice %arg8[%dma_start3A_625, %dma_start3A_626] : memref<125x64xf32, #tpu.memory_space<vmem>> -> memref<80x64xf32, #tpu.memory_space<vmem>>
        tpu.enqueue_dma source(%dma_start3A_627 : memref<80x64xf32, #tpu.memory_space<vmem>>) target(%dma_start3A_624 : memref<80x64xf32, #tpu.memory_space<hbm>>) target_semaphore(%run_scoped3A_619 : memref<!tpu.dma_semaphore, #tpu.memory_space<semaphore_mem>>)
        %dma_wait3A_628 = arith.constant 0 : i32
        %dma_wait3A_629 = arith.constant 0 : i32
        %dma_wait3A_630 = tpu.memref_slice %arg8[%dma_wait3A_628, %dma_wait3A_629] : memref<125x64xf32, #tpu.memory_space<vmem>> -> memref<80x64xf32, #tpu.memory_space<vmem>>
        %dma_wait3A_631 = tpu.memref_slice %arg7[%add3A_610, %mul3A_618] : memref<10000x128xf32, #tpu.memory_space<hbm>> -> memref<80x64xf32, #tpu.memory_space<hbm>>
        %dma_wait3A_632 = tpu.memref_slice %arg7[%add3A_610, %mul3A_618] : memref<10000x128xf32, #tpu.memory_space<hbm>> -> memref<80x64xf32, #tpu.memory_space<hbm>>
        %dma_wait3A_633 = arith.constant 0 : i32
        %dma_wait3A_634 = arith.constant 0 : i32
        %dma_wait3A_635 = tpu.memref_slice %arg8[%dma_wait3A_633, %dma_wait3A_634] : memref<125x64xf32, #tpu.memory_space<vmem>> -> memref<80x64xf32, #tpu.memory_space<vmem>>
        tpu.wait_dma2 semaphore(%run_scoped3A_619 : memref<!tpu.dma_semaphore, #tpu.memory_space<semaphore_mem>>) src(%dma_wait3A_635 : memref<80x64xf32, #tpu.memory_space<vmem>>) dst(%dma_wait3A_632 : memref<80x64xf32, #tpu.memory_space<hbm>>)
        tpu.yield
      }) : () -> ()
    } else {
    }
    %lt3A_602 = arith.constant 15 : i32
    %lt3A_603 = arith.cmpi slt, %arg1, %lt3A_602 : i32
    %convert_element_type3A_604 = arith.extui %lt3A_603 : i1 to i32
    %cond3A_605 = arith.constant 0 : i32
    %cond3A_606 = arith.cmpi ne, %convert_element_type3A_604, %cond3A_605 : i32
    scf.if %cond3A_606 {
      %mul3A_607 = arith.constant 640 : i32
      %mul3A_608 = arith.muli %arg1, %mul3A_607 : i32
      %add3A_609 = arith.constant 560 : i32
      %add3A_610 = arith.addi %mul3A_608, %add3A_609 : i32
      "tpu.region"() ({
        %run_scoped3A_619 = tpu.sem_alloc : memref<!tpu.dma_semaphore, #tpu.memory_space<semaphore_mem>>
        %dma_start3A_620 = arith.constant 0 : i32
        %dma_start3A_621 = arith.constant 0 : i32
        %dma_start3A_622 = tpu.memref_slice %arg8[%dma_start3A_620, %dma_start3A_621] : memref<125x64xf32, #tpu.memory_space<vmem>> -> memref<80x64xf32, #tpu.memory_space<vmem>>
        %dma_start3A_623 = arith.constant 0 : i32
        %dma_start3A_624 = tpu.memref_slice %arg19[%add3A_610, %dma_start3A_623] : memref<10240x64xf32, #tpu.memory_space<vmem_shared>> -> memref<80x64xf32, #tpu.memory_space<vmem_shared>>
        %dma_start3A_625 = arith.constant 0 : i32
        %dma_start3A_626 = arith.constant 0 : i32
        %dma_start3A_627 = tpu.memref_slice %arg8[%dma_start3A_625, %dma_start3A_626] : memref<125x64xf32, #tpu.memory_space<vmem>> -> memref<80x64xf32, #tpu.memory_space<vmem>>
        %dma_start3A_628 = arith.constant 0 : i32
        %dma_start3A_629 = tpu.memref_slice %arg19[%add3A_610, %dma_start3A_628] : memref<10240x64xf32, #tpu.memory_space<vmem_shared>> -> memref<80x64xf32, #tpu.memory_space<vmem_shared>>
        tpu.enqueue_dma source(%dma_start3A_629 : memref<80x64xf32, #tpu.memory_space<vmem_shared>>) target(%dma_start3A_627 : memref<80x64xf32, #tpu.memory_space<vmem>>) target_semaphore(%run_scoped3A_619 : memref<!tpu.dma_semaphore, #tpu.memory_space<semaphore_mem>>)
        %dma_wait3A_630 = arith.constant 0 : i32
        %dma_wait3A_631 = arith.constant 0 : i32
        %dma_wait3A_632 = tpu.memref_slice %arg8[%dma_wait3A_630, %dma_wait3A_631] : memref<125x64xf32, #tpu.memory_space<vmem>> -> memref<80x64xf32, #tpu.memory_space<vmem>>
        %dma_wait3A_633 = arith.constant 0 : i32
        %dma_wait3A_634 = tpu.memref_slice %arg19[%add3A_610, %dma_wait3A_633] : memref<10240x64xf32, #tpu.memory_space<vmem_shared>> -> memref<80x64xf32, #tpu.memory_space<vmem_shared>>
        %dma_wait3A_635 = arith.constant 0 : i32
        %dma_wait3A_636 = arith.constant 0 : i32
        %dma_wait3A_637 = tpu.memref_slice %arg8[%dma_wait3A_635, %dma_wait3A_636] : memref<125x64xf32, #tpu.memory_space<vmem>> -> memref<80x64xf32, #tpu.memory_space<vmem>>
        %dma_wait3A_638 = arith.constant 0 : i32
        %dma_wait3A_639 = tpu.memref_slice %arg19[%add3A_610, %dma_wait3A_638] : memref<10240x64xf32, #tpu.memory_space<vmem_shared>> -> memref<80x64xf32, #tpu.memory_space<vmem_shared>>
        tpu.wait_dma2 semaphore(%run_scoped3A_619 : memref<!tpu.dma_semaphore, #tpu.memory_space<semaphore_mem>>) src(%dma_wait3A_639 : memref<80x64xf32, #tpu.memory_space<vmem_shared>>) dst(%dma_wait3A_637 : memref<80x64xf32, #tpu.memory_space<vmem>>)
        tpu.yield
      }) : () -> ()
      "tpu.region"() ({
        %run_scoped3A_619 = tpu.sem_alloc : memref<!tpu.dma_semaphore, #tpu.memory_space<semaphore_mem>>
        %dma_start3A_620 = arith.constant 0 : i32
        %dma_start3A_621 = tpu.memref_slice %arg20[%add3A_610, %dma_start3A_620] : memref<10240x8xf32, #tpu.memory_space<vmem_shared>> -> memref<80x8xf32, #tpu.memory_space<vmem_shared>>
        %dma_start3A_622 = arith.constant 0 : i32
        %dma_start3A_623 = tpu.memref_slice %arg20[%add3A_610, %dma_start3A_622] : memref<10240x8xf32, #tpu.memory_space<vmem_shared>> -> memref<80x8xf32, #tpu.memory_space<vmem_shared>>
        tpu.enqueue_dma source(%dma_start3A_623 : memref<80x8xf32, #tpu.memory_space<vmem_shared>>) target(%arg13 : memref<80x8xf32, #tpu.memory_space<vmem>>) target_semaphore(%run_scoped3A_619 : memref<!tpu.dma_semaphore, #tpu.memory_space<semaphore_mem>>)
        %dma_wait3A_624 = arith.constant 0 : i32
        %dma_wait3A_625 = tpu.memref_slice %arg20[%add3A_610, %dma_wait3A_624] : memref<10240x8xf32, #tpu.memory_space<vmem_shared>> -> memref<80x8xf32, #tpu.memory_space<vmem_shared>>
        %dma_wait3A_626 = arith.constant 0 : i32
        %dma_wait3A_627 = tpu.memref_slice %arg20[%add3A_610, %dma_wait3A_626] : memref<10240x8xf32, #tpu.memory_space<vmem_shared>> -> memref<80x8xf32, #tpu.memory_space<vmem_shared>>
        tpu.wait_dma2 semaphore(%run_scoped3A_619 : memref<!tpu.dma_semaphore, #tpu.memory_space<semaphore_mem>>) src(%dma_wait3A_627 : memref<80x8xf32, #tpu.memory_space<vmem_shared>>) dst(%arg13 : memref<80x8xf32, #tpu.memory_space<vmem>>)
        tpu.yield
      }) : () -> ()
      %scan3A_611 = arith.constant 0 : i32
      %scan3A_612 = arith.constant 0 : i32
      %scan3A_613 = arith.constant 80 : i32
      %scan3A_614 = arith.addi %scan3A_612, %scan3A_613 : i32
      %scan3A_615 = arith.constant 1 : i32
      scf.for %scan3A_619 = %scan3A_612 to %scan3A_614 step %scan3A_615  : i32 {
        %broadcast_in_dim3A = vector.broadcast %scan3A_619 : i32 to vector<16xi32>
        %broadcast_in_dim3A_620 = arith.constant 0 : i32
        %broadcast_in_dim3A_621 = vector.broadcast %broadcast_in_dim3A_620 : i32 to vector<16xi32>
        %gather3A = tpu.vector_load_idx %arg13[%broadcast_in_dim3A, %broadcast_in_dim3A_621] : memref<80x8xf32, #tpu.memory_space<vmem>>[vector<16xi32>, vector<16xi32>], vector<16xf32>,
        %max3A = arith.constant 1.000000e+00 : f32
        %max3A_622 = vector.broadcast %max3A : f32 to vector<16xf32>
        %max3A_623 = arith.maximumf %gather3A, %max3A_622 : vector<16xf32>
        %get3A = arith.index_cast %scan3A_619 : i32 to index
        %get3A_624 = arith.constant 0 : index
        %get3A_625 = tpu.vector_load %arg8[%get3A, %get3A_624] {strides = array<i32>} : memref<125x64xf32, #tpu.memory_space<vmem>>, vector<16xf32>,
        %div3A = arith.divf %get3A_625, %max3A_623 : vector<16xf32>
        %swap3A = arith.index_cast %scan3A_619 : i32 to index
        %swap3A_626 = arith.constant 0 : index
        %swap3A_627 = tpu.vector_load %arg8[%swap3A, %swap3A_626] {strides = array<i32>} : memref<125x64xf32, #tpu.memory_space<vmem>>, vector<16xf32>,
        tpu.vector_store %arg8[%swap3A, %swap3A_626], %div3A {strides = array<i32>} : memref<125x64xf32, #tpu.memory_space<vmem>>, vector<16xf32>,
        %get3A_628 = arith.index_cast %scan3A_619 : i32 to index
        %get3A_629 = arith.constant 16 : index
        %get3A_630 = tpu.vector_load %arg8[%get3A_628, %get3A_629] {strides = array<i32>} : memref<125x64xf32, #tpu.memory_space<vmem>>, vector<16xf32>,
        %div3A_631 = arith.divf %get3A_630, %max3A_623 : vector<16xf32>
        %swap3A_632 = arith.index_cast %scan3A_619 : i32 to index
        %swap3A_633 = arith.constant 16 : index
        %swap3A_634 = tpu.vector_load %arg8[%swap3A_632, %swap3A_633] {strides = array<i32>} : memref<125x64xf32, #tpu.memory_space<vmem>>, vector<16xf32>,
        tpu.vector_store %arg8[%swap3A_632, %swap3A_633], %div3A_631 {strides = array<i32>} : memref<125x64xf32, #tpu.memory_space<vmem>>, vector<16xf32>,
        %get3A_635 = arith.index_cast %scan3A_619 : i32 to index
        %get3A_636 = arith.constant 32 : index
        %get3A_637 = tpu.vector_load %arg8[%get3A_635, %get3A_636] {strides = array<i32>} : memref<125x64xf32, #tpu.memory_space<vmem>>, vector<16xf32>,
        %div3A_638 = arith.divf %get3A_637, %max3A_623 : vector<16xf32>
        %swap3A_639 = arith.index_cast %scan3A_619 : i32 to index
        %swap3A_640 = arith.constant 32 : index
        %swap3A_641 = tpu.vector_load %arg8[%swap3A_639, %swap3A_640] {strides = array<i32>} : memref<125x64xf32, #tpu.memory_space<vmem>>, vector<16xf32>,
        tpu.vector_store %arg8[%swap3A_639, %swap3A_640], %div3A_638 {strides = array<i32>} : memref<125x64xf32, #tpu.memory_space<vmem>>, vector<16xf32>,
        %get3A_642 = arith.index_cast %scan3A_619 : i32 to index
        %get3A_643 = arith.constant 48 : index
        %get3A_644 = tpu.vector_load %arg8[%get3A_642, %get3A_643] {strides = array<i32>} : memref<125x64xf32, #tpu.memory_space<vmem>>, vector<16xf32>,
        %div3A_645 = arith.divf %get3A_644, %max3A_623 : vector<16xf32>
        %swap3A_646 = arith.index_cast %scan3A_619 : i32 to index
        %swap3A_647 = arith.constant 48 : index
        %swap3A_648 = tpu.vector_load %arg8[%swap3A_646, %swap3A_647] {strides = array<i32>} : memref<125x64xf32, #tpu.memory_space<vmem>>, vector<16xf32>,
        tpu.vector_store %arg8[%swap3A_646, %swap3A_647], %div3A_645 {strides = array<i32>} : memref<125x64xf32, #tpu.memory_space<vmem>>, vector<16xf32>,
      }
      %scan3A_616 = arith.constant 80 : i32
      %mul3A_617 = arith.constant 64 : i32
      %mul3A_618 = arith.muli %arg0, %mul3A_617 : i32
      "tpu.region"() ({
        %run_scoped3A_619 = tpu.sem_alloc : memref<!tpu.dma_semaphore, #tpu.memory_space<semaphore_mem>>
        %dma_start3A_620 = arith.constant 0 : i32
        %dma_start3A_621 = arith.constant 0 : i32
        %dma_start3A_622 = tpu.memref_slice %arg8[%dma_start3A_620, %dma_start3A_621] : memref<125x64xf32, #tpu.memory_space<vmem>> -> memref<80x64xf32, #tpu.memory_space<vmem>>
        %dma_start3A_623 = tpu.memref_slice %arg7[%add3A_610, %mul3A_618] : memref<10000x128xf32, #tpu.memory_space<hbm>> -> memref<80x64xf32, #tpu.memory_space<hbm>>
        %dma_start3A_624 = tpu.memref_slice %arg7[%add3A_610, %mul3A_618] : memref<10000x128xf32, #tpu.memory_space<hbm>> -> memref<80x64xf32, #tpu.memory_space<hbm>>
        %dma_start3A_625 = arith.constant 0 : i32
        %dma_start3A_626 = arith.constant 0 : i32
        %dma_start3A_627 = tpu.memref_slice %arg8[%dma_start3A_625, %dma_start3A_626] : memref<125x64xf32, #tpu.memory_space<vmem>> -> memref<80x64xf32, #tpu.memory_space<vmem>>
        tpu.enqueue_dma source(%dma_start3A_627 : memref<80x64xf32, #tpu.memory_space<vmem>>) target(%dma_start3A_624 : memref<80x64xf32, #tpu.memory_space<hbm>>) target_semaphore(%run_scoped3A_619 : memref<!tpu.dma_semaphore, #tpu.memory_space<semaphore_mem>>)
        %dma_wait3A_628 = arith.constant 0 : i32
        %dma_wait3A_629 = arith.constant 0 : i32
        %dma_wait3A_630 = tpu.memref_slice %arg8[%dma_wait3A_628, %dma_wait3A_629] : memref<125x64xf32, #tpu.memory_space<vmem>> -> memref<80x64xf32, #tpu.memory_space<vmem>>
        %dma_wait3A_631 = tpu.memref_slice %arg7[%add3A_610, %mul3A_618] : memref<10000x128xf32, #tpu.memory_space<hbm>> -> memref<80x64xf32, #tpu.memory_space<hbm>>
        %dma_wait3A_632 = tpu.memref_slice %arg7[%add3A_610, %mul3A_618] : memref<10000x128xf32, #tpu.memory_space<hbm>> -> memref<80x64xf32, #tpu.memory_space<hbm>>
        %dma_wait3A_633 = arith.constant 0 : i32
        %dma_wait3A_634 = arith.constant 0 : i32
        %dma_wait3A_635 = tpu.memref_slice %arg8[%dma_wait3A_633, %dma_wait3A_634] : memref<125x64xf32, #tpu.memory_space<vmem>> -> memref<80x64xf32, #tpu.memory_space<vmem>>
        tpu.wait_dma2 semaphore(%run_scoped3A_619 : memref<!tpu.dma_semaphore, #tpu.memory_space<semaphore_mem>>) src(%dma_wait3A_635 : memref<80x64xf32, #tpu.memory_space<vmem>>) dst(%dma_wait3A_632 : memref<80x64xf32, #tpu.memory_space<hbm>>)
        tpu.yield
      }) : () -> ()
    } else {
    }
    return
  }
}

</mosaic_0001>

<sc_bundles>
// kernel: kernel.3.cloned.1.call-start
scs
__scs_entry_jumppad:
0x0: {  	(pc) =	sbr.rel $0x88, $3  }
0x1: {  	(tag) =	ssettag $0x0;
	lr =	simm.s32 $0x1  }
0x2: {  	[smem:$0x3F9F] =	sst lr;
	_ =	strace $0xD0000000  }
0x3: {  	_ = 	snop  }
0x4: {  	_ = 	snop  }
0x5: {  	_ = 	snop  }
0x6: {  	_ = 	snop  }
0x7: {  	_ = 	snop  }
__scs_overlays_trampoline_lowered:
0x8: {  	[smem:$0x3FAE] =	sst s0  }
0x9: {  	[smem:$0x3FAF] =	sst s1  }
0xa: {  	[smem:$0x3FB0] =	sst s2  }
0xb: {  	[smem:$0x3FB1] =	sst s3  }
0xc: {  	[smem:$0x3FB2] =	sst s4  }
0xd: {  	[smem:$0x3FB3] =	sst s5  }
0xe: {  	[smem:$0x3FB4] =	sst s6  }
0xf: {  	[smem:$0x3FB5] =	sst s7  }
0x10: {  	[smem:$0x3FB6] =	sst s8  }
0x11: {  	[smem:$0x3FB7] =	sst s9;
	s0 =	simm.s32 @!p0 $0x0  }
0x12: {  	s1 =	sld [smem:$0x3F9D];
	s0 =	simm.s32 @p0 $0x1  }
0x13: {  	[smem:$0x3FB8] =	sst s0;
	s0 =	simm.s32 @!p1 $0x0  }
0x14: {  	s2 =	sld [smem:$0x3F9C];
	s0 =	simm.s32 @p1 $0x1  }
0x15: {  	[smem:$0x3FB9] =	sst s0;
	s0 =	simm.s32 @!p2 $0x0  }
0x16: {  	s3 =	sld [smem:$0x3FDB];
	s0 =	simm.s32 @p2 $0x1  }
0x17: {  	s4 =	simm.s32 $0x1BF5;
	[smem:$0x3FBB] =	sst s0  }
0x18: {  	s0 =	sld [smem:$0x3F9E];
	_ =	swait.ge [sflag:s4], $0x0  }
0x19: {  	s7 =	sld [smem:$0x3F9F]  }
0x1a: {  	s8 =	sadd.s32 $0xFFFFE003, lr  }
0x1b: {  	s9 =	sadd.s32 $0xFFFFFEF7, lr;
	s5 =	simm.s32 $0xFFFFFFFF;
	p2 =	slt.u32 s8, $0xFFFFF086  }
0x1c: {  	p1 =	slt.u32 s9, $0xF7A;
	s5 =	simm.s32 @!p2 $0x0  }
0x1d: {  	s5 =	simm.s32 @p1 $0x1;
	p0 =	seq.s32 s7, s2  }
0x1e: {  	s7 =	smul.u32 @!p0 $0xF7A, s2;
	p2 =	seq.s32 @!p0 s5, $0x0  }
0x1f: {  	s9 =	smul.u32 $0xF7A, s1;
	s8 =	simm.s32 @!p0 $0x1BF5;
	p2 =	por !p2, p0  }
0x20: {  	[sflag:s8] =	ssyncset.s32 @!p0 $0xFFFFF086;
	s6 =	sadd.s32 @!p0 s3, s7;
	s7 =	simm.s32 @!p0 $0x108  }
0x21: {  	s3 =	sadd.s32 s3, s9;
	s6 =	sadd.s32 @!p0 $0x88, s6;
	s7 =	simm.s32 @p2 $0x1082  }
0x22: {  	[simem:s7], [sflag:s8] =	dma.local @!p0 [hbm:s6], $0xF7A  }
0x23: {  	s9 =	sor.u32 $0xD0000000, s2;
	s6 =	simm.s32 $0x108;
	_ =	swait.ge @!p0 [sflag:s8], $0x0  }
0x24: {  	s3 =	sadd.s32 $0x88, s3;
	s6 =	simm.s32 @!p1 $0x1082;
	[sflag:s4] =	ssyncset.s32 $0xFFFFF086  }
0x25: {  	[simem:s6], [sflag:s4] =	dma.local [hbm:s3], $0xF7A  }
0x26: {  	[smem:$0x3F9F] =	sst s1;
	(tag) =	ssettag s2;
	_ =	strace s9  }
0x27: {  	s1 =	sld [smem:$0x3FAF]  }
0x28: {  	s2 =	sld [smem:$0x3FB0]  }
0x29: {  	s4 =	sld [smem:$0x3FB2]  }
0x2a: {  	p0 =	seq.s32 s5, $0x0;
	s5 =	sld [smem:$0x3FB3]  }
0x2b: {  	s6 =	sld [smem:$0x3FB4]  }
0x2c: {  	s7 =	sld [smem:$0x3FB5]  }
0x2d: {  	s3 =	simm.s32 $0x108;
	s8 =	sld [smem:$0x3FB6]  }
0x2e: {  	s3 =	simm.s32 @!p0 $0x1082;
	s9 =	sld [smem:$0x3FB7]  }
0x2f: {  	lr =	sadd.s32 s0, s3;
	s0 =	sld [smem:$0x3FAE]  }
0x30: {  	s3 =	sld [smem:$0x3FB1]  }
0x31: {  	[smem:$0x3FBA] =	sst s10  }
0x32: {  	s10 =	sld [smem:$0x3FB8];
	_ =	sdelay $0x3  }
0x33: {  	p0 =	seq.s32 s10, $0x1;
	s10 =	sld [smem:$0x3FBA];
	_ =	sdelay $0x3  }
0x34: {  	[smem:$0x3FBA] =	sst s10  }
0x35: {  	s10 =	sld [smem:$0x3FB9];
	_ =	sdelay $0x3  }
0x36: {  	p1 =	seq.s32 s10, $0x1;
	s10 =	sld [smem:$0x3FBA];
	_ =	sdelay $0x3  }
0x37: {  	[smem:$0x3FBA] =	sst s10  }
0x38: {  	s10 =	sld [smem:$0x3FBB]  }
0x39: {  	_ = 	snop;
	(pc) =	sbr.ind lr, $3  }
0x3a: {  	_ = 	snop  }
0x3b: {  	_ = 	snop  }
0x3c: {  	p2 =	seq.s32 s10, $0x1;
	s10 =	sld [smem:$0x3FBA]  }
0x3d: {  	_ =	shalt  }
0x3e: {  	_ =	shalt  }
0x3f: {  	_ =	shalt  }
0x40: {  	_ =	shalt  }
0x41: {  	_ =	shalt  }
0x42: {  	_ =	shalt  }
0x43: {  	_ =	shalt  }
0x44: {  	_ =	shalt  }
0x45: {  	_ =	shalt  }
0x46: {  	_ =	shalt  }
0x47: {  	_ =	shalt  }
0x48: {  	_ =	shalt  }
0x49: {  	_ =	shalt  }
0x4a: {  	_ =	shalt  }
0x4b: {  	_ =	shalt  }
0x4c: {  	_ =	shalt  }
0x4d: {  	_ =	shalt  }
0x4e: {  	_ =	shalt  }
0x4f: {  	_ =	shalt  }
0x50: {  	_ =	shalt  }
0x51: {  	_ =	shalt  }
0x52: {  	_ =	shalt  }
0x53: {  	_ =	shalt  }
0x54: {  	_ =	shalt  }
0x55: {  	_ =	shalt  }
0x56: {  	_ =	shalt  }
0x57: {  	_ =	shalt  }
0x58: {  	_ =	shalt  }
0x59: {  	_ =	shalt  }
0x5a: {  	_ =	shalt  }
0x5b: {  	_ =	shalt  }
0x5c: {  	_ =	shalt  }
0x5d: {  	_ =	shalt  }
0x5e: {  	_ =	shalt  }
0x5f: {  	_ =	shalt  }
0x60: {  	_ =	shalt  }
0x61: {  	_ =	shalt  }
0x62: {  	_ =	shalt  }
0x63: {  	_ =	shalt  }
0x64: {  	_ =	shalt  }
0x65: {  	_ =	shalt  }
0x66: {  	_ =	shalt  }
0x67: {  	_ =	shalt  }
0x68: {  	_ =	shalt  }
0x69: {  	_ =	shalt  }
0x6a: {  	_ =	shalt  }
0x6b: {  	_ =	shalt  }
0x6c: {  	_ =	shalt  }
0x6d: {  	_ =	shalt  }
0x6e: {  	_ =	shalt  }
0x6f: {  	_ =	shalt  }
0x70: {  	_ =	shalt  }
0x71: {  	_ =	shalt  }
0x72: {  	_ =	shalt  }
0x73: {  	_ =	shalt  }
0x74: {  	_ =	shalt  }
0x75: {  	_ =	shalt  }
0x76: {  	_ =	shalt  }
0x77: {  	_ =	shalt  }
0x78: {  	_ =	shalt  }
0x79: {  	_ =	shalt  }
0x7a: {  	_ =	shalt  }
0x7b: {  	_ =	shalt  }
0x7c: {  	_ =	shalt  }
0x7d: {  	_ =	shalt  }
0x7e: {  	_ =	shalt  }
0x7f: {  	_ =	shalt  }
0x80: {  	_ =	shalt  }
0x81: {  	_ =	shalt  }
0x82: {  	_ =	shalt  }
0x83: {  	_ =	shalt  }
0x84: {  	_ =	shalt  }
0x85: {  	_ =	shalt  }
0x86: {  	_ =	shalt  }
0x87: {  	_ =	shalt  }
.Lfunc_end0:
.L_simem_size_0:
called_computation_lowered:
.L_overlay_start_0:
0x88: {  	s2 =	sld [smem:$0x3FD9]  }
0x89: {  	s3 =	sld [smem:$0x3FFE];
	_ =	sdelay $0x1  }
0x8a: {  	s1 =	srdreg.scid  }
0x8b: {  	s0 =	sand.u32 $0x1, s1  }
0x8c: {  	s17 =	sshll.u32 s0, $0xA;
	s2 =	sadd.s32 s3, s2  }
0x8d: {  	s2 =	sadd.s32 s2, s17  }
0x8e: {  	[smem:$0x3FC6] =	sst s2  }
0x8f: {  	_ = 	snop  }
0x90: {  	s2 =	sld [smem:$0x3FC9]  }
0x91: {  	s18 =	sld [smem:$0x3FD0];
	(tm) =	ssettm $0x1  }
0x92: {  	s4 =	sld [smem:$0x3FFB];
	_ =	sdelay $0x3  }
0x93: {  	_ =	strace s4  }
0x94: {  	s4 =	sld [smem:$0x3FFC];
	_ =	sdelay $0x3  }
0x95: {  	_ =	strace s4  }
0x96: {  	s4 =	sld [smem:$0x3FFD];
	_ =	sdelay $0x3  }
0x97: {  	_ =	strace s4  }
0x98: {  	_ =	strace $0x8FFFFFFF  }
0x99: {  	s19 =	sld [smem:$0x3FDB];
	_ =	sdelay $0x1  }
0x9a: {  	s5 =	simm.s32 $_scs_section_size  }
0x9b: {  	s6 =	simm.s32 $_size__tile_overlayer_lowered;
	s7 =	simm.s32 $_tile_overlayer_lowered  }
0x9c: {  	s22 =	simm.s32 $0x1BFF;
	s21 =	sshll.u32 s7, $0x1;
	s4 =	sadd.s32 s5, s19  }
0x9d: {  	s8 =	simm.s32 $0x0;
	s20 =	sshll.u32 s6, $0x1;
	s6 =	sadd.s32 s21, s4  }
0x9e: {  	[timem:s8], [sflag:s22] =	dma.local [hbm:s6], s20  }
0x9f: {  	_ =	swait.ge [sflag:s22], s20  }
0xa0: {  	s5 =	ssub.s32 $0x0, s20;
	[sflag:s22] =	ssyncset.done $0x0  }
0xa1: {  	[sflag:s22] =	ssyncadd.s32 s5;
	_ =	sdelay $0x1  }
0xa2: {  	s23 =	simm.s32 $0x1B8B  }
0xa3: {  	_ =	swait.ge [sflag:s23], $0x1  }
0xa4: {  	[sflag:s23] =	ssyncset.done $0x0  }
0xa5: {  	s25 =	simm.s32 $0x1B8E;
	s24 =	sld [smem:$0x3FFE];
	[sflag:s23] =	ssyncadd.s32 $0xFFFFFFFF  }
0xa6: {  	s26 =	simm.s32 $execute0_lowered;
	[smem:$0x3FD2] =	sst s25  }
0xa7: {  	s6 =	sshll.u32 s26, $0x1;
	_ =	strace $0x80000046;
	[dreg:$0x1] =	wrdreg $0xFFFFFFFF  }
0xa8: {  	s28 =	simm.s32 $_size_execute0_lowered;
	s4 =	sadd.s32 s4, s6;
	[dreg:$0x0] =	wrdreg $0x0  }
0xa9: {  	s6 =	sshll.u32 s28, $0x1;
	[dreg:$0x2] =	wrdreg s4  }
0xaa: {  	[dreg:$0x3] =	wrdreg s6  }
0xab: {  	[dreg:$0x4] =	wrdreg $0xC0  }
0xac: {  	_ =	task [dreg:s8], $0x5FFFF  }
0xad: {  	[dreg:$0x1] =	wrdreg $0xFFFFFFFF  }
0xae: {  	[dreg:$0x0] =	wrdreg $0x60  }
0xaf: {  	[dreg:$0x2] =	wrdreg s2  }
0xb0: {  	[dreg:$0x3] =	wrdreg s24  }
0xb1: {  	[dreg:$0x4] =	wrdreg s18  }
0xb2: {  	[dreg:$0x5] =	wrdreg $0x45E80  }
0xb3: {  	[dreg:$0x6] =	wrdreg $0xE5E80  }
0xb4: {  	[dreg:$0x7] =	wrdreg $0x9  }
0xb5: {  	_ =	task.clear_ibuf [dreg:s8], $0x8FFFF;
	_ =	strace $0x90000046  }
0xb6: {  	s29 =	simm.s32 $0x9;
	_ =	strace $0x80000048  }
0xb7: {  	_ =	swait.ge [sflag:s29], $0x1  }
0xb8: {  	[sflag:s29] =	ssyncadd.s32 $0xFFFFFFFF  }
0xb9: {  	_ =	strace $0x90000048  }
0xba: {  	_ =	sfence  }
0xbb: {  	s30 =	sld [smem:$0x0];
	_ =	sdelay $0x2  }
0xbc: {  	s31 =	sshll.u32 s1, $0xD;
	s1 =	sshrl.u32 s1, $0x2  }
0xbd: {  	s3 =	sand.u32 $0x4000, s31;
	s1 =	sadd.s32 s1, s30  }
0xbe: {  	s0 =	sor.u32 s3, s0;
	s1 =	sshll.u32 s1, $0x11  }
0xbf: {  	s0 =	sor.u32 s1, s0  }
0xc0: {  	s0 =	sadd.s32 $0x8F2B, s0  }
0xc1: {  	[sflag:s0] =	ssyncadd.remote.s32 $0x1  }
0xc2: {  	_ =	sfence.sel $0xFFFF  }
0xc3: {  	[dreg:$0x0] =	wrdreg $0xFFFFFFFF;
	(pc) =	sbr.abs _section_cstart, $3  }
0xc4: {  	[dreg:$0x1] =	wrdreg $0xFFFFFFFF  }
0xc5: {  	_ =	task.clear_ibuf [dreg:s8], $0x2FFFF;
	_ =	strace $0x9FFFFFFF  }
0xc6: {  	(tm) =	ssettm $0x7FFFFFFF  }
0xc7: {  	_ =	shalt  }
tec
execute0_lowered:
.L_overlay_start_1:
0x0: {  	(tag) =	ssettag $0x1  }
0x1: {  	s8 =	rddreg [dreg:$0x0];
	s20 =	stileid.u32  }
0x2: {  	s0 =	rddreg [dreg:$0x1];
	s4 =	smul.u32 $0x280, s20  }
0x3: {  	s1 =	srdreg.scid;
	s11 =	smul.u32 $0x5000, s20  }
0x4: {  	s12 =	rddreg [dreg:$0x2];
	s3 =	sand.u32 $0x1, s1;
	s14 =	smul.u32 $0x271000, s20  }
0x5: {  	s1 =	simm.s32 $0x0;
	s13 =	sadd.s32 $0x400, s0;
	s16 =	smul.u32 $0x14000, s20  }
0x6: {  	p0 =	seq.s32 s20, $0xF;
	s2 =	ssub.s32 $0x2, s3;
	[smem:$0x7FF] =	sst s1  }
0x7: {  	s15 =	sshll.u32 s3, $0x6;
	s5 =	sshrl.u32 s2, $0x1;
	s10 =	sor.u32 $0x50, s4  }
0x8: {  	s9 =	sadd.s32 $0xA0, s4;
	s6 =	sadd.s32 $0xF0, s4;
	s7 =	sadd.s32 $0x140, s4  }
0x9: {  	s3 =	sadd.s32 $0x1E0, s4;
	s14 =	sor.u32 s15, s14;
	s16 =	sor.u32 s15, s16  }
0xa: {  	s2 =	ssub.s32 s2, s5;
	s5 =	sadd.s32 $0x190, s4;
	s4 =	sadd.s32 $0x230, s4  }
0xb: {  	s17 =	sshrl.u32 s14, $0x3;
	s18 =	sshll.u32 s10, $0x7;
	s16 =	sshrl.u32 s16, $0x3  }
0xc: {  	s23 =	sshll.u32 s9, $0x7;
	s26 =	sshll.u32 s6, $0x7;
	s28 =	sshll.u32 s7, $0x7  }
0xd: {  	s17 =	sadd.s32 s8, s17;
	s22 =	sor.u32 s15, s18;
	s16 =	sadd.s32 s12, s16  }
0xe: {  	s25 =	sor.u32 s15, s23;
	s18 =	sor.u32 s15, s28;
	s19 =	sshll.u32 s5, $0x7  }
0xf: {  	s23 =	sshll.u32 s3, $0x7;
	s28 =	sshrl.u32 s11, $0x3;
	[dreg:$0x6] =	wrdreg s17  }
0x10: {  	s2 =	smax.u32 s2, $0x1;
	s17 =	sshrl.u32 s22, $0x3;
	[dreg:$0x7] =	wrdreg s16  }
0x11: {  	s16 =	sshrl.u32 s25, $0x3;
	s22 =	sor.u32 s15, s19;
	s25 =	sor.u32 s15, s23  }
0x12: {  	s23 =	sadd.s32 $0xBB80, s14;
	s24 =	sadd.s32 s12, s17;
	s16 =	sadd.s32 s12, s16  }
0x13: {  	s17 =	sor.u32 s15, s26;
	s26 =	smul.u32 $0xA00, s20;
	[dreg:$0x8] =	wrdreg s24  }
0x14: {  	[dreg:$0x9] =	wrdreg s16;
	s16 =	sshrl.u32 s17, $0x3;
	s17 =	sshrl.u32 s18, $0x3  }
0x15: {  	s24 =	sshll.u32 s4, $0x7;
	s16 =	sadd.s32 s12, s16;
	s21 =	sadd.s32 s12, s17  }
0x16: {  	s15 =	sor.u32 s15, s24;
	s17 =	sadd.s32 $0x26D180, s14;
	[dreg:$0xa] =	wrdreg s16  }
0x17: {  	s24 =	smul.u32 $0x28000, s20;
	s20 =	simm.s32 $0x4368;
	[dreg:$0xb] =	wrdreg s21  }
0x18: {  	s16 =	sshrl.u32 s22, $0x3;
	s15 =	sshrl.u32 s15, $0x3;
	s21 =	sadd.s32 s13, s28  }
0x19: {  	s19 =	sshrl.u32 s17, $0x3;
	s17 =	rddreg [dreg:$0x4];
	s16 =	sadd.s32 s12, s16  }
0x1a: {  	s22 =	sadd.s32 s8, s19;
	[dreg:$0xc] =	wrdreg s16;
	s16 =	sshrl.u32 s25, $0x3  }
0x1b: {  	s28 =	sadd.s32 $0xA800, s0;
	[dreg:$0x12] =	wrdreg s22;
	s16 =	sadd.s32 s12, s16  }
0x1c: {  	s25 =	sshrl.u32 s24, $0x2;
	s12 =	sadd.s32 s12, s15;
	[dreg:$0xd] =	wrdreg s16  }
0x1d: {  	s24 =	sshll.u32 s9, $0x6;
	s15 =	sadd.s32 $0x3E80, s14;
	[dreg:$0xe] =	wrdreg s12  }
0x1e: {  	s12 =	sadd.s32 s26, s13;
	s13 =	sshrl.u32 s15, $0x3;
	s16 =	sadd.s32 $0x7D00, s14  }
0x1f: {  	s14 =	sadd.s32 $0xFA00, s14;
	s26 =	sadd.s32 $0xA600, s0;
	s0 =	sadd.s32 $0xA400, s0  }
0x20: {  	s15 =	sshll.u32 s10, $0x6;
	s10 =	sshll.u32 s10, $0x3;
	s13 =	sadd.s32 s8, s13  }
0x21: {  	s18 =	sshrl.u32 s16, $0x3;
	s16 =	rddreg [dreg:$0x3];
	s14 =	sshrl.u32 s14, $0x3  }
0x22: {  	[dreg:$0x10] =	wrdreg s13;
	s13 =	sadd.s32 s8, s18;
	s19 =	sadd.s32 s14, s8  }
0x23: {  	s14 =	sshrl.u32 s11, $0x2;
	s22 =	sadd.s32 s15, s16;
	s11 =	sshll.u32 s3, $0x6  }
0x24: {  	s3 =	sshll.u32 s3, $0x3;
	[dreg:$0x11] =	wrdreg s13;
	s13 =	sshrl.u32 s23, $0x3  }
0x25: {  	s23 =	sadd.s32 s10, s17;
	_ =	strace $0x80000047;
	[dreg:$0x13] =	wrdreg s26  }
0x26: {  	s10 =	sshll.u32 s5, $0x6;
	s5 =	sshll.u32 s5, $0x3;
	[dreg:$0x14] =	wrdreg s28  }
0x27: {  	s3 =	sadd.s32 s3, s17;
	s18 =	sadd.s32 s13, s8;
	[dreg:$0x15] =	wrdreg s0  }
0x28: {  	s26 =	sadd.s32 s25, s16;
	s0 =	sadd.s32 s14, s17;
	[dreg:$0x17] =	wrdreg s22  }
0x29: {  	[dreg:$0x18] =	wrdreg s23;
	s25 =	sshll.u32 s9, $0x3;
	s28 =	sshll.u32 s6, $0x6  }
0x2a: {  	s8 =	sshll.u32 s6, $0x3;
	s9 =	sshll.u32 s7, $0x6;
	s7 =	sshll.u32 s7, $0x3  }
0x2b: {  	s6 =	sadd.s32 s10, s16;
	s5 =	sadd.s32 s5, s17;
	[dreg:$0x1d] =	wrdreg s3  }
0x2c: {  	s13 =	sadd.s32 s11, s16;
	s14 =	sshll.u32 s4, $0x6;
	[smem:$0x7FA] =	sst s2  }
0x2d: {  	s4 =	sshll.u32 s4, $0x3;
	[dreg:$0xf] =	wrdreg s21;
	s11 =	simm.s32 $0x1F40  }
0x2e: {  	s10 =	simm.s32 $0x7D;
	s2 =	simm.s32 $0x2;
	[dreg:$0x16] =	wrdreg s0  }
0x2f: {  	s3 =	simm.s32 $0x3;
	s0 =	sadd.s32 s24, s16;
	[dreg:$0x1a] =	wrdreg s6  }
0x30: {  	s29 =	sadd.s32 s25, s17;
	s30 =	sadd.s32 s28, s16;
	[dreg:$0x1b] =	wrdreg s5  }
0x31: {  	s31 =	sadd.s32 s8, s17;
	s15 =	sadd.s32 s9, s16;
	[dreg:$0x1c] =	wrdreg s13  }
0x32: {  	s22 =	sadd.s32 s14, s16;
	s23 =	sadd.s32 s4, s17;
	s6 =	sadd.s32 $0x30, s12  }
0x33: {  	s24 =	sadd.s32 $0x10, s21;
	s25 =	sadd.s32 $0x20, s21;
	s28 =	sadd.s32 $0x9F0, s21  }
0x34: {  	s14 =	simm.s32 $0x6;
	s21 =	simm.s32 $0x3F80;
	[dreg:$0x19] =	wrdreg s0  }
.Ltmp0:
0x35: {  	s5 =	simm.s32 $0x5;
	[dreg:$0x1e] =	wrdreg s22;
	(pc) =	sbr.rel .LBB2_1-.Ltmp0, $4  }
0x36: {  	s12 =	simm.s32 $0x80;
	s13 =	simm.s32 $0x3E80;
	[dreg:$0x1f] =	wrdreg s23  }
0x37: {  	s8 =	simm.s32 $0x3F00;
	s9 =	simm.s32 $0x1;
	[smem:$0x7FB] =	sst s24  }
0x38: {  	s4 =	simm.s32 $0x0;
	s0 =	sadd.s32 s7, s17;
	[smem:$0x7FC] =	sst s25  }
0x39: {  	[smem:$0x7FD] =	sst s28;
	s22 =	simm.s32 $0x4;
	s7 =	simm.s32 $0x40  }
.LBB2_20:
0x3a: {  	v5 =	vmov s25  }
0x3b: {  	v2 =	vmul.f32 v2, v1;
	[tilespmem:s23+$0xFFFFFFE0] =	vst v4  }
0x3c: {  	v0 =	vmul.f32 v0, v1;
	[tilespmem:s23+$0xFFFFFFF0] =	vst v3  }
0x3d: {  	[tilespmem:s23+$0x0] =	vst v2  }
0x3e: {  	[tilespmem:s23+$0x10] =	vst v0  }
0x3f: {  	v0 =	vld.idx.msk [tilespmem:v5+s20+$0x0], $0xffff;
	_ =	sdelay $0x4  }
0x40: {  	v0 =	vmax.f32 v0, $1.000000000e+00  }
0x41: {  	(erf) = vrcp.f32 v0;
	_ =	sdelay $0x3  }
0x42: {  	s25 =	sadd.s32 $0x40, s23  }
0x43: {  	v60 =	vld [tilespmem:s25+$0xFFFFFFE0]  }
0x44: {  	v61 =	vld [tilespmem:s25+$0xFFFFFFF0]  }
0x45: {  	v2 =	vld [tilespmem:s25+$0x0]  }
0x46: {  	v3 =	vld [tilespmem:s25+$0x10]  }
0x47: {  	v62 =	vpop (erf)  }
0x48: {  	v0 =	vmul.f32 v62, v60  }
0x49: {  	v1 =	vmul.f32 v61, v62  }
0x4a: {  	v2 =	vmul.f32 v2, v62;
	[tilespmem:s25+$0xFFFFFFE0] =	vst v0  }
0x4b: {  	v63 =	vmul.f32 v3, v62;
	[tilespmem:s25+$0xFFFFFFF0] =	vst v1  }
0x4c: {  	[tilespmem:s25+$0x0] =	vst v2  }
0x4d: {  	s28 =	rddreg [dreg:$0xe];
	[tilespmem:s25+$0x10] =	vst v63  }
0x4e: {  	[hbm4b:s28+s7] =	stream.strided.scatter [tilespmem:s1], [sflag:$0x6], $0x1400, s12, s7, $0x38;
	[tilespmem:$0xF9E8] =	vst v63  }
0x4f: {  	_ =	swait.ge [sflag:s14], $0x1400  }
0x50: {  	[sflag:s14] =	ssyncset.done $0x0  }
0x51: {  	[sflag:s14] =	ssyncadd.s32 $0xFFFFEC00  }
.LBB2_21:
0x52: {  	s23 =	sld [smem:$0x7FA];
	_ =	sdelay $0x1  }
0x53: {  	s4 =	sadd.s32 $0x1, s4  }
0x54: {  	p1 =	sne.s32 s4, s23  }
.Ltmp1:
0x55: {  	_ = 	snop;
	(pc) =	sbr.rel @!p1 .LBB2_22-.Ltmp1, $1  }
0x56: {  	_ =	sdelay $0x3  }
.LBB2_1:
0x57: {  	s23 =	rddreg [dreg:$0x14]  }
0x58: {  	[tilespmem:s1], [sflag:$0x6] =	stream.linear.gather [hbm4b:s23+s1], $0x1400, $0x38;
	[tilespmem:$0xF9E8] =	vst v63  }
0x59: {  	_ =	swait.ge [sflag:s14], $0x1400  }
0x5a: {  	[sflag:s14] =	ssyncset.done $0x0  }
0x5b: {  	s25 =	rddreg [dreg:$0x15];
	[sflag:s14] =	ssyncadd.s32 $0xFFFFEC00  }
0x5c: {  	[tilespmem:s20], [sflag:$0x6] =	stream.linear.gather [hbm4b:s25+s1], $0x280, $0x38;
	[tilespmem:$0xF9E8] =	vst v63  }
0x5d: {  	_ =	swait.ge [sflag:s14], $0x280  }
0x5e: {  	[sflag:s14] =	ssyncset.done $0x0  }
0x5f: {  	[sflag:s14] =	ssyncadd.s32 $0xFFFFFD80  }
0x60: {  	[spmem:s26] =	stream.linear.scatter [tilespmem:s1], [sflag:$0x4], $0x1400, $0x38;
	[tilespmem:$0xF9E8] =	vst v63  }
0x61: {  	s28 =	smov.u32 s26;
	s26 =	rddreg [dreg:$0x16]  }
0x62: {  	[spmem:s26] =	stream.linear.scatter [tilespmem:s20], [sflag:$0x5], $0x280, $0x38;
	[tilespmem:$0xF9E8] =	vst v63  }
0x63: {  	s24 =	rddreg [dreg:$0x17]  }
0x64: {  	[spmem:s24] =	stream.linear.scatter [tilespmem:s1], [sflag:$0x4], $0x1400, $0x38;
	[tilespmem:$0xF9E8] =	vst v63  }
0x65: {  	s25 =	rddreg [dreg:$0x18]  }
0x66: {  	[spmem:s25] =	stream.linear.scatter [tilespmem:s20], [sflag:$0x5], $0x280, $0x38;
	[tilespmem:$0xF9E8] =	vst v63  }
0x67: {  	s26 =	rddreg [dreg:$0x19]  }
0x68: {  	[spmem:s26] =	stream.linear.scatter [tilespmem:s1], [sflag:$0x4], $0x1400, $0x38;
	[tilespmem:$0xF9E8] =	vst v63  }
0x69: {  	_ = 	snop  }
0x6a: {  	[spmem:s29] =	stream.linear.scatter [tilespmem:s20], [sflag:$0x5], $0x280, $0x38;
	[tilespmem:$0xF9E8] =	vst v63  }
0x6b: {  	_ = 	snop  }
0x6c: {  	[spmem:s30] =	stream.linear.scatter [tilespmem:s1], [sflag:$0x4], $0x1400, $0x38;
	[tilespmem:$0xF9E8] =	vst v63  }
0x6d: {  	_ = 	snop  }
0x6e: {  	[spmem:s31] =	stream.linear.scatter [tilespmem:s20], [sflag:$0x5], $0x280, $0x38;
	[tilespmem:$0xF9E8] =	vst v63  }
0x6f: {  	_ = 	snop  }
0x70: {  	[spmem:s15] =	stream.linear.scatter [tilespmem:s1], [sflag:$0x4], $0x1400, $0x38;
	[tilespmem:$0xF9E8] =	vst v63  }
0x71: {  	_ = 	snop  }
0x72: {  	[spmem:s0] =	stream.linear.scatter [tilespmem:s20], [sflag:$0x5], $0x280, $0x38;
	[tilespmem:$0xF9E8] =	vst v63  }
0x73: {  	s24 =	rddreg [dreg:$0x1a]  }
0x74: {  	[spmem:s24] =	stream.linear.scatter [tilespmem:s1], [sflag:$0x4], $0x1400, $0x38;
	[tilespmem:$0xF9E8] =	vst v63  }
0x75: {  	s25 =	rddreg [dreg:$0x1b]  }
0x76: {  	[spmem:s25] =	stream.linear.scatter [tilespmem:s20], [sflag:$0x5], $0x280, $0x38;
	[tilespmem:$0xF9E8] =	vst v63  }
0x77: {  	s26 =	rddreg [dreg:$0x1c]  }
0x78: {  	[spmem:s26] =	stream.linear.scatter [tilespmem:s1], [sflag:$0x4], $0x1400, $0x38;
	[tilespmem:$0xF9E8] =	vst v63  }
0x79: {  	s24 =	rddreg [dreg:$0x1d]  }
0x7a: {  	[spmem:s24] =	stream.linear.scatter [tilespmem:s20], [sflag:$0x5], $0x280, $0x38;
	[tilespmem:$0xF9E8] =	vst v63  }
0x7b: {  	s25 =	rddreg [dreg:$0x1e]  }
0x7c: {  	[spmem:s25] =	stream.linear.scatter [tilespmem:s1], [sflag:$0x4], $0x1400, $0x38;
	[tilespmem:$0xF9E8] =	vst v63  }
0x7d: {  	s26 =	rddreg [dreg:$0x1f]  }
0x7e: {  	[spmem:s26] =	stream.linear.scatter [tilespmem:s20], [sflag:$0x5], $0x280, $0x38;
	[tilespmem:$0xF9E8] =	vst v63  }
0x7f: {  	s24 =	rddreg [dreg:$0x13]  }
0x80: {  	[tilespmem:s21], [sflag:$0x6] =	stream.linear.gather [hbm4b:s24+s1], $0x3E8, $0x38;
	[tilespmem:$0xF9E8] =	vst v63  }
0x81: {  	_ =	swait.ge [sflag:s14], $0x3E8  }
0x82: {  	[sflag:s14] =	ssyncset.done $0x0  }
0x83: {  	[sflag:s14] =	ssyncadd.s32 $0xFFFFFC18  }
0x84: {  	_ =	swait.ge [sflag:s22], $0x1400  }
0x85: {  	[sflag:s22] =	ssyncset.done $0x0  }
0x86: {  	[sflag:s22] =	ssyncadd.s32 $0xFFFFEC00  }
0x87: {  	_ =	swait.ge [sflag:s5], $0x280  }
0x88: {  	[sflag:s5] =	ssyncset.done $0x0  }
0x89: {  	[sflag:s5] =	ssyncadd.s32 $0xFFFFFD80  }
0x8a: {  	_ =	swait.ge [sflag:s22], $0x1400  }
0x8b: {  	[sflag:s22] =	ssyncset.done $0x0  }
0x8c: {  	[sflag:s22] =	ssyncadd.s32 $0xFFFFEC00  }
0x8d: {  	_ =	swait.ge [sflag:s5], $0x280  }
0x8e: {  	[sflag:s5] =	ssyncset.done $0x0  }
0x8f: {  	[sflag:s5] =	ssyncadd.s32 $0xFFFFFD80  }
0x90: {  	_ =	swait.ge [sflag:s22], $0x1400  }
0x91: {  	[sflag:s22] =	ssyncset.done $0x0  }
0x92: {  	[sflag:s22] =	ssyncadd.s32 $0xFFFFEC00  }
0x93: {  	_ =	swait.ge [sflag:s5], $0x280  }
0x94: {  	[sflag:s5] =	ssyncset.done $0x0  }
0x95: {  	[sflag:s5] =	ssyncadd.s32 $0xFFFFFD80  }
0x96: {  	_ =	swait.ge [sflag:s22], $0x1400  }
0x97: {  	[sflag:s22] =	ssyncset.done $0x0  }
0x98: {  	[sflag:s22] =	ssyncadd.s32 $0xFFFFEC00  }
0x99: {  	_ =	swait.ge [sflag:s5], $0x280  }
0x9a: {  	[sflag:s5] =	ssyncset.done $0x0  }
0x9b: {  	[sflag:s5] =	ssyncadd.s32 $0xFFFFFD80  }
0x9c: {  	_ =	swait.ge [sflag:s22], $0x1400  }
0x9d: {  	[sflag:s22] =	ssyncset.done $0x0  }
0x9e: {  	[sflag:s22] =	ssyncadd.s32 $0xFFFFEC00  }
0x9f: {  	_ =	swait.ge [sflag:s5], $0x280  }
0xa0: {  	[sflag:s5] =	ssyncset.done $0x0  }
0xa1: {  	[sflag:s5] =	ssyncadd.s32 $0xFFFFFD80  }
0xa2: {  	_ =	swait.ge [sflag:s22], $0x1400  }
0xa3: {  	[sflag:s22] =	ssyncset.done $0x0  }
0xa4: {  	[sflag:s22] =	ssyncadd.s32 $0xFFFFEC00  }
0xa5: {  	_ =	swait.ge [sflag:s5], $0x280  }
0xa6: {  	[sflag:s5] =	ssyncset.done $0x0  }
0xa7: {  	[sflag:s5] =	ssyncadd.s32 $0xFFFFFD80  }
0xa8: {  	_ =	swait.ge [sflag:s22], $0x1400  }
0xa9: {  	[sflag:s22] =	ssyncset.done $0x0  }
0xaa: {  	[sflag:s22] =	ssyncadd.s32 $0xFFFFEC00  }
0xab: {  	_ =	swait.ge [sflag:s5], $0x280  }
0xac: {  	[sflag:s5] =	ssyncset.done $0x0  }
0xad: {  	[sflag:s5] =	ssyncadd.s32 $0xFFFFFD80  }
0xae: {  	_ =	swait.ge [sflag:s22], $0x1400  }
0xaf: {  	[sflag:s22] =	ssyncset.done $0x0  }
0xb0: {  	[sflag:s22] =	ssyncadd.s32 $0xFFFFEC00  }
0xb1: {  	_ =	swait.ge [sflag:s5], $0x280  }
0xb2: {  	[sflag:s5] =	ssyncset.done $0x0  }
0xb3: {  	[sflag:s5] =	ssyncadd.s32 $0xFFFFFD80  }
0xb4: {  	[bflag:$0x0] =	sbarrier.arrive $0xFFFF  }
0xb5: {  	s25 =	rddreg [dreg:$0x6]  }
0xb6: {  	s26 =	rddreg [dreg:$0xf]  }
0xb7: {  	[tilespmem:s1], [sflag:$0x1] =	stream.strided.gather [hbm4b:s25+s7], $0x1F40, s12, s7, $0x38;
	[tilespmem:$0xF9E8] =	vst v63  }
0xb8: {  	s24 =	rddreg [dreg:$0x10]  }
0xb9: {  	[tilespmem:s13], [sflag:$0x1] =	stream.linear.gather [hbm4b:s26+s1], $0x80, $0x38;
	[tilespmem:$0xF9E8] =	vst v63  }
0xba: {  	s25 =	sld [smem:$0x7FB]  }
0xbb: {  	[tilespmem:s11], [sflag:$0x2] =	stream.strided.gather [hbm4b:s24+s7], $0x1F40, s12, s7, $0x38;
	[tilespmem:$0xF9E8] =	vst v63  }
0xbc: {  	_ = 	snop  }
0xbd: {  	[tilespmem:s8], [sflag:$0x2] =	stream.linear.gather [hbm4b:s25+s1], $0x80, $0x38;
	[tilespmem:$0xF9E8] =	vst v63  }
0xbe: {  	_ =	swait.ge [sflag:s9], $0x1F40  }
0xbf: {  	[sflag:s9] =	ssyncset.done $0x0  }
0xc0: {  	[sflag:s9] =	ssyncadd.s32 $0xFFFFE0C0  }
0xc1: {  	_ =	swait.ge [sflag:s9], $0x80  }
0xc2: {  	[sflag:s9] =	ssyncset.done $0x0  }
0xc3: {  	[sflag:s9] =	ssyncadd.s32 $0xFFFFFF80  }
0xc4: {  	[spmem:s16] =	stream.indirect.scatter.add.f32 [tilespmem:s1], [sflag:$0x6], $0x40, s13, s10, $0xb8;
	[tilespmem:$0xF9E8] =	vst v63  }
0xc5: {  	_ =	swait.ge [sflag:s14], $0x1F40  }
0xc6: {  	[sflag:s14] =	ssyncset.done $0x0  }
0xc7: {  	s26 =	rddreg [dreg:$0x11];
	[sflag:s14] =	ssyncadd.s32 $0xFFFFE0C0  }
0xc8: {  	[spmem:s17] =	stream.indirect.scatter.add.f32 [tilespmem:s21], [sflag:$0x3], $0x8, s13, s10, $0xb8;
	[tilespmem:$0xF9E8] =	vst v63  }
0xc9: {  	s24 =	sld [smem:$0x7FC]  }
0xca: {  	[tilespmem:s1], [sflag:$0x1] =	stream.strided.gather [hbm4b:s26+s7], $0x1F40, s12, s7, $0x38;
	[tilespmem:$0xF9E8] =	vst v63  }
0xcb: {  	_ = 	snop  }
0xcc: {  	[tilespmem:s13], [sflag:$0x1] =	stream.linear.gather [hbm4b:s24+s1], $0x80, $0x38;
	[tilespmem:$0xF9E8] =	vst v63  }
0xcd: {  	_ =	swait.ge [sflag:s2], $0x1F40  }
0xce: {  	[sflag:s2] =	ssyncset.done $0x0  }
0xcf: {  	[sflag:s2] =	ssyncadd.s32 $0xFFFFE0C0  }
0xd0: {  	_ =	swait.ge [sflag:s2], $0x80  }
0xd1: {  	[sflag:s2] =	ssyncset.done $0x0  }
0xd2: {  	[sflag:s2] =	ssyncadd.s32 $0xFFFFFF80  }
0xd3: {  	[spmem:s16] =	stream.indirect.scatter.add.f32 [tilespmem:s11], [sflag:$0x6], $0x40, s8, s10, $0xb8;
	[tilespmem:$0xF9E8] =	vst v63  }
0xd4: {  	_ =	swait.ge [sflag:s14], $0x1F40  }
0xd5: {  	[sflag:s14] =	ssyncset.done $0x0  }
0xd6: {  	[sflag:s14] =	ssyncadd.s32 $0xFFFFE0C0  }
0xd7: {  	_ =	swait.ge [sflag:s3], $0x3E8  }
0xd8: {  	[sflag:s3] =	ssyncset.done $0x0  }
0xd9: {  	[sflag:s3] =	ssyncadd.s32 $0xFFFFFC18  }
0xda: {  	[spmem:s17] =	stream.indirect.scatter.add.f32 [tilespmem:s21], [sflag:$0x3], $0x8, s8, s10, $0xb8;
	[tilespmem:$0xF9E8] =	vst v63  }
0xdb: {  	s25 =	sadd.s32 $0x0, s18  }
0xdc: {  	[tilespmem:s11], [sflag:$0x2] =	stream.strided.gather [hbm4b:s25+s7], $0x1F40, s12, s7, $0x38;
	[tilespmem:$0xF9E8] =	vst v63  }
0xdd: {  	_ = 	snop  }
0xde: {  	[tilespmem:s8], [sflag:$0x2] =	stream.linear.gather [hbm4b:s6+s1], $0x80, $0x38;
	[tilespmem:$0xF9E8] =	vst v63  }
0xdf: {  	_ =	swait.ge [sflag:s9], $0x1F40  }
0xe0: {  	[sflag:s9] =	ssyncset.done $0x0  }
0xe1: {  	[sflag:s9] =	ssyncadd.s32 $0xFFFFE0C0  }
0xe2: {  	_ =	swait.ge [sflag:s9], $0x80  }
0xe3: {  	[sflag:s9] =	ssyncset.done $0x0  }
0xe4: {  	[sflag:s9] =	ssyncadd.s32 $0xFFFFFF80  }
0xe5: {  	[spmem:s16] =	stream.indirect.scatter.add.f32 [tilespmem:s1], [sflag:$0x6], $0x40, s13, s10, $0xb8;
	[tilespmem:$0xF9E8] =	vst v63  }
0xe6: {  	_ =	swait.ge [sflag:s14], $0x1F40  }
0xe7: {  	[sflag:s14] =	ssyncset.done $0x0  }
0xe8: {  	[sflag:s14] =	ssyncadd.s32 $0xFFFFE0C0  }
0xe9: {  	_ =	swait.ge [sflag:s3], $0x3E8  }
0xea: {  	[sflag:s3] =	ssyncset.done $0x0  }
0xeb: {  	s23 =	simm.s32 $0xFA0;
	[sflag:s3] =	ssyncadd.s32 $0xFFFFFC18  }
0xec: {  	[spmem:s17] =	stream.indirect.scatter.add.f32 [tilespmem:s21], [sflag:$0x3], $0x8, s13, s10, $0xb8;
	[tilespmem:$0xF9E8] =	vst v63  }
0xed: {  	s26 =	sadd.s32 $0x0, s19;
	s24 =	sadd.s32 $0x20, s6;
	s25 =	sadd.s32 $0x10, s6  }
0xee: {  	[tilespmem:s1], [sflag:$0x1] =	stream.strided.gather [hbm4b:s26+s7], $0x1F40, s12, s7, $0x38;
	[tilespmem:$0xF9E8] =	vst v63  }
.LBB2_2:
0xef: {  	[tilespmem:s13], [sflag:$0x1] =	stream.linear.gather [hbm4b:s25+s1], $0x80, $0x38;
	[tilespmem:$0xF9E8] =	vst v63  }
0xf0: {  	s25 =	smov.u32 s23  }
0xf1: {  	p1 =	sne.s32 s23, $0x4B320;
	s23 =	sadd.s32 $0xFA0, s23;
	_ =	swait.ge [sflag:s2], $0x1F40  }
0xf2: {  	[sflag:s2] =	ssyncset.done $0x0  }
0xf3: {  	[sflag:s2] =	ssyncadd.s32 $0xFFFFE0C0  }
0xf4: {  	_ =	swait.ge [sflag:s2], $0x80  }
0xf5: {  	[sflag:s2] =	ssyncset.done $0x0  }
0xf6: {  	[sflag:s2] =	ssyncadd.s32 $0xFFFFFF80  }
0xf7: {  	[spmem:s16] =	stream.indirect.scatter.add.f32 [tilespmem:s11], [sflag:$0x6], $0x40, s8, s10, $0xb8;
	[tilespmem:$0xF9E8] =	vst v63  }
0xf8: {  	_ =	swait.ge [sflag:s14], $0x1F40  }
0xf9: {  	[sflag:s14] =	ssyncset.done $0x0  }
0xfa: {  	[sflag:s14] =	ssyncadd.s32 $0xFFFFE0C0  }
0xfb: {  	_ =	swait.ge [sflag:s3], $0x3E8  }
0xfc: {  	[sflag:s3] =	ssyncset.done $0x0  }
0xfd: {  	[sflag:s3] =	ssyncadd.s32 $0xFFFFFC18  }
0xfe: {  	[spmem:s17] =	stream.indirect.scatter.add.f32 [tilespmem:s21], [sflag:$0x3], $0x8, s8, s10, $0xb8;
	[tilespmem:$0xF9E8] =	vst v63  }
0xff: {  	s26 =	sadd.s32 s25, s18  }
0x100: {  	[tilespmem:s11], [sflag:$0x2] =	stream.strided.gather [hbm4b:s26+s7], $0x1F40, s12, s7, $0x38;
	[tilespmem:$0xF9E8] =	vst v63  }
0x101: {  	_ = 	snop  }
0x102: {  	[tilespmem:s8], [sflag:$0x2] =	stream.linear.gather [hbm4b:s24+s1], $0x80, $0x38;
	[tilespmem:$0xF9E8] =	vst v63  }
0x103: {  	_ =	swait.ge [sflag:s9], $0x1F40  }
0x104: {  	[sflag:s9] =	ssyncset.done $0x0  }
0x105: {  	[sflag:s9] =	ssyncadd.s32 $0xFFFFE0C0  }
0x106: {  	_ =	swait.ge [sflag:s9], $0x80  }
0x107: {  	[sflag:s9] =	ssyncset.done $0x0  }
0x108: {  	[sflag:s9] =	ssyncadd.s32 $0xFFFFFF80  }
0x109: {  	[spmem:s16] =	stream.indirect.scatter.add.f32 [tilespmem:s1], [sflag:$0x6], $0x40, s13, s10, $0xb8;
	[tilespmem:$0xF9E8] =	vst v63  }
0x10a: {  	_ =	swait.ge [sflag:s14], $0x1F40  }
0x10b: {  	[sflag:s14] =	ssyncset.done $0x0  }
0x10c: {  	[sflag:s14] =	ssyncadd.s32 $0xFFFFE0C0  }
0x10d: {  	_ =	swait.ge [sflag:s3], $0x3E8  }
0x10e: {  	[sflag:s3] =	ssyncset.done $0x0  }
.Ltmp2:
0x10f: {  	[sflag:s3] =	ssyncadd.s32 $0xFFFFFC18;
	(pc) =	sbr.rel @p1 .LBB2_2-.Ltmp2, $4  }
0x110: {  	[spmem:s17] =	stream.indirect.scatter.add.f32 [tilespmem:s21], [sflag:$0x3], $0x8, s13, s10, $0xb8;
	[tilespmem:$0xF9E8] =	vst v63  }
0x111: {  	s25 =	sadd.s32 s25, s19  }
0x112: {  	[tilespmem:s1], [sflag:$0x1] =	stream.strided.gather [hbm4b:s25+s7], $0x1F40, s12, s7, $0x38;
	[tilespmem:$0xF9E8] =	vst v63  }
0x113: {  	s25 =	sadd.s32 $0x10, s24;
	s24 =	sadd.s32 $0x20, s24  }
0x114: {  	[tilespmem:s13], [sflag:$0x1] =	stream.linear.gather [hbm4b:s25+s1], $0x80, $0x38;
	[tilespmem:$0xF9E8] =	vst v63  }
0x115: {  	_ =	swait.ge [sflag:s2], $0x1F40  }
0x116: {  	[sflag:s2] =	ssyncset.done $0x0  }
0x117: {  	[sflag:s2] =	ssyncadd.s32 $0xFFFFE0C0  }
0x118: {  	_ =	swait.ge [sflag:s2], $0x80  }
0x119: {  	[sflag:s2] =	ssyncset.done $0x0  }
0x11a: {  	[sflag:s2] =	ssyncadd.s32 $0xFFFFFF80  }
0x11b: {  	[spmem:s16] =	stream.indirect.scatter.add.f32 [tilespmem:s11], [sflag:$0x6], $0x40, s8, s10, $0xb8;
	[tilespmem:$0xF9E8] =	vst v63  }
0x11c: {  	_ =	swait.ge [sflag:s14], $0x1F40  }
0x11d: {  	[sflag:s14] =	ssyncset.done $0x0  }
0x11e: {  	[sflag:s14] =	ssyncadd.s32 $0xFFFFE0C0  }
0x11f: {  	_ =	swait.ge [sflag:s3], $0x3E8  }
0x120: {  	[sflag:s3] =	ssyncset.done $0x0  }
0x121: {  	s23 =	rddreg [dreg:$0x12];
	[sflag:s3] =	ssyncadd.s32 $0xFFFFFC18  }
0x122: {  	[spmem:s17] =	stream.indirect.scatter.add.f32 [tilespmem:s21], [sflag:$0x3], $0x8, s8, s10, $0xb8;
	[tilespmem:$0xF9E8] =	vst v63  }
0x123: {  	s24 =	sld [smem:$0x7FD]  }
0x124: {  	[tilespmem:s11], [sflag:$0x2] =	stream.strided.gather [hbm4b:s23+s7], $0x1F40, s12, s7, $0x38;
	[tilespmem:$0xF9E8] =	vst v63  }
0x125: {  	s25 =	simm.s32 $0x0  }
0x126: {  	[tilespmem:s8], [sflag:$0x2] =	stream.linear.gather [hbm4b:s24+s25], $0x80, $0x38;
	[tilespmem:$0xF9E8] =	vst v63  }
0x127: {  	_ =	swait.ge [sflag:s9], $0x1F40  }
0x128: {  	[sflag:s9] =	ssyncset.done $0x0  }
0x129: {  	[sflag:s9] =	ssyncadd.s32 $0xFFFFE0C0  }
0x12a: {  	_ =	swait.ge [sflag:s9], $0x80  }
0x12b: {  	[sflag:s9] =	ssyncset.done $0x0  }
0x12c: {  	[sflag:s9] =	ssyncadd.s32 $0xFFFFFF80  }
0x12d: {  	[spmem:s16] =	stream.indirect.scatter.add.f32 [tilespmem:s25], [sflag:$0x6], $0x40, s13, s10, $0xb8;
	[tilespmem:$0xF9E8] =	vst v63  }
0x12e: {  	_ =	swait.ge [sflag:s14], $0x1F40  }
0x12f: {  	[sflag:s14] =	ssyncset.done $0x0  }
0x130: {  	[sflag:s14] =	ssyncadd.s32 $0xFFFFE0C0  }
0x131: {  	_ =	swait.ge [sflag:s3], $0x3E8  }
0x132: {  	[sflag:s3] =	ssyncset.done $0x0  }
0x133: {  	[sflag:s3] =	ssyncadd.s32 $0xFFFFFC18  }
0x134: {  	[spmem:s17] =	stream.indirect.scatter.add.f32 [tilespmem:s21], [sflag:$0x3], $0x8, s13, s10, $0xb8;
	[tilespmem:$0xF9E8] =	vst v63  }
0x135: {  	_ =	swait.ge [sflag:s2], $0x1F40  }
0x136: {  	[sflag:s2] =	ssyncset.done $0x0  }
0x137: {  	[sflag:s2] =	ssyncadd.s32 $0xFFFFE0C0  }
0x138: {  	_ =	swait.ge [sflag:s2], $0x80  }
0x139: {  	[sflag:s2] =	ssyncset.done $0x0  }
0x13a: {  	[sflag:s2] =	ssyncadd.s32 $0xFFFFFF80  }
0x13b: {  	[spmem:s16] =	stream.indirect.scatter.add.f32 [tilespmem:s11], [sflag:$0x6], $0x40, s8, s10, $0xb8;
	[tilespmem:$0xF9E8] =	vst v63  }
0x13c: {  	_ =	swait.ge [sflag:s14], $0x1F40  }
0x13d: {  	[sflag:s14] =	ssyncset.done $0x0  }
0x13e: {  	[sflag:s14] =	ssyncadd.s32 $0xFFFFE0C0  }
0x13f: {  	_ =	swait.ge [sflag:s3], $0x3E8  }
0x140: {  	[sflag:s3] =	ssyncset.done $0x0  }
0x141: {  	[sflag:s3] =	ssyncadd.s32 $0xFFFFFC18  }
0x142: {  	[spmem:s17] =	stream.indirect.scatter.add.f32 [tilespmem:s21], [sflag:$0x3], $0x8, s8, s10, $0xb8;
	[tilespmem:$0xF9E8] =	vst v63  }
0x143: {  	_ =	swait.ge [sflag:s3], $0x3E8  }
0x144: {  	[sflag:s3] =	ssyncset.done $0x0  }
0x145: {  	[sflag:s3] =	ssyncadd.s32 $0xFFFFFC18  }
0x146: {  	[bflag:$0x0] =	sbarrier.arrive $0xFFFF  }
0x147: {  	[tilespmem:s25], [sflag:$0x6] =	stream.linear.gather [spmem:s28], $0x1400, $0x38;
	[tilespmem:$0xF9E8] =	vst v63  }
0x148: {  	_ =	swait.ge [sflag:s14], $0x1400  }
0x149: {  	s25 =	simm.s32 $0x0;
	[sflag:s14] =	ssyncset.done $0x0  }
0x14a: {  	s26 =	smov.u32 s28;
	v0 =	vmov s25;
	s28 =	rddreg [dreg:$0x16];
	[sflag:s14] =	ssyncadd.s32 $0xFFFFEC00  }
0x14b: {  	[tilespmem:s20], [sflag:$0x6] =	stream.linear.gather [spmem:s28], $0x280, $0x38;
	[tilespmem:$0xF9E8] =	vst v63  }
0x14c: {  	_ =	swait.ge [sflag:s14], $0x280  }
0x14d: {  	[sflag:s14] =	ssyncset.done $0x0  }
0x14e: {  	[sflag:s14] =	ssyncadd.s32 $0xFFFFFD80  }
0x14f: {  	v0 =	vld.idx.msk [tilespmem:v0+s20+$0x0], $0xffff;
	_ =	sdelay $0x4  }
0x150: {  	v0 =	vmax.f32 v0, $1.000000000e+00  }
0x151: {  	(erf) = vrcp.f32 v0;
	_ =	sdelay $0x1  }
0x152: {  	s23 =	simm.s32 $0x20  }
0x153: {  	v3 =	vld [tilespmem:s23+$0xFFFFFFF0]  }
0x154: {  	v4 =	vld [tilespmem:s23+$0xFFFFFFE0]  }
0x155: {  	v2 =	vld [tilespmem:s23+$0x0]  }
0x156: {  	v0 =	vld [tilespmem:s23+$0x10];
	_ =	sdelay $0x2  }
0x157: {  	v1 =	vpop (erf)  }
0x158: {  	s24 =	simm.s32 $0x2;
	s25 =	simm.s32 $0x8;
	v4 =	vmul.f32 v1, v4;
	v3 =	vmul.f32 v3, v1  }
.LBB2_4:
0x159: {  	p1 =	sne.s32 s24, $0x4F;
	v5 =	vmov s25;
	v2 =	vmul.f32 v2, v1;
	v0 =	vmul.f32 v0, v1  }
0x15a: {  	[tilespmem:s23+$0xFFFFFFE0] =	vst v4  }
0x15b: {  	[tilespmem:s23+$0xFFFFFFF0] =	vst v3  }
0x15c: {  	[tilespmem:s23+$0x0] =	vst v2  }
0x15d: {  	[tilespmem:s23+$0x10] =	vst v0  }
0x15e: {  	v0 =	vld.idx.msk [tilespmem:v5+s20+$0x0], $0xffff;
	_ =	sdelay $0x5  }
0x15f: {  	v0 =	vmax.f32 v0, $1.000000000e+00  }
0x160: {  	(erf) = vrcp.f32 v0;
	_ =	sdelay $0x1  }
0x161: {  	s23 =	sadd.s32 $0x40, s23  }
0x162: {  	v3 =	vld [tilespmem:s23+$0xFFFFFFF0]  }
0x163: {  	v0 =	vld [tilespmem:s23+$0x10]  }
0x164: {  	v4 =	vld [tilespmem:s23+$0xFFFFFFE0]  }
.Ltmp3:
0x165: {  	v2 =	vld [tilespmem:s23+$0x0];
	(pc) =	sbr.rel @p1 .LBB2_4-.Ltmp3, $3  }
0x166: {  	_ =	sdelay $0x1  }
0x167: {  	v1 =	vpop (erf)  }
0x168: {  	s25 =	sshll.u32 s24, $0x3;
	s24 =	sadd.s32 $0x1, s24;
	v4 =	vmul.f32 v1, v4;
	v3 =	vmul.f32 v3, v1  }
0x169: {  	v5 =	vmov s25  }
0x16a: {  	v2 =	vmul.f32 v2, v1;
	[tilespmem:s23+$0xFFFFFFE0] =	vst v4  }
0x16b: {  	v0 =	vmul.f32 v0, v1;
	[tilespmem:s23+$0xFFFFFFF0] =	vst v3  }
0x16c: {  	[tilespmem:s23+$0x0] =	vst v2  }
0x16d: {  	[tilespmem:s23+$0x10] =	vst v0  }
0x16e: {  	v0 =	vld.idx.msk [tilespmem:v5+s20+$0x0], $0xffff;
	_ =	sdelay $0x4  }
0x16f: {  	v0 =	vmax.f32 v0, $1.000000000e+00  }
0x170: {  	(erf) = vrcp.f32 v0;
	_ =	sdelay $0x3  }
0x171: {  	s24 =	sadd.s32 $0x40, s23  }
0x172: {  	v0 =	vld [tilespmem:s24+$0xFFFFFFE0]  }
0x173: {  	v1 =	vld [tilespmem:s24+$0xFFFFFFF0]  }
0x174: {  	v2 =	vld [tilespmem:s24+$0x0]  }
0x175: {  	v3 =	vld [tilespmem:s24+$0x10]  }
0x176: {  	v4 =	vpop (erf)  }
0x177: {  	v0 =	vmul.f32 v4, v0  }
0x178: {  	v1 =	vmul.f32 v1, v4  }
0x179: {  	v2 =	vmul.f32 v2, v4;
	[tilespmem:s24+$0xFFFFFFE0] =	vst v0  }
0x17a: {  	v0 =	vmul.f32 v3, v4;
	[tilespmem:s24+$0xFFFFFFF0] =	vst v1  }
0x17b: {  	[tilespmem:s24+$0x0] =	vst v2  }
0x17c: {  	s25 =	simm.s32 $0x0;
	[tilespmem:s24+$0x10] =	vst v0;
	s24 =	rddreg [dreg:$0x7]  }
0x17d: {  	[hbm4b:s24+s7] =	stream.strided.scatter [tilespmem:s25], [sflag:$0x6], $0x1400, s12, s7, $0x38;
	[tilespmem:$0xF9E8] =	vst v63  }
0x17e: {  	_ =	swait.ge [sflag:s14], $0x1400  }
0x17f: {  	[sflag:s14] =	ssyncset.done $0x0  }
0x180: {  	s28 =	rddreg [dreg:$0x17];
	[sflag:s14] =	ssyncadd.s32 $0xFFFFEC00  }
0x181: {  	[tilespmem:s25], [sflag:$0x6] =	stream.linear.gather [spmem:s28], $0x1400, $0x38;
	[tilespmem:$0xF9E8] =	vst v63  }
0x182: {  	_ =	swait.ge [sflag:s14], $0x1400  }
0x183: {  	s25 =	simm.s32 $0x0;
	[sflag:s14] =	ssyncset.done $0x0  }
0x184: {  	v0 =	vmov s25;
	s28 =	rddreg [dreg:$0x18];
	[sflag:s14] =	ssyncadd.s32 $0xFFFFEC00  }
0x185: {  	[tilespmem:s20], [sflag:$0x6] =	stream.linear.gather [spmem:s28], $0x280, $0x38;
	[tilespmem:$0xF9E8] =	vst v63  }
0x186: {  	_ =	swait.ge [sflag:s14], $0x280  }
0x187: {  	[sflag:s14] =	ssyncset.done $0x0  }
0x188: {  	[sflag:s14] =	ssyncadd.s32 $0xFFFFFD80  }
0x189: {  	v0 =	vld.idx.msk [tilespmem:v0+s20+$0x0], $0xffff;
	_ =	sdelay $0x4  }
0x18a: {  	v0 =	vmax.f32 v0, $1.000000000e+00  }
0x18b: {  	(erf) = vrcp.f32 v0;
	_ =	sdelay $0x1  }
0x18c: {  	s23 =	simm.s32 $0x20  }
0x18d: {  	v3 =	vld [tilespmem:s23+$0xFFFFFFF0]  }
0x18e: {  	v4 =	vld [tilespmem:s23+$0xFFFFFFE0]  }
0x18f: {  	v2 =	vld [tilespmem:s23+$0x0]  }
0x190: {  	v0 =	vld [tilespmem:s23+$0x10];
	_ =	sdelay $0x2  }
0x191: {  	v1 =	vpop (erf)  }
0x192: {  	s24 =	simm.s32 $0x2;
	s25 =	simm.s32 $0x8;
	v4 =	vmul.f32 v1, v4;
	v3 =	vmul.f32 v3, v1  }
.LBB2_6:
0x193: {  	p1 =	sne.s32 s24, $0x4F;
	v5 =	vmov s25;
	v2 =	vmul.f32 v2, v1;
	v0 =	vmul.f32 v0, v1  }
0x194: {  	[tilespmem:s23+$0xFFFFFFE0] =	vst v4  }
0x195: {  	[tilespmem:s23+$0xFFFFFFF0] =	vst v3  }
0x196: {  	[tilespmem:s23+$0x0] =	vst v2  }
0x197: {  	[tilespmem:s23+$0x10] =	vst v0  }
0x198: {  	v0 =	vld.idx.msk [tilespmem:v5+s20+$0x0], $0xffff;
	_ =	sdelay $0x5  }
0x199: {  	v0 =	vmax.f32 v0, $1.000000000e+00  }
0x19a: {  	(erf) = vrcp.f32 v0;
	_ =	sdelay $0x1  }
0x19b: {  	s23 =	sadd.s32 $0x40, s23  }
0x19c: {  	v3 =	vld [tilespmem:s23+$0xFFFFFFF0]  }
0x19d: {  	v0 =	vld [tilespmem:s23+$0x10]  }
0x19e: {  	v4 =	vld [tilespmem:s23+$0xFFFFFFE0]  }
.Ltmp4:
0x19f: {  	v2 =	vld [tilespmem:s23+$0x0];
	(pc) =	sbr.rel @p1 .LBB2_6-.Ltmp4, $3  }
0x1a0: {  	_ =	sdelay $0x1  }
0x1a1: {  	v1 =	vpop (erf)  }
0x1a2: {  	s25 =	sshll.u32 s24, $0x3;
	s24 =	sadd.s32 $0x1, s24;
	v4 =	vmul.f32 v1, v4;
	v3 =	vmul.f32 v3, v1  }
0x1a3: {  	v5 =	vmov s25  }
0x1a4: {  	v2 =	vmul.f32 v2, v1;
	[tilespmem:s23+$0xFFFFFFE0] =	vst v4  }
0x1a5: {  	v0 =	vmul.f32 v0, v1;
	[tilespmem:s23+$0xFFFFFFF0] =	vst v3  }
0x1a6: {  	[tilespmem:s23+$0x0] =	vst v2  }
0x1a7: {  	[tilespmem:s23+$0x10] =	vst v0  }
0x1a8: {  	v0 =	vld.idx.msk [tilespmem:v5+s20+$0x0], $0xffff;
	_ =	sdelay $0x4  }
0x1a9: {  	v0 =	vmax.f32 v0, $1.000000000e+00  }
0x1aa: {  	(erf) = vrcp.f32 v0;
	_ =	sdelay $0x3  }
0x1ab: {  	s25 =	sadd.s32 $0x40, s23  }
0x1ac: {  	v0 =	vld [tilespmem:s25+$0xFFFFFFE0]  }
0x1ad: {  	v1 =	vld [tilespmem:s25+$0xFFFFFFF0]  }
0x1ae: {  	v2 =	vld [tilespmem:s25+$0x0]  }
0x1af: {  	v3 =	vld [tilespmem:s25+$0x10]  }
0x1b0: {  	v4 =	vpop (erf)  }
0x1b1: {  	v0 =	vmul.f32 v4, v0  }
0x1b2: {  	v1 =	vmul.f32 v1, v4  }
0x1b3: {  	v2 =	vmul.f32 v2, v4;
	[tilespmem:s25+$0xFFFFFFE0] =	vst v0  }
0x1b4: {  	v0 =	vmul.f32 v3, v4;
	[tilespmem:s25+$0xFFFFFFF0] =	vst v1  }
0x1b5: {  	[tilespmem:s25+$0x0] =	vst v2  }
0x1b6: {  	s28 =	simm.s32 $0x0;
	s24 =	rddreg [dreg:$0x8];
	[tilespmem:s25+$0x10] =	vst v0  }
0x1b7: {  	[hbm4b:s24+s7] =	stream.strided.scatter [tilespmem:s28], [sflag:$0x6], $0x1400, s12, s7, $0x38;
	[tilespmem:$0xF9E8] =	vst v63  }
0x1b8: {  	_ =	swait.ge [sflag:s14], $0x1400  }
0x1b9: {  	[sflag:s14] =	ssyncset.done $0x0  }
0x1ba: {  	s25 =	rddreg [dreg:$0x19];
	[sflag:s14] =	ssyncadd.s32 $0xFFFFEC00  }
0x1bb: {  	[tilespmem:s28], [sflag:$0x6] =	stream.linear.gather [spmem:s25], $0x1400, $0x38;
	[tilespmem:$0xF9E8] =	vst v63  }
0x1bc: {  	_ =	swait.ge [sflag:s14], $0x1400  }
0x1bd: {  	s28 =	simm.s32 $0x0;
	[sflag:s14] =	ssyncset.done $0x0  }
0x1be: {  	v0 =	vmov s28;
	[sflag:s14] =	ssyncadd.s32 $0xFFFFEC00  }
0x1bf: {  	[tilespmem:s20], [sflag:$0x6] =	stream.linear.gather [spmem:s29], $0x280, $0x38;
	[tilespmem:$0xF9E8] =	vst v63  }
0x1c0: {  	_ =	swait.ge [sflag:s14], $0x280  }
0x1c1: {  	[sflag:s14] =	ssyncset.done $0x0  }
0x1c2: {  	[sflag:s14] =	ssyncadd.s32 $0xFFFFFD80  }
0x1c3: {  	v0 =	vld.idx.msk [tilespmem:v0+s20+$0x0], $0xffff;
	_ =	sdelay $0x4  }
0x1c4: {  	v0 =	vmax.f32 v0, $1.000000000e+00  }
0x1c5: {  	(erf) = vrcp.f32 v0;
	_ =	sdelay $0x1  }
0x1c6: {  	s23 =	simm.s32 $0x20  }
0x1c7: {  	v3 =	vld [tilespmem:s23+$0xFFFFFFF0]  }
0x1c8: {  	v4 =	vld [tilespmem:s23+$0xFFFFFFE0]  }
0x1c9: {  	v2 =	vld [tilespmem:s23+$0x0]  }
0x1ca: {  	v0 =	vld [tilespmem:s23+$0x10];
	_ =	sdelay $0x2  }
0x1cb: {  	v1 =	vpop (erf)  }
0x1cc: {  	s24 =	simm.s32 $0x2;
	s25 =	simm.s32 $0x8;
	v4 =	vmul.f32 v1, v4;
	v3 =	vmul.f32 v3, v1  }
.LBB2_8:
0x1cd: {  	p1 =	sne.s32 s24, $0x4F;
	v5 =	vmov s25;
	v2 =	vmul.f32 v2, v1;
	v0 =	vmul.f32 v0, v1  }
0x1ce: {  	[tilespmem:s23+$0xFFFFFFE0] =	vst v4  }
0x1cf: {  	[tilespmem:s23+$0xFFFFFFF0] =	vst v3  }
0x1d0: {  	[tilespmem:s23+$0x0] =	vst v2  }
0x1d1: {  	[tilespmem:s23+$0x10] =	vst v0  }
0x1d2: {  	v0 =	vld.idx.msk [tilespmem:v5+s20+$0x0], $0xffff;
	_ =	sdelay $0x5  }
0x1d3: {  	v0 =	vmax.f32 v0, $1.000000000e+00  }
0x1d4: {  	(erf) = vrcp.f32 v0;
	_ =	sdelay $0x1  }
0x1d5: {  	s23 =	sadd.s32 $0x40, s23  }
0x1d6: {  	v3 =	vld [tilespmem:s23+$0xFFFFFFF0]  }
0x1d7: {  	v0 =	vld [tilespmem:s23+$0x10]  }
0x1d8: {  	v4 =	vld [tilespmem:s23+$0xFFFFFFE0]  }
.Ltmp5:
0x1d9: {  	v2 =	vld [tilespmem:s23+$0x0];
	(pc) =	sbr.rel @p1 .LBB2_8-.Ltmp5, $3  }
0x1da: {  	_ =	sdelay $0x1  }
0x1db: {  	v1 =	vpop (erf)  }
0x1dc: {  	s25 =	sshll.u32 s24, $0x3;
	s24 =	sadd.s32 $0x1, s24;
	v4 =	vmul.f32 v1, v4;
	v3 =	vmul.f32 v3, v1  }
0x1dd: {  	v5 =	vmov s25  }
0x1de: {  	v2 =	vmul.f32 v2, v1;
	[tilespmem:s23+$0xFFFFFFE0] =	vst v4  }
0x1df: {  	v0 =	vmul.f32 v0, v1;
	[tilespmem:s23+$0xFFFFFFF0] =	vst v3  }
0x1e0: {  	[tilespmem:s23+$0x0] =	vst v2  }
0x1e1: {  	[tilespmem:s23+$0x10] =	vst v0  }
0x1e2: {  	v0 =	vld.idx.msk [tilespmem:v5+s20+$0x0], $0xffff;
	_ =	sdelay $0x4  }
0x1e3: {  	v0 =	vmax.f32 v0, $1.000000000e+00  }
0x1e4: {  	(erf) = vrcp.f32 v0;
	_ =	sdelay $0x3  }
0x1e5: {  	s24 =	sadd.s32 $0x40, s23  }
0x1e6: {  	v0 =	vld [tilespmem:s24+$0xFFFFFFE0]  }
0x1e7: {  	v1 =	vld [tilespmem:s24+$0xFFFFFFF0]  }
0x1e8: {  	v2 =	vld [tilespmem:s24+$0x0]  }
0x1e9: {  	v3 =	vld [tilespmem:s24+$0x10]  }
0x1ea: {  	v4 =	vpop (erf)  }
0x1eb: {  	v0 =	vmul.f32 v4, v0  }
0x1ec: {  	v1 =	vmul.f32 v1, v4  }
0x1ed: {  	v2 =	vmul.f32 v2, v4;
	[tilespmem:s24+$0xFFFFFFE0] =	vst v0  }
0x1ee: {  	v0 =	vmul.f32 v3, v4;
	[tilespmem:s24+$0xFFFFFFF0] =	vst v1  }
0x1ef: {  	[tilespmem:s24+$0x0] =	vst v2  }
0x1f0: {  	s25 =	simm.s32 $0x0;
	[tilespmem:s24+$0x10] =	vst v0;
	s24 =	rddreg [dreg:$0x9]  }
0x1f1: {  	[hbm4b:s24+s7] =	stream.strided.scatter [tilespmem:s25], [sflag:$0x6], $0x1400, s12, s7, $0x38;
	[tilespmem:$0xF9E8] =	vst v63  }
0x1f2: {  	_ =	swait.ge [sflag:s14], $0x1400  }
0x1f3: {  	[sflag:s14] =	ssyncset.done $0x0  }
0x1f4: {  	[sflag:s14] =	ssyncadd.s32 $0xFFFFEC00  }
0x1f5: {  	[tilespmem:s25], [sflag:$0x6] =	stream.linear.gather [spmem:s30], $0x1400, $0x38;
	[tilespmem:$0xF9E8] =	vst v63  }
0x1f6: {  	_ =	swait.ge [sflag:s14], $0x1400  }
0x1f7: {  	s28 =	simm.s32 $0x0;
	[sflag:s14] =	ssyncset.done $0x0  }
0x1f8: {  	v0 =	vmov s28;
	[sflag:s14] =	ssyncadd.s32 $0xFFFFEC00  }
0x1f9: {  	[tilespmem:s20], [sflag:$0x6] =	stream.linear.gather [spmem:s31], $0x280, $0x38;
	[tilespmem:$0xF9E8] =	vst v63  }
0x1fa: {  	_ =	swait.ge [sflag:s14], $0x280  }
0x1fb: {  	[sflag:s14] =	ssyncset.done $0x0  }
0x1fc: {  	[sflag:s14] =	ssyncadd.s32 $0xFFFFFD80  }
0x1fd: {  	v0 =	vld.idx.msk [tilespmem:v0+s20+$0x0], $0xffff;
	_ =	sdelay $0x4  }
0x1fe: {  	v0 =	vmax.f32 v0, $1.000000000e+00  }
0x1ff: {  	(erf) = vrcp.f32 v0;
	_ =	sdelay $0x1  }
0x200: {  	s23 =	simm.s32 $0x20  }
0x201: {  	v3 =	vld [tilespmem:s23+$0xFFFFFFF0]  }
0x202: {  	v4 =	vld [tilespmem:s23+$0xFFFFFFE0]  }
0x203: {  	v2 =	vld [tilespmem:s23+$0x0]  }
0x204: {  	v0 =	vld [tilespmem:s23+$0x10];
	_ =	sdelay $0x2  }
0x205: {  	v1 =	vpop (erf)  }
0x206: {  	s24 =	simm.s32 $0x2;
	s25 =	simm.s32 $0x8;
	v4 =	vmul.f32 v1, v4;
	v3 =	vmul.f32 v3, v1  }
.LBB2_10:
0x207: {  	p1 =	sne.s32 s24, $0x4F;
	v5 =	vmov s25;
	v2 =	vmul.f32 v2, v1;
	v0 =	vmul.f32 v0, v1  }
0x208: {  	[tilespmem:s23+$0xFFFFFFE0] =	vst v4  }
0x209: {  	[tilespmem:s23+$0xFFFFFFF0] =	vst v3  }
0x20a: {  	[tilespmem:s23+$0x0] =	vst v2  }
0x20b: {  	[tilespmem:s23+$0x10] =	vst v0  }
0x20c: {  	v0 =	vld.idx.msk [tilespmem:v5+s20+$0x0], $0xffff;
	_ =	sdelay $0x5  }
0x20d: {  	v0 =	vmax.f32 v0, $1.000000000e+00  }
0x20e: {  	(erf) = vrcp.f32 v0;
	_ =	sdelay $0x1  }
0x20f: {  	s23 =	sadd.s32 $0x40, s23  }
0x210: {  	v3 =	vld [tilespmem:s23+$0xFFFFFFF0]  }
0x211: {  	v0 =	vld [tilespmem:s23+$0x10]  }
0x212: {  	v4 =	vld [tilespmem:s23+$0xFFFFFFE0]  }
.Ltmp6:
0x213: {  	v2 =	vld [tilespmem:s23+$0x0];
	(pc) =	sbr.rel @p1 .LBB2_10-.Ltmp6, $3  }
0x214: {  	_ =	sdelay $0x1  }
0x215: {  	v1 =	vpop (erf)  }
0x216: {  	s25 =	sshll.u32 s24, $0x3;
	s24 =	sadd.s32 $0x1, s24;
	v4 =	vmul.f32 v1, v4;
	v3 =	vmul.f32 v3, v1  }
0x217: {  	v5 =	vmov s25  }
0x218: {  	v2 =	vmul.f32 v2, v1;
	[tilespmem:s23+$0xFFFFFFE0] =	vst v4  }
0x219: {  	v0 =	vmul.f32 v0, v1;
	[tilespmem:s23+$0xFFFFFFF0] =	vst v3  }
0x21a: {  	[tilespmem:s23+$0x0] =	vst v2  }
0x21b: {  	[tilespmem:s23+$0x10] =	vst v0  }
0x21c: {  	v0 =	vld.idx.msk [tilespmem:v5+s20+$0x0], $0xffff;
	_ =	sdelay $0x4  }
0x21d: {  	v0 =	vmax.f32 v0, $1.000000000e+00  }
0x21e: {  	(erf) = vrcp.f32 v0;
	_ =	sdelay $0x3  }
0x21f: {  	s24 =	sadd.s32 $0x40, s23  }
0x220: {  	v0 =	vld [tilespmem:s24+$0xFFFFFFE0]  }
0x221: {  	v1 =	vld [tilespmem:s24+$0xFFFFFFF0]  }
0x222: {  	v2 =	vld [tilespmem:s24+$0x0]  }
0x223: {  	v3 =	vld [tilespmem:s24+$0x10]  }
0x224: {  	v4 =	vpop (erf)  }
0x225: {  	v0 =	vmul.f32 v4, v0  }
0x226: {  	v1 =	vmul.f32 v1, v4  }
0x227: {  	v2 =	vmul.f32 v2, v4;
	[tilespmem:s24+$0xFFFFFFE0] =	vst v0  }
0x228: {  	v0 =	vmul.f32 v3, v4;
	[tilespmem:s24+$0xFFFFFFF0] =	vst v1  }
0x229: {  	[tilespmem:s24+$0x0] =	vst v2  }
0x22a: {  	s25 =	simm.s32 $0x0;
	[tilespmem:s24+$0x10] =	vst v0;
	s24 =	rddreg [dreg:$0xa]  }
0x22b: {  	[hbm4b:s24+s7] =	stream.strided.scatter [tilespmem:s25], [sflag:$0x6], $0x1400, s12, s7, $0x38;
	[tilespmem:$0xF9E8] =	vst v63  }
0x22c: {  	_ =	swait.ge [sflag:s14], $0x1400  }
0x22d: {  	[sflag:s14] =	ssyncset.done $0x0  }
0x22e: {  	[sflag:s14] =	ssyncadd.s32 $0xFFFFEC00  }
0x22f: {  	[tilespmem:s25], [sflag:$0x6] =	stream.linear.gather [spmem:s15], $0x1400, $0x38;
	[tilespmem:$0xF9E8] =	vst v63  }
0x230: {  	_ =	swait.ge [sflag:s14], $0x1400  }
0x231: {  	s28 =	simm.s32 $0x0;
	[sflag:s14] =	ssyncset.done $0x0  }
0x232: {  	v0 =	vmov s28;
	[sflag:s14] =	ssyncadd.s32 $0xFFFFEC00  }
0x233: {  	[tilespmem:s20], [sflag:$0x6] =	stream.linear.gather [spmem:s0], $0x280, $0x38;
	[tilespmem:$0xF9E8] =	vst v63  }
0x234: {  	_ =	swait.ge [sflag:s14], $0x280  }
0x235: {  	[sflag:s14] =	ssyncset.done $0x0  }
0x236: {  	[sflag:s14] =	ssyncadd.s32 $0xFFFFFD80  }
0x237: {  	v0 =	vld.idx.msk [tilespmem:v0+s20+$0x0], $0xffff;
	_ =	sdelay $0x4  }
0x238: {  	v0 =	vmax.f32 v0, $1.000000000e+00  }
0x239: {  	(erf) = vrcp.f32 v0;
	_ =	sdelay $0x1  }
0x23a: {  	s23 =	simm.s32 $0x20  }
0x23b: {  	v3 =	vld [tilespmem:s23+$0xFFFFFFF0]  }
0x23c: {  	v4 =	vld [tilespmem:s23+$0xFFFFFFE0]  }
0x23d: {  	v2 =	vld [tilespmem:s23+$0x0]  }
0x23e: {  	v0 =	vld [tilespmem:s23+$0x10];
	_ =	sdelay $0x2  }
0x23f: {  	v1 =	vpop (erf)  }
0x240: {  	s24 =	simm.s32 $0x2;
	s25 =	simm.s32 $0x8;
	v4 =	vmul.f32 v1, v4;
	v3 =	vmul.f32 v3, v1  }
.LBB2_12:
0x241: {  	p1 =	sne.s32 s24, $0x4F;
	v5 =	vmov s25;
	v2 =	vmul.f32 v2, v1;
	v0 =	vmul.f32 v0, v1  }
0x242: {  	[tilespmem:s23+$0xFFFFFFE0] =	vst v4  }
0x243: {  	[tilespmem:s23+$0xFFFFFFF0] =	vst v3  }
0x244: {  	[tilespmem:s23+$0x0] =	vst v2  }
0x245: {  	[tilespmem:s23+$0x10] =	vst v0  }
0x246: {  	v0 =	vld.idx.msk [tilespmem:v5+s20+$0x0], $0xffff;
	_ =	sdelay $0x5  }
0x247: {  	v0 =	vmax.f32 v0, $1.000000000e+00  }
0x248: {  	(erf) = vrcp.f32 v0;
	_ =	sdelay $0x1  }
0x249: {  	s23 =	sadd.s32 $0x40, s23  }
0x24a: {  	v3 =	vld [tilespmem:s23+$0xFFFFFFF0]  }
0x24b: {  	v0 =	vld [tilespmem:s23+$0x10]  }
0x24c: {  	v4 =	vld [tilespmem:s23+$0xFFFFFFE0]  }
.Ltmp7:
0x24d: {  	v2 =	vld [tilespmem:s23+$0x0];
	(pc) =	sbr.rel @p1 .LBB2_12-.Ltmp7, $3  }
0x24e: {  	_ =	sdelay $0x1  }
0x24f: {  	v1 =	vpop (erf)  }
0x250: {  	s25 =	sshll.u32 s24, $0x3;
	s24 =	sadd.s32 $0x1, s24;
	v4 =	vmul.f32 v1, v4;
	v3 =	vmul.f32 v3, v1  }
0x251: {  	v5 =	vmov s25  }
0x252: {  	v2 =	vmul.f32 v2, v1;
	[tilespmem:s23+$0xFFFFFFE0] =	vst v4  }
0x253: {  	v0 =	vmul.f32 v0, v1;
	[tilespmem:s23+$0xFFFFFFF0] =	vst v3  }
0x254: {  	[tilespmem:s23+$0x0] =	vst v2  }
0x255: {  	[tilespmem:s23+$0x10] =	vst v0  }
0x256: {  	v0 =	vld.idx.msk [tilespmem:v5+s20+$0x0], $0xffff;
	_ =	sdelay $0x4  }
0x257: {  	v0 =	vmax.f32 v0, $1.000000000e+00  }
0x258: {  	(erf) = vrcp.f32 v0;
	_ =	sdelay $0x3  }
0x259: {  	s25 =	sadd.s32 $0x40, s23  }
0x25a: {  	v60 =	vld [tilespmem:s25+$0xFFFFFFE0]  }
0x25b: {  	v61 =	vld [tilespmem:s25+$0xFFFFFFF0]  }
0x25c: {  	v2 =	vld [tilespmem:s25+$0x0]  }
0x25d: {  	v3 =	vld [tilespmem:s25+$0x10]  }
0x25e: {  	v62 =	vpop (erf)  }
0x25f: {  	v0 =	vmul.f32 v62, v60  }
0x260: {  	v1 =	vmul.f32 v61, v62  }
0x261: {  	v2 =	vmul.f32 v2, v62;
	[tilespmem:s25+$0xFFFFFFE0] =	vst v0  }
0x262: {  	v63 =	vmul.f32 v3, v62;
	[tilespmem:s25+$0xFFFFFFF0] =	vst v1  }
0x263: {  	[tilespmem:s25+$0x0] =	vst v2  }
.Ltmp8:
0x264: {  	s28 =	rddreg [dreg:$0xb];
	[tilespmem:s25+$0x10] =	vst v63;
	(pc) =	sbr.rel @p0 .LBB2_21-.Ltmp8, $4  }
0x265: {  	[hbm4b:s28+s7] =	stream.strided.scatter [tilespmem:s1], [sflag:$0x6], $0x1400, s12, s7, $0x38;
	[tilespmem:$0xF9E8] =	vst v63  }
0x266: {  	_ =	swait.ge [sflag:s14], $0x1400  }
0x267: {  	[sflag:s14] =	ssyncset.done $0x0  }
0x268: {  	[sflag:s14] =	ssyncadd.s32 $0xFFFFEC00  }
0x269: {  	s23 =	simm.s32 $0x0;
	s24 =	rddreg [dreg:$0x1a]  }
0x26a: {  	[tilespmem:s23], [sflag:$0x6] =	stream.linear.gather [spmem:s24], $0x1400, $0x38;
	[tilespmem:$0xF9E8] =	vst v63  }
0x26b: {  	_ =	swait.ge [sflag:s14], $0x1400  }
0x26c: {  	s25 =	simm.s32 $0x0;
	[sflag:s14] =	ssyncset.done $0x0  }
0x26d: {  	v0 =	vmov s25;
	s28 =	rddreg [dreg:$0x1b];
	[sflag:s14] =	ssyncadd.s32 $0xFFFFEC00  }
0x26e: {  	[tilespmem:s20], [sflag:$0x6] =	stream.linear.gather [spmem:s28], $0x280, $0x38;
	[tilespmem:$0xF9E8] =	vst v63  }
0x26f: {  	_ =	swait.ge [sflag:s14], $0x280  }
0x270: {  	[sflag:s14] =	ssyncset.done $0x0  }
0x271: {  	[sflag:s14] =	ssyncadd.s32 $0xFFFFFD80  }
0x272: {  	v0 =	vld.idx.msk [tilespmem:v0+s20+$0x0], $0xffff;
	_ =	sdelay $0x4  }
0x273: {  	v0 =	vmax.f32 v0, $1.000000000e+00  }
0x274: {  	(erf) = vrcp.f32 v0;
	_ =	sdelay $0x1  }
0x275: {  	s23 =	simm.s32 $0x20  }
0x276: {  	v3 =	vld [tilespmem:s23+$0xFFFFFFF0]  }
0x277: {  	v4 =	vld [tilespmem:s23+$0xFFFFFFE0]  }
0x278: {  	v2 =	vld [tilespmem:s23+$0x0]  }
0x279: {  	v0 =	vld [tilespmem:s23+$0x10];
	_ =	sdelay $0x2  }
0x27a: {  	v1 =	vpop (erf)  }
0x27b: {  	s25 =	simm.s32 $0x8;
	s24 =	simm.s32 $0x2;
	v4 =	vmul.f32 v1, v4;
	v3 =	vmul.f32 v3, v1  }
.LBB2_15:
0x27c: {  	p1 =	sne.s32 s24, $0x4F;
	v5 =	vmov s25;
	v2 =	vmul.f32 v2, v1;
	v0 =	vmul.f32 v0, v1  }
0x27d: {  	[tilespmem:s23+$0xFFFFFFE0] =	vst v4  }
0x27e: {  	[tilespmem:s23+$0xFFFFFFF0] =	vst v3  }
0x27f: {  	[tilespmem:s23+$0x0] =	vst v2  }
0x280: {  	[tilespmem:s23+$0x10] =	vst v0  }
0x281: {  	v0 =	vld.idx.msk [tilespmem:v5+s20+$0x0], $0xffff;
	_ =	sdelay $0x5  }
0x282: {  	v0 =	vmax.f32 v0, $1.000000000e+00  }
0x283: {  	(erf) = vrcp.f32 v0;
	_ =	sdelay $0x1  }
0x284: {  	s23 =	sadd.s32 $0x40, s23  }
0x285: {  	v3 =	vld [tilespmem:s23+$0xFFFFFFF0]  }
0x286: {  	v0 =	vld [tilespmem:s23+$0x10]  }
0x287: {  	v4 =	vld [tilespmem:s23+$0xFFFFFFE0]  }
.Ltmp9:
0x288: {  	v2 =	vld [tilespmem:s23+$0x0];
	(pc) =	sbr.rel @p1 .LBB2_15-.Ltmp9, $3  }
0x289: {  	_ =	sdelay $0x1  }
0x28a: {  	v1 =	vpop (erf)  }
0x28b: {  	s25 =	sshll.u32 s24, $0x3;
	s24 =	sadd.s32 $0x1, s24;
	v4 =	vmul.f32 v1, v4;
	v3 =	vmul.f32 v3, v1  }
0x28c: {  	v5 =	vmov s25  }
0x28d: {  	v2 =	vmul.f32 v2, v1;
	[tilespmem:s23+$0xFFFFFFE0] =	vst v4  }
0x28e: {  	v0 =	vmul.f32 v0, v1;
	[tilespmem:s23+$0xFFFFFFF0] =	vst v3  }
0x28f: {  	[tilespmem:s23+$0x0] =	vst v2  }
0x290: {  	[tilespmem:s23+$0x10] =	vst v0  }
0x291: {  	v0 =	vld.idx.msk [tilespmem:v5+s20+$0x0], $0xffff;
	_ =	sdelay $0x4  }
0x292: {  	v0 =	vmax.f32 v0, $1.000000000e+00  }
0x293: {  	(erf) = vrcp.f32 v0;
	_ =	sdelay $0x3  }
0x294: {  	s24 =	sadd.s32 $0x40, s23  }
0x295: {  	v0 =	vld [tilespmem:s24+$0xFFFFFFE0]  }
0x296: {  	v1 =	vld [tilespmem:s24+$0xFFFFFFF0]  }
0x297: {  	v2 =	vld [tilespmem:s24+$0x0]  }
0x298: {  	v3 =	vld [tilespmem:s24+$0x10]  }
0x299: {  	v4 =	vpop (erf)  }
0x29a: {  	v0 =	vmul.f32 v4, v0  }
0x29b: {  	v1 =	vmul.f32 v1, v4  }
0x29c: {  	v2 =	vmul.f32 v2, v4;
	[tilespmem:s24+$0xFFFFFFE0] =	vst v0  }
0x29d: {  	v0 =	vmul.f32 v3, v4;
	[tilespmem:s24+$0xFFFFFFF0] =	vst v1  }
0x29e: {  	[tilespmem:s24+$0x0] =	vst v2  }
0x29f: {  	s25 =	simm.s32 $0x0;
	[tilespmem:s24+$0x10] =	vst v0;
	s24 =	rddreg [dreg:$0xc]  }
0x2a0: {  	[hbm4b:s24+s7] =	stream.strided.scatter [tilespmem:s25], [sflag:$0x6], $0x1400, s12, s7, $0x38;
	[tilespmem:$0xF9E8] =	vst v63  }
0x2a1: {  	_ =	swait.ge [sflag:s14], $0x1400  }
0x2a2: {  	[sflag:s14] =	ssyncset.done $0x0  }
0x2a3: {  	s28 =	rddreg [dreg:$0x1c];
	[sflag:s14] =	ssyncadd.s32 $0xFFFFEC00  }
0x2a4: {  	[tilespmem:s25], [sflag:$0x6] =	stream.linear.gather [spmem:s28], $0x1400, $0x38;
	[tilespmem:$0xF9E8] =	vst v63  }
0x2a5: {  	_ =	swait.ge [sflag:s14], $0x1400  }
0x2a6: {  	s25 =	simm.s32 $0x0;
	[sflag:s14] =	ssyncset.done $0x0  }
0x2a7: {  	v0 =	vmov s25;
	s28 =	rddreg [dreg:$0x1d];
	[sflag:s14] =	ssyncadd.s32 $0xFFFFEC00  }
0x2a8: {  	[tilespmem:s20], [sflag:$0x6] =	stream.linear.gather [spmem:s28], $0x280, $0x38;
	[tilespmem:$0xF9E8] =	vst v63  }
0x2a9: {  	_ =	swait.ge [sflag:s14], $0x280  }
0x2aa: {  	[sflag:s14] =	ssyncset.done $0x0  }
0x2ab: {  	[sflag:s14] =	ssyncadd.s32 $0xFFFFFD80  }
0x2ac: {  	v0 =	vld.idx.msk [tilespmem:v0+s20+$0x0], $0xffff;
	_ =	sdelay $0x4  }
0x2ad: {  	v0 =	vmax.f32 v0, $1.000000000e+00  }
0x2ae: {  	(erf) = vrcp.f32 v0;
	_ =	sdelay $0x1  }
0x2af: {  	s23 =	simm.s32 $0x20  }
0x2b0: {  	v3 =	vld [tilespmem:s23+$0xFFFFFFF0]  }
0x2b1: {  	v4 =	vld [tilespmem:s23+$0xFFFFFFE0]  }
0x2b2: {  	v2 =	vld [tilespmem:s23+$0x0]  }
0x2b3: {  	v0 =	vld [tilespmem:s23+$0x10];
	_ =	sdelay $0x2  }
0x2b4: {  	v1 =	vpop (erf)  }
0x2b5: {  	s24 =	simm.s32 $0x2;
	s25 =	simm.s32 $0x8;
	v4 =	vmul.f32 v1, v4;
	v3 =	vmul.f32 v3, v1  }
.LBB2_17:
0x2b6: {  	p1 =	sne.s32 s24, $0x4F;
	v5 =	vmov s25;
	v2 =	vmul.f32 v2, v1;
	v0 =	vmul.f32 v0, v1  }
0x2b7: {  	[tilespmem:s23+$0xFFFFFFE0] =	vst v4  }
0x2b8: {  	[tilespmem:s23+$0xFFFFFFF0] =	vst v3  }
0x2b9: {  	[tilespmem:s23+$0x0] =	vst v2  }
0x2ba: {  	[tilespmem:s23+$0x10] =	vst v0  }
0x2bb: {  	v0 =	vld.idx.msk [tilespmem:v5+s20+$0x0], $0xffff;
	_ =	sdelay $0x5  }
0x2bc: {  	v0 =	vmax.f32 v0, $1.000000000e+00  }
0x2bd: {  	(erf) = vrcp.f32 v0;
	_ =	sdelay $0x1  }
0x2be: {  	s23 =	sadd.s32 $0x40, s23  }
0x2bf: {  	v3 =	vld [tilespmem:s23+$0xFFFFFFF0]  }
0x2c0: {  	v0 =	vld [tilespmem:s23+$0x10]  }
0x2c1: {  	v4 =	vld [tilespmem:s23+$0xFFFFFFE0]  }
.Ltmp10:
0x2c2: {  	v2 =	vld [tilespmem:s23+$0x0];
	(pc) =	sbr.rel @p1 .LBB2_17-.Ltmp10, $3  }
0x2c3: {  	_ =	sdelay $0x1  }
0x2c4: {  	v1 =	vpop (erf)  }
0x2c5: {  	s25 =	sshll.u32 s24, $0x3;
	s24 =	sadd.s32 $0x1, s24;
	v4 =	vmul.f32 v1, v4;
	v3 =	vmul.f32 v3, v1  }
0x2c6: {  	v5 =	vmov s25  }
0x2c7: {  	v2 =	vmul.f32 v2, v1;
	[tilespmem:s23+$0xFFFFFFE0] =	vst v4  }
0x2c8: {  	v0 =	vmul.f32 v0, v1;
	[tilespmem:s23+$0xFFFFFFF0] =	vst v3  }
0x2c9: {  	[tilespmem:s23+$0x0] =	vst v2  }
0x2ca: {  	[tilespmem:s23+$0x10] =	vst v0  }
0x2cb: {  	v0 =	vld.idx.msk [tilespmem:v5+s20+$0x0], $0xffff;
	_ =	sdelay $0x4  }
0x2cc: {  	v0 =	vmax.f32 v0, $1.000000000e+00  }
0x2cd: {  	(erf) = vrcp.f32 v0;
	_ =	sdelay $0x3  }
0x2ce: {  	s24 =	sadd.s32 $0x40, s23  }
0x2cf: {  	v0 =	vld [tilespmem:s24+$0xFFFFFFE0]  }
0x2d0: {  	v1 =	vld [tilespmem:s24+$0xFFFFFFF0]  }
0x2d1: {  	v2 =	vld [tilespmem:s24+$0x0]  }
0x2d2: {  	v3 =	vld [tilespmem:s24+$0x10]  }
0x2d3: {  	v4 =	vpop (erf)  }
0x2d4: {  	v0 =	vmul.f32 v4, v0  }
0x2d5: {  	v1 =	vmul.f32 v1, v4  }
0x2d6: {  	v2 =	vmul.f32 v2, v4;
	[tilespmem:s24+$0xFFFFFFE0] =	vst v0  }
0x2d7: {  	v0 =	vmul.f32 v3, v4;
	[tilespmem:s24+$0xFFFFFFF0] =	vst v1  }
0x2d8: {  	[tilespmem:s24+$0x0] =	vst v2  }
0x2d9: {  	s25 =	simm.s32 $0x0;
	[tilespmem:s24+$0x10] =	vst v0;
	s24 =	rddreg [dreg:$0xd]  }
0x2da: {  	[hbm4b:s24+s7] =	stream.strided.scatter [tilespmem:s25], [sflag:$0x6], $0x1400, s12, s7, $0x38;
	[tilespmem:$0xF9E8] =	vst v63  }
0x2db: {  	_ =	swait.ge [sflag:s14], $0x1400  }
0x2dc: {  	[sflag:s14] =	ssyncset.done $0x0  }
0x2dd: {  	s28 =	rddreg [dreg:$0x1e];
	[sflag:s14] =	ssyncadd.s32 $0xFFFFEC00  }
0x2de: {  	[tilespmem:s25], [sflag:$0x6] =	stream.linear.gather [spmem:s28], $0x1400, $0x38;
	[tilespmem:$0xF9E8] =	vst v63  }
0x2df: {  	_ =	swait.ge [sflag:s14], $0x1400  }
0x2e0: {  	s25 =	simm.s32 $0x0;
	[sflag:s14] =	ssyncset.done $0x0  }
0x2e1: {  	v0 =	vmov s25;
	s28 =	rddreg [dreg:$0x1f];
	[sflag:s14] =	ssyncadd.s32 $0xFFFFEC00  }
0x2e2: {  	[tilespmem:s20], [sflag:$0x6] =	stream.linear.gather [spmem:s28], $0x280, $0x38;
	[tilespmem:$0xF9E8] =	vst v63  }
0x2e3: {  	_ =	swait.ge [sflag:s14], $0x280  }
0x2e4: {  	[sflag:s14] =	ssyncset.done $0x0  }
0x2e5: {  	[sflag:s14] =	ssyncadd.s32 $0xFFFFFD80  }
0x2e6: {  	v0 =	vld.idx.msk [tilespmem:v0+s20+$0x0], $0xffff;
	_ =	sdelay $0x4  }
0x2e7: {  	v0 =	vmax.f32 v0, $1.000000000e+00  }
0x2e8: {  	(erf) = vrcp.f32 v0;
	_ =	sdelay $0x1  }
0x2e9: {  	s23 =	simm.s32 $0x20  }
0x2ea: {  	v3 =	vld [tilespmem:s23+$0xFFFFFFF0]  }
0x2eb: {  	v4 =	vld [tilespmem:s23+$0xFFFFFFE0]  }
0x2ec: {  	v2 =	vld [tilespmem:s23+$0x0]  }
0x2ed: {  	v0 =	vld [tilespmem:s23+$0x10];
	_ =	sdelay $0x2  }
0x2ee: {  	v1 =	vpop (erf)  }
0x2ef: {  	s24 =	simm.s32 $0x2;
	s25 =	simm.s32 $0x8;
	v4 =	vmul.f32 v1, v4;
	v3 =	vmul.f32 v3, v1  }
.LBB2_19:
0x2f0: {  	p1 =	sne.s32 s24, $0x4F;
	v5 =	vmov s25;
	v2 =	vmul.f32 v2, v1;
	v0 =	vmul.f32 v0, v1  }
0x2f1: {  	[tilespmem:s23+$0xFFFFFFE0] =	vst v4  }
0x2f2: {  	[tilespmem:s23+$0xFFFFFFF0] =	vst v3  }
0x2f3: {  	[tilespmem:s23+$0x0] =	vst v2  }
0x2f4: {  	[tilespmem:s23+$0x10] =	vst v0  }
0x2f5: {  	v0 =	vld.idx.msk [tilespmem:v5+s20+$0x0], $0xffff;
	_ =	sdelay $0x5  }
0x2f6: {  	v0 =	vmax.f32 v0, $1.000000000e+00  }
0x2f7: {  	(erf) = vrcp.f32 v0;
	_ =	sdelay $0x1  }
0x2f8: {  	s23 =	sadd.s32 $0x40, s23  }
0x2f9: {  	v3 =	vld [tilespmem:s23+$0xFFFFFFF0]  }
0x2fa: {  	v0 =	vld [tilespmem:s23+$0x10]  }
0x2fb: {  	v4 =	vld [tilespmem:s23+$0xFFFFFFE0]  }
.Ltmp11:
0x2fc: {  	v2 =	vld [tilespmem:s23+$0x0];
	(pc) =	sbr.rel @p1 .LBB2_19-.Ltmp11, $3  }
0x2fd: {  	_ =	sdelay $0x1  }
0x2fe: {  	v1 =	vpop (erf)  }
0x2ff: {  	s25 =	sshll.u32 s24, $0x3;
	s24 =	sadd.s32 $0x1, s24;
	v4 =	vmul.f32 v1, v4;
	v3 =	vmul.f32 v3, v1  }
.Ltmp12:
0x300: {  	_ = 	snop;
	(pc) =	sbr.rel .LBB2_20-.Ltmp12, $1  }
0x301: {  	_ =	sdelay $0x3  }
.LBB2_22:
0x302: {  	_ =	sfence.sel $0x180000  }
0x303: {  	[bflag:$0x0] =	sbarrier.arrive $0xFFFF  }
0x304: {  	_ =	strace $0x90000047  }
0x305: {  	s0 =	stileid.u32;
	[bflag:$0x2] =	sbarrier.arrive $0xFFFF  }
0x306: {  	p0 =	sne.s32 s0, $0x0;
	s0 =	rddreg [dreg:$0x5]  }
0x307: {  	s0 =	sadd.s32 @!p0 $0x100000, s0  }
0x308: {  	[sflag:s0] =	ssyncadd.tile.s32 @!p0 $0x1;
	_ =	shalt  }
.Lfunc_end2:
_tile_overlayer_lowered:
.L_overlay_start_2:
0x309: {  	(tag) =	ssettag $0x2  }
0x30a: {  	s0 =	rddreg [dreg:$0x0];
	s2 =	stileid.u32  }
0x30b: {  	s1 =	rddreg [dreg:$0x1];
	p0 =	sne.s32 s2, $0x0  }
0x30c: {  	s3 =	rddreg [dreg:$0x2];
	[bflag:$0x3] =	sbarrier.arrive $0xFFFF;
	s2 =	simm.s32 @!p0 $0x1C06  }
0x30d: {  	[timem:s3], [sflag:s2] =	dma.local @!p0 [hbm:s0], s1  }
0x30e: {  	s0 =	simm.s32 @!p0 $0x6  }
0x30f: {  	_ =	swait.ge @!p0 [sflag:s0], s1  }
0x310: {  	s1 =	ssub.s32 @!p0 $0x0, s1;
	[sflag:s0] =	ssyncset.done @!p0 $0x0  }
0x311: {  	[sflag:s0] =	ssyncadd.s32 @!p0 s1  }
0x312: {  	[bflag:$0x3] =	sbarrier.arrive $0xFFFF  }
0x313: {  	_ =	shalt  }

</sc_bundles>
